<compile_context>
chip_gen: v7x
topology: tpu7x:2x2x1
jax: 0.10.2.dev20260603
libtpu: 0.0.44.dev20260713+nightly
codegen_flags: <defaults>
</compile_context>

<pallas_src>
import functools

import jax
import jax.numpy as jnp
from jax import lax
from jax.experimental import pallas as pl
from jax.experimental.pallas import tpu as pltpu
from jax.experimental.pallas import tpu_sc as plsc

_L = 16
_RING = 8
_W = 128


def _mf_kernel(users_hbm, items_hbm, ut_hbm, vt_hbm, utail_hbm, vtail_hbm,
               uet_hbm, iet_hbm, r_hbm,
               uidx_v, iidx_v, warr_v, utail_v, vtail_v,
               outu_v, outv_v, r_v, bufs_and_sems,
               *, bpw, dim, num_cores, nu, nv):
    wid = lax.axis_index("s") * num_cores + lax.axis_index("c")
    base = wid * bpw
    bufs = bufs_and_sems[:_RING]
    sems = bufs_and_sems[_RING:]

    iota = lax.iota(jnp.int32, _L)

    pltpu.sync_copy(users_hbm.at[pl.ds(base, bpw)], uidx_v)
    pltpu.sync_copy(items_hbm.at[pl.ds(base, bpw)], iidx_v)
    pltpu.sync_copy(utail_hbm, utail_v)
    pltpu.sync_copy(vtail_hbm, vtail_v)

    def run_table(tab_hbm, idx_v, tail_v, out_v, tail0, is_v):
        nchunk = bpw // _L

        def wprep(k, carry):
            v = idx_v[pl.ds(k * _L, _L)]
            w = (v >> 7) << 7
            w = jnp.where(v >= tail0, 0, w)
            warr_v[pl.ds(k * _L, _L)] = w
            return carry
        lax.fori_loop(0, nchunk, wprep, 0)
        warr_v[pl.ds(bpw, _L)] = jnp.zeros((_L,), jnp.int32)

        def issue(row_w, slot):
            pltpu.async_copy(
                tab_hbm.at[:, pl.ds(pl.multiple_of(row_w, _W), _W)],
                bufs[slot], sems[slot])

        w0 = warr_v[pl.ds(0, _L)]
        for l in range(_RING):
            issue(w0[l], l)

        def chunk(jj, carry):
            rvec = idx_v[pl.ds(jj * _L, _L)]
            wnext = warr_v[pl.ds(jj * _L + _RING, _L)]
            racc = r_v[pl.ds(jj * _L, _L)]
            for l in range(_L):
                i = jj * _L + l
                slot = l % _RING
                r = rvec[l]
                pltpu.make_async_copy(
                    tab_hbm.at[:, pl.ds(0, _W)], bufs[slot],
                    sems[slot]).wait()
                j = jnp.where(r >= tail0, r - tail0, r & (_W - 1))
                col = jnp.full((_L,), j, jnp.int32)
                g0 = plsc.load_gather(bufs[slot], [iota, col])
                g1 = plsc.load_gather(bufs[slot], [iota + _L, col])
                t0 = plsc.load_gather(tail_v, [iota, col])
                t1 = plsc.load_gather(tail_v, [iota + _L, col])
                tl = r >= tail0
                e0 = jnp.where(tl, t0, g0)
                e1 = jnp.where(tl, t1, g1)
                coli = jnp.full((_L,), i, jnp.int32)
                plsc.store_scatter(out_v, [iota, coli], e0)
                plsc.store_scatter(out_v, [iota + _L, coli], e1)
                if is_v:
                    u0 = plsc.load_gather(outu_v, [iota, coli])
                    u1 = plsc.load_gather(outu_v, [iota + _L, coli])
                    s = jnp.sum(u0 * e0 + u1 * e1)
                    racc = jnp.where(iota == l, s, racc)
                @pl.when(i + _RING < bpw)
                def _():
                    issue(wnext[l], slot)
            if is_v:
                r_v[pl.ds(jj * _L, _L)] = racc
            return carry
        lax.fori_loop(0, nchunk, chunk, 0)

    run_table(ut_hbm, uidx_v, utail_v, outu_v, nu, False)
    run_table(vt_hbm, iidx_v, vtail_v, outv_v, nv, True)

    pltpu.sync_copy(outu_v, uet_hbm.at[:, pl.ds(base, bpw)])
    pltpu.sync_copy(outv_v, iet_hbm.at[:, pl.ds(base, bpw)])
    pltpu.sync_copy(r_v, r_hbm.at[pl.ds(base, bpw)])


def kernel(users, items, U, V):
    batch = users.shape[0]
    dim = U.shape[1]
    nrow_u = U.shape[0]
    nrow_v = V.shape[0]
    users = users.astype(jnp.int32)
    items = items.astype(jnp.int32)

    ut = U.T
    vt = V.T
    nu = (nrow_u // _W) * _W
    nv = (nrow_v // _W) * _W
    utail = jnp.zeros((dim, _W), jnp.float32).at[:, :nrow_u - nu].set(
        U[nu:].T)
    vtail = jnp.zeros((dim, _W), jnp.float32).at[:, :nrow_v - nv].set(
        V[nv:].T)

    info = plsc.get_sparse_core_info()
    num_workers = info.num_cores * info.num_subcores
    bpw = batch // num_workers

    mesh = plsc.VectorSubcoreMesh(core_axis_name="c", subcore_axis_name="s")

    scratch = [
        pltpu.VMEM((bpw,), jnp.int32),
        pltpu.VMEM((bpw,), jnp.int32),
        pltpu.VMEM((bpw + 2 * _RING,), jnp.int32),
        pltpu.VMEM((dim, _W), jnp.float32),
        pltpu.VMEM((dim, _W), jnp.float32),
        pltpu.VMEM((dim, bpw), jnp.float32),
        pltpu.VMEM((dim, bpw), jnp.float32),
        pltpu.VMEM((bpw,), jnp.float32),
    ]
    scratch += [pltpu.VMEM((dim, _W), jnp.float32) for _ in range(_RING)]
    scratch += [pltpu.SemaphoreType.DMA for _ in range(_RING)]

    def body(users_h, items_h, ut_h, vt_h, utail_h, vtail_h,
             uet_h, iet_h, r_h, uidx, iidx, warr, utl, vtl,
             outu, outv, rr, *ring):
        _mf_kernel(users_h, items_h, ut_h, vt_h, utail_h, vtail_h,
                   uet_h, iet_h, r_h, uidx, iidx, warr, utl, vtl,
                   outu, outv, rr, list(ring),
                   bpw=bpw, dim=dim, num_cores=info.num_cores,
                   nu=nu, nv=nv)

    mf = pl.kernel(
        body,
        out_type=(
            jax.ShapeDtypeStruct((dim, batch), jnp.float32),
            jax.ShapeDtypeStruct((dim, batch), jnp.float32),
            jax.ShapeDtypeStruct((batch,), jnp.float32),
        ),
        mesh=mesh,
        compiler_params=pltpu.CompilerParams(needs_layout_passes=False,
                                             use_tc_tiling_on_sc=True),
        scratch_types=scratch,
    )

    uet, iet, r_hats = mf(users, items, ut, vt, utail, vtail)
    return (uet.T, iet.T, r_hats)

# --- scband reference (transcript-rebuilt; emitter-appended) ---
"""Pipeline reference for scband-abstract-mf-26620207301016 (READ-ONLY COPY).

The authoritative reference and input builder live on the scoring server;
editing this copy changes nothing except your own understanding.
"""

import jax, jax.numpy as jnp
import numpy as np

NUM_USERS = 1000000
NUM_ITEMS = 100000
DIM = 32
BATCH = 16384


def setup_inputs(seed: int = 0) -> dict:
    key = jax.random.key(seed)
    k1, k2, k3, k4 = jax.random.split(key, 4)
    U = jax.random.normal(k1, (NUM_USERS, DIM), dtype=jnp.float32) * 0.01
    V = jax.random.normal(k2, (NUM_ITEMS, DIM), dtype=jnp.float32) * 0.01
    users = jax.random.randint(k3, (BATCH,), 0, NUM_USERS, dtype=jnp.int64 if jax.config.jax_enable_x64 else jnp.int32)
    items = jax.random.randint(k4, (BATCH,), 0, NUM_ITEMS, dtype=jnp.int64 if jax.config.jax_enable_x64 else jnp.int32)
    return {"users": users, "items": items, "U": U, "V": V}


def reference(users, items, U, V):
    # PointwiseMF.call: embedding lookups + pointwise dot product
    u_embed = jnp.take(U, users, axis=0)
    i_embed = jnp.take(V, items, axis=0)
    r_hats = jnp.sum(u_embed * i_embed, axis=1)
    return (u_embed, i_embed, r_hats)

if __name__ == "__main__":
    import jax
    _d = setup_inputs()
    print(jax.jit(kernel)(*tuple(_d.values())))

</pallas_src>

<mosaic_0001>
#map = affine_map<(d0, d1) -> (0)>
#map1 = affine_map<(d0, d1) -> (0, 0)>
module attributes {stable_mosaic.version = 14 : i64} {
  func.func @body(%arg0: i32, %arg1: i32, %arg2: memref<16384xi32, #tpu.memory_space<hbm>>, %arg3: memref<16384xi32, #tpu.memory_space<hbm>>, %arg4: memref<32x1000000xf32, #tpu.memory_space<hbm>>, %arg5: memref<32x100000xf32, #tpu.memory_space<hbm>>, %arg6: memref<32x128xf32, #tpu.memory_space<hbm>>, %arg7: memref<32x128xf32, #tpu.memory_space<hbm>>, %arg8: memref<32x16384xf32, #tpu.memory_space<hbm>>, %arg9: memref<32x16384xf32, #tpu.memory_space<hbm>>, %arg10: memref<16384xf32, #tpu.memory_space<hbm>>, %arg11: memref<512xi32, #tpu.memory_space<vmem>>, %arg12: memref<512xi32, #tpu.memory_space<vmem>>, %arg13: memref<528xi32, #tpu.memory_space<vmem>>, %arg14: memref<32x128xf32, #tpu.memory_space<vmem>>, %arg15: memref<32x128xf32, #tpu.memory_space<vmem>>, %arg16: memref<32x512xf32, #tpu.memory_space<vmem>>, %arg17: memref<32x512xf32, #tpu.memory_space<vmem>>, %arg18: memref<512xf32, #tpu.memory_space<vmem>>, %arg19: memref<32x128xf32, #tpu.memory_space<vmem>>, %arg20: memref<32x128xf32, #tpu.memory_space<vmem>>, %arg21: memref<32x128xf32, #tpu.memory_space<vmem>>, %arg22: memref<32x128xf32, #tpu.memory_space<vmem>>, %arg23: memref<32x128xf32, #tpu.memory_space<vmem>>, %arg24: memref<32x128xf32, #tpu.memory_space<vmem>>, %arg25: memref<32x128xf32, #tpu.memory_space<vmem>>, %arg26: memref<32x128xf32, #tpu.memory_space<vmem>>, %arg27: memref<!tpu.dma_semaphore, #tpu.memory_space<semaphore_mem>>, %arg28: memref<!tpu.dma_semaphore, #tpu.memory_space<semaphore_mem>>, %arg29: memref<!tpu.dma_semaphore, #tpu.memory_space<semaphore_mem>>, %arg30: memref<!tpu.dma_semaphore, #tpu.memory_space<semaphore_mem>>, %arg31: memref<!tpu.dma_semaphore, #tpu.memory_space<semaphore_mem>>, %arg32: memref<!tpu.dma_semaphore, #tpu.memory_space<semaphore_mem>>, %arg33: memref<!tpu.dma_semaphore, #tpu.memory_space<semaphore_mem>>, %arg34: memref<!tpu.dma_semaphore, #tpu.memory_space<semaphore_mem>>) attributes {dimension_semantics = [#tpu.dimension_semantics<core_parallel>, #tpu.dimension_semantics<subcore_parallel>], iteration_bounds = array<i64: 2, 16>, scalar_prefetch = 0 : i64, scratch_operands = 24 : i64, tpu.core_type = #tpu.core_type<sc_vector_subcore>, window_params = [{transform_indices = #map}, {transform_indices = #map}, {transform_indices = #map1}, {transform_indices = #map1}, {transform_indices = #map1}, {transform_indices = #map1}, {transform_indices = #map1}, {transform_indices = #map1}, {transform_indices = #map}]} {
    %mul3A = arith.constant 2 : i32
    %mul3A_0 = arith.muli %arg1, %mul3A : i32
    %add3A = arith.addi %mul3A_0, %arg0 : i32
    %mul3A_1 = arith.constant 512 : i32
    %mul3A_2 = arith.muli %add3A, %mul3A_1 : i32
    %iota3A = tpu.iota {dimensions = array<i32: 0>} : vector<16xi32>
    "tpu.region"() ({
      %run_scoped3A = tpu.sem_alloc : memref<!tpu.dma_semaphore, #tpu.memory_space<semaphore_mem>>
      %dma_start3A_143 = tpu.memref_slice %arg2[%mul3A_2] : memref<16384xi32, #tpu.memory_space<hbm>> -> memref<512xi32, #tpu.memory_space<hbm>>
      %dma_start3A_144 = tpu.memref_slice %arg2[%mul3A_2] : memref<16384xi32, #tpu.memory_space<hbm>> -> memref<512xi32, #tpu.memory_space<hbm>>
      tpu.enqueue_dma source(%dma_start3A_144 : memref<512xi32, #tpu.memory_space<hbm>>) target(%arg11 : memref<512xi32, #tpu.memory_space<vmem>>) target_semaphore(%run_scoped3A : memref<!tpu.dma_semaphore, #tpu.memory_space<semaphore_mem>>)
      %dma_wait3A = tpu.memref_slice %arg2[%mul3A_2] : memref<16384xi32, #tpu.memory_space<hbm>> -> memref<512xi32, #tpu.memory_space<hbm>>
      %dma_wait3A_145 = tpu.memref_slice %arg2[%mul3A_2] : memref<16384xi32, #tpu.memory_space<hbm>> -> memref<512xi32, #tpu.memory_space<hbm>>
      tpu.wait_dma2 semaphore(%run_scoped3A : memref<!tpu.dma_semaphore, #tpu.memory_space<semaphore_mem>>) src(%dma_wait3A_145 : memref<512xi32, #tpu.memory_space<hbm>>) dst(%arg11 : memref<512xi32, #tpu.memory_space<vmem>>)
      tpu.yield
    }) : () -> ()
    "tpu.region"() ({
      %run_scoped3A = tpu.sem_alloc : memref<!tpu.dma_semaphore, #tpu.memory_space<semaphore_mem>>
      %dma_start3A_143 = tpu.memref_slice %arg3[%mul3A_2] : memref<16384xi32, #tpu.memory_space<hbm>> -> memref<512xi32, #tpu.memory_space<hbm>>
      %dma_start3A_144 = tpu.memref_slice %arg3[%mul3A_2] : memref<16384xi32, #tpu.memory_space<hbm>> -> memref<512xi32, #tpu.memory_space<hbm>>
      tpu.enqueue_dma source(%dma_start3A_144 : memref<512xi32, #tpu.memory_space<hbm>>) target(%arg12 : memref<512xi32, #tpu.memory_space<vmem>>) target_semaphore(%run_scoped3A : memref<!tpu.dma_semaphore, #tpu.memory_space<semaphore_mem>>)
      %dma_wait3A = tpu.memref_slice %arg3[%mul3A_2] : memref<16384xi32, #tpu.memory_space<hbm>> -> memref<512xi32, #tpu.memory_space<hbm>>
      %dma_wait3A_145 = tpu.memref_slice %arg3[%mul3A_2] : memref<16384xi32, #tpu.memory_space<hbm>> -> memref<512xi32, #tpu.memory_space<hbm>>
      tpu.wait_dma2 semaphore(%run_scoped3A : memref<!tpu.dma_semaphore, #tpu.memory_space<semaphore_mem>>) src(%dma_wait3A_145 : memref<512xi32, #tpu.memory_space<hbm>>) dst(%arg12 : memref<512xi32, #tpu.memory_space<vmem>>)
      tpu.yield
    }) : () -> ()
    "tpu.region"() ({
      %run_scoped3A = tpu.sem_alloc : memref<!tpu.dma_semaphore, #tpu.memory_space<semaphore_mem>>
      tpu.enqueue_dma source(%arg6 : memref<32x128xf32, #tpu.memory_space<hbm>>) target(%arg14 : memref<32x128xf32, #tpu.memory_space<vmem>>) target_semaphore(%run_scoped3A : memref<!tpu.dma_semaphore, #tpu.memory_space<semaphore_mem>>)
      tpu.wait_dma2 semaphore(%run_scoped3A : memref<!tpu.dma_semaphore, #tpu.memory_space<semaphore_mem>>) src(%arg6 : memref<32x128xf32, #tpu.memory_space<hbm>>) dst(%arg14 : memref<32x128xf32, #tpu.memory_space<vmem>>)
      tpu.yield
    }) : () -> ()
    "tpu.region"() ({
      %run_scoped3A = tpu.sem_alloc : memref<!tpu.dma_semaphore, #tpu.memory_space<semaphore_mem>>
      tpu.enqueue_dma source(%arg7 : memref<32x128xf32, #tpu.memory_space<hbm>>) target(%arg15 : memref<32x128xf32, #tpu.memory_space<vmem>>) target_semaphore(%run_scoped3A : memref<!tpu.dma_semaphore, #tpu.memory_space<semaphore_mem>>)
      tpu.wait_dma2 semaphore(%run_scoped3A : memref<!tpu.dma_semaphore, #tpu.memory_space<semaphore_mem>>) src(%arg7 : memref<32x128xf32, #tpu.memory_space<hbm>>) dst(%arg15 : memref<32x128xf32, #tpu.memory_space<vmem>>)
      tpu.yield
    }) : () -> ()
    %scan3A = arith.constant 0 : i32
    %scan3A_3 = arith.constant 0 : i32
    %scan3A_4 = arith.constant 32 : i32
    %scan3A_5 = arith.addi %scan3A_3, %scan3A_4 : i32
    %scan3A_6 = arith.constant 1 : i32
    scf.for %scan3A_143 = %scan3A_3 to %scan3A_5 step %scan3A_6  : i32 {
      %mul3A_144 = arith.constant 16 : i32
      %mul3A_145 = arith.muli %scan3A_143, %mul3A_144 : i32
      %get3A_146 = arith.index_cast %mul3A_145 : i32 to index
      %get3A_147 = tpu.vector_load %arg11[%get3A_146] {strides = array<i32>} : memref<512xi32, #tpu.memory_space<vmem>>, vector<16xi32>,
      %shift_right_arithmetic3A = arith.constant 7 : i32
      %shift_right_arithmetic3A_148 = vector.broadcast %shift_right_arithmetic3A : i32 to vector<16xi32>
      %shift_right_arithmetic3A_149 = arith.shrsi %get3A_147, %shift_right_arithmetic3A_148 : vector<16xi32>
      %shift_left3A = arith.constant 7 : i32
      %shift_left3A_150 = vector.broadcast %shift_left3A : i32 to vector<16xi32>
      %shift_left3A_151 = arith.shli %shift_right_arithmetic3A_149, %shift_left3A_150 : vector<16xi32>
      %ge3A = arith.constant 999936 : i32
      %ge3A_152 = vector.broadcast %ge3A : i32 to vector<16xi32>
      %ge3A_153 = arith.cmpi sge, %get3A_147, %ge3A_152 : vector<16xi32>
      %jit3A = arith.constant 0 : i32
      %broadcast_in_dim3A_154 = vector.broadcast %jit3A : i32 to vector<16xi32>
      %select_n3A = arith.select %ge3A_153, %broadcast_in_dim3A_154, %shift_left3A_151 : vector<16xi1>, vector<16xi32>
      %mul3A_155 = arith.constant 16 : i32
      %mul3A_156 = arith.muli %scan3A_143, %mul3A_155 : i32
      %swap3A_157 = arith.index_cast %mul3A_156 : i32 to index
      %swap3A_158 = tpu.vector_load %arg13[%swap3A_157] {strides = array<i32>} : memref<528xi32, #tpu.memory_space<vmem>>, vector<16xi32>,
      tpu.vector_store %arg13[%swap3A_157], %select_n3A {strides = array<i32>} : memref<528xi32, #tpu.memory_space<vmem>>, vector<16xi32>,
    }
    %scan3A_7 = arith.constant 32 : i32
    %broadcast_in_dim3A = arith.constant 0 : i32
    %broadcast_in_dim3A_8 = vector.broadcast %broadcast_in_dim3A : i32 to vector<16xi32>
    %swap3A = arith.constant 512 : index
    %swap3A_9 = tpu.vector_load %arg13[%swap3A] {strides = array<i32>} : memref<528xi32, #tpu.memory_space<vmem>>, vector<16xi32>,
    tpu.vector_store %arg13[%swap3A], %broadcast_in_dim3A_8 {strides = array<i32>} : memref<528xi32, #tpu.memory_space<vmem>>, vector<16xi32>,
    %get3A = arith.constant 0 : index
    %get3A_10 = tpu.vector_load %arg13[%get3A] {strides = array<i32>} : memref<528xi32, #tpu.memory_space<vmem>>, vector<16xi32>,
    %slice3A = vector.extract_strided_slice %get3A_10 {offsets = [0], sizes = [1], strides = [1]} : vector<16xi32> to vector<1xi32>
    %squeeze3A = vector.extract %slice3A[0] : i32 from vector<1xi32>
    %multiple_of3A = tpu.assume_multiple %squeeze3A, 128 : i32
    %dma_start3A = arith.constant 0 : i32
    %dma_start3A_11 = tpu.memref_slice %arg4[%dma_start3A, %multiple_of3A] : memref<32x1000000xf32, #tpu.memory_space<hbm>> -> memref<32x128xf32, #tpu.memory_space<hbm>>
    %dma_start3A_12 = arith.constant 0 : i32
    %dma_start3A_13 = tpu.memref_slice %arg4[%dma_start3A_12, %multiple_of3A] : memref<32x1000000xf32, #tpu.memory_space<hbm>> -> memref<32x128xf32, #tpu.memory_space<hbm>>
    tpu.enqueue_dma source(%dma_start3A_13 : memref<32x128xf32, #tpu.memory_space<hbm>>) target(%arg19 : memref<32x128xf32, #tpu.memory_space<vmem>>) target_semaphore(%arg27 : memref<!tpu.dma_semaphore, #tpu.memory_space<semaphore_mem>>)
    %slice3A_14 = vector.extract_strided_slice %get3A_10 {offsets = [1], sizes = [1], strides = [1]} : vector<16xi32> to vector<1xi32>
    %squeeze3A_15 = vector.extract %slice3A_14[0] : i32 from vector<1xi32>
    %multiple_of3A_16 = tpu.assume_multiple %squeeze3A_15, 128 : i32
    %dma_start3A_17 = arith.constant 0 : i32
    %dma_start3A_18 = tpu.memref_slice %arg4[%dma_start3A_17, %multiple_of3A_16] : memref<32x1000000xf32, #tpu.memory_space<hbm>> -> memref<32x128xf32, #tpu.memory_space<hbm>>
    %dma_start3A_19 = arith.constant 0 : i32
    %dma_start3A_20 = tpu.memref_slice %arg4[%dma_start3A_19, %multiple_of3A_16] : memref<32x1000000xf32, #tpu.memory_space<hbm>> -> memref<32x128xf32, #tpu.memory_space<hbm>>
    tpu.enqueue_dma source(%dma_start3A_20 : memref<32x128xf32, #tpu.memory_space<hbm>>) target(%arg20 : memref<32x128xf32, #tpu.memory_space<vmem>>) target_semaphore(%arg28 : memref<!tpu.dma_semaphore, #tpu.memory_space<semaphore_mem>>)
    %slice3A_21 = vector.extract_strided_slice %get3A_10 {offsets = [2], sizes = [1], strides = [1]} : vector<16xi32> to vector<1xi32>
    %squeeze3A_22 = vector.extract %slice3A_21[0] : i32 from vector<1xi32>
    %multiple_of3A_23 = tpu.assume_multiple %squeeze3A_22, 128 : i32
    %dma_start3A_24 = arith.constant 0 : i32
    %dma_start3A_25 = tpu.memref_slice %arg4[%dma_start3A_24, %multiple_of3A_23] : memref<32x1000000xf32, #tpu.memory_space<hbm>> -> memref<32x128xf32, #tpu.memory_space<hbm>>
    %dma_start3A_26 = arith.constant 0 : i32
    %dma_start3A_27 = tpu.memref_slice %arg4[%dma_start3A_26, %multiple_of3A_23] : memref<32x1000000xf32, #tpu.memory_space<hbm>> -> memref<32x128xf32, #tpu.memory_space<hbm>>
    tpu.enqueue_dma source(%dma_start3A_27 : memref<32x128xf32, #tpu.memory_space<hbm>>) target(%arg21 : memref<32x128xf32, #tpu.memory_space<vmem>>) target_semaphore(%arg29 : memref<!tpu.dma_semaphore, #tpu.memory_space<semaphore_mem>>)
    %slice3A_28 = vector.extract_strided_slice %get3A_10 {offsets = [3], sizes = [1], strides = [1]} : vector<16xi32> to vector<1xi32>
    %squeeze3A_29 = vector.extract %slice3A_28[0] : i32 from vector<1xi32>
    %multiple_of3A_30 = tpu.assume_multiple %squeeze3A_29, 128 : i32
    %dma_start3A_31 = arith.constant 0 : i32
    %dma_start3A_32 = tpu.memref_slice %arg4[%dma_start3A_31, %multiple_of3A_30] : memref<32x1000000xf32, #tpu.memory_space<hbm>> -> memref<32x128xf32, #tpu.memory_space<hbm>>
    %dma_start3A_33 = arith.constant 0 : i32
    %dma_start3A_34 = tpu.memref_slice %arg4[%dma_start3A_33, %multiple_of3A_30] : memref<32x1000000xf32, #tpu.memory_space<hbm>> -> memref<32x128xf32, #tpu.memory_space<hbm>>
    tpu.enqueue_dma source(%dma_start3A_34 : memref<32x128xf32, #tpu.memory_space<hbm>>) target(%arg22 : memref<32x128xf32, #tpu.memory_space<vmem>>) target_semaphore(%arg30 : memref<!tpu.dma_semaphore, #tpu.memory_space<semaphore_mem>>)
    %slice3A_35 = vector.extract_strided_slice %get3A_10 {offsets = [4], sizes = [1], strides = [1]} : vector<16xi32> to vector<1xi32>
    %squeeze3A_36 = vector.extract %slice3A_35[0] : i32 from vector<1xi32>
    %multiple_of3A_37 = tpu.assume_multiple %squeeze3A_36, 128 : i32
    %dma_start3A_38 = arith.constant 0 : i32
    %dma_start3A_39 = tpu.memref_slice %arg4[%dma_start3A_38, %multiple_of3A_37] : memref<32x1000000xf32, #tpu.memory_space<hbm>> -> memref<32x128xf32, #tpu.memory_space<hbm>>
    %dma_start3A_40 = arith.constant 0 : i32
    %dma_start3A_41 = tpu.memref_slice %arg4[%dma_start3A_40, %multiple_of3A_37] : memref<32x1000000xf32, #tpu.memory_space<hbm>> -> memref<32x128xf32, #tpu.memory_space<hbm>>
    tpu.enqueue_dma source(%dma_start3A_41 : memref<32x128xf32, #tpu.memory_space<hbm>>) target(%arg23 : memref<32x128xf32, #tpu.memory_space<vmem>>) target_semaphore(%arg31 : memref<!tpu.dma_semaphore, #tpu.memory_space<semaphore_mem>>)
    %slice3A_42 = vector.extract_strided_slice %get3A_10 {offsets = [5], sizes = [1], strides = [1]} : vector<16xi32> to vector<1xi32>
    %squeeze3A_43 = vector.extract %slice3A_42[0] : i32 from vector<1xi32>
    %multiple_of3A_44 = tpu.assume_multiple %squeeze3A_43, 128 : i32
    %dma_start3A_45 = arith.constant 0 : i32
    %dma_start3A_46 = tpu.memref_slice %arg4[%dma_start3A_45, %multiple_of3A_44] : memref<32x1000000xf32, #tpu.memory_space<hbm>> -> memref<32x128xf32, #tpu.memory_space<hbm>>
    %dma_start3A_47 = arith.constant 0 : i32
    %dma_start3A_48 = tpu.memref_slice %arg4[%dma_start3A_47, %multiple_of3A_44] : memref<32x1000000xf32, #tpu.memory_space<hbm>> -> memref<32x128xf32, #tpu.memory_space<hbm>>
    tpu.enqueue_dma source(%dma_start3A_48 : memref<32x128xf32, #tpu.memory_space<hbm>>) target(%arg24 : memref<32x128xf32, #tpu.memory_space<vmem>>) target_semaphore(%arg32 : memref<!tpu.dma_semaphore, #tpu.memory_space<semaphore_mem>>)
    %slice3A_49 = vector.extract_strided_slice %get3A_10 {offsets = [6], sizes = [1], strides = [1]} : vector<16xi32> to vector<1xi32>
    %squeeze3A_50 = vector.extract %slice3A_49[0] : i32 from vector<1xi32>
    %multiple_of3A_51 = tpu.assume_multiple %squeeze3A_50, 128 : i32
    %dma_start3A_52 = arith.constant 0 : i32
    %dma_start3A_53 = tpu.memref_slice %arg4[%dma_start3A_52, %multiple_of3A_51] : memref<32x1000000xf32, #tpu.memory_space<hbm>> -> memref<32x128xf32, #tpu.memory_space<hbm>>
    %dma_start3A_54 = arith.constant 0 : i32
    %dma_start3A_55 = tpu.memref_slice %arg4[%dma_start3A_54, %multiple_of3A_51] : memref<32x1000000xf32, #tpu.memory_space<hbm>> -> memref<32x128xf32, #tpu.memory_space<hbm>>
    tpu.enqueue_dma source(%dma_start3A_55 : memref<32x128xf32, #tpu.memory_space<hbm>>) target(%arg25 : memref<32x128xf32, #tpu.memory_space<vmem>>) target_semaphore(%arg33 : memref<!tpu.dma_semaphore, #tpu.memory_space<semaphore_mem>>)
    %slice3A_56 = vector.extract_strided_slice %get3A_10 {offsets = [7], sizes = [1], strides = [1]} : vector<16xi32> to vector<1xi32>
    %squeeze3A_57 = vector.extract %slice3A_56[0] : i32 from vector<1xi32>
    %multiple_of3A_58 = tpu.assume_multiple %squeeze3A_57, 128 : i32
    %dma_start3A_59 = arith.constant 0 : i32
    %dma_start3A_60 = tpu.memref_slice %arg4[%dma_start3A_59, %multiple_of3A_58] : memref<32x1000000xf32, #tpu.memory_space<hbm>> -> memref<32x128xf32, #tpu.memory_space<hbm>>
    %dma_start3A_61 = arith.constant 0 : i32
    %dma_start3A_62 = tpu.memref_slice %arg4[%dma_start3A_61, %multiple_of3A_58] : memref<32x1000000xf32, #tpu.memory_space<hbm>> -> memref<32x128xf32, #tpu.memory_space<hbm>>
    tpu.enqueue_dma source(%dma_start3A_62 : memref<32x128xf32, #tpu.memory_space<hbm>>) target(%arg26 : memref<32x128xf32, #tpu.memory_space<vmem>>) target_semaphore(%arg34 : memref<!tpu.dma_semaphore, #tpu.memory_space<semaphore_mem>>)
    %scan3A_63 = arith.constant 0 : i32
    %scan3A_64 = arith.constant 0 : i32
    %scan3A_65 = arith.constant 32 : i32
    %scan3A_66 = arith.addi %scan3A_64, %scan3A_65 : i32
    %scan3A_67 = arith.constant 1 : i32
    scf.for %scan3A_143 = %scan3A_64 to %scan3A_66 step %scan3A_67  : i32 {
      %mul3A_144 = arith.constant 16 : i32
      %mul3A_145 = arith.muli %scan3A_143, %mul3A_144 : i32
      %get3A_146 = arith.index_cast %mul3A_145 : i32 to index
      %get3A_147 = tpu.vector_load %arg11[%get3A_146] {strides = array<i32>} : memref<512xi32, #tpu.memory_space<vmem>>, vector<16xi32>,
      %mul3A_148 = arith.constant 16 : i32
      %mul3A_149 = arith.muli %scan3A_143, %mul3A_148 : i32
      %add3A_150 = arith.constant 8 : i32
      %add3A_151 = arith.addi %mul3A_149, %add3A_150 : i32
      %get3A_152 = arith.index_cast %add3A_151 : i32 to index
      %get3A_153 = tpu.vector_load %arg13[%get3A_152] {strides = array<i32>} : memref<528xi32, #tpu.memory_space<vmem>>, vector<16xi32>,
      %mul3A_154 = arith.constant 16 : i32
      %mul3A_155 = arith.muli %scan3A_143, %mul3A_154 : i32
      %get3A_156 = arith.index_cast %mul3A_155 : i32 to index
      %get3A_157 = tpu.vector_load %arg18[%get3A_156] {strides = array<i32>} : memref<512xf32, #tpu.memory_space<vmem>>, vector<16xf32>,
      %mul3A_158 = arith.constant 16 : i32
      %mul3A_159 = arith.muli %scan3A_143, %mul3A_158 : i32
      %add3A_160 = arith.constant 0 : i32
      %add3A_161 = arith.addi %mul3A_159, %add3A_160 : i32
      %slice3A_162 = vector.extract_strided_slice %get3A_147 {offsets = [0], sizes = [1], strides = [1]} : vector<16xi32> to vector<1xi32>
      %squeeze3A_163 = vector.extract %slice3A_162[0] : i32 from vector<1xi32>
      %dma_wait3A = arith.constant 0 : i32
      %dma_wait3A_164 = arith.constant 0 : i32
      %dma_wait3A_165 = tpu.memref_slice %arg4[%dma_wait3A, %dma_wait3A_164] : memref<32x1000000xf32, #tpu.memory_space<hbm>> -> memref<32x128xf32, #tpu.memory_space<hbm>>
      %dma_wait3A_166 = arith.constant 0 : i32
      %dma_wait3A_167 = arith.constant 0 : i32
      %dma_wait3A_168 = tpu.memref_slice %arg4[%dma_wait3A_166, %dma_wait3A_167] : memref<32x1000000xf32, #tpu.memory_space<hbm>> -> memref<32x128xf32, #tpu.memory_space<hbm>>
      tpu.wait_dma2 semaphore(%arg27 : memref<!tpu.dma_semaphore, #tpu.memory_space<semaphore_mem>>) src(%dma_wait3A_168 : memref<32x128xf32, #tpu.memory_space<hbm>>) dst(%arg19 : memref<32x128xf32, #tpu.memory_space<vmem>>)
      %ge3A = arith.constant 999936 : i32
      %ge3A_169 = arith.cmpi sge, %squeeze3A_163, %ge3A : i32
      %sub3A = arith.constant 999936 : i32
      %sub3A_170 = arith.subi %squeeze3A_163, %sub3A : i32
      %and3A = arith.constant 127 : i32
      %and3A_171 = arith.andi %squeeze3A_163, %and3A : i32
      %select_n3A = arith.select %ge3A_169, %sub3A_170, %and3A_171 : i32
      %broadcast_in_dim3A_172 = vector.broadcast %select_n3A : i32 to vector<16xi32>
      %gather3A = tpu.vector_load_idx %arg19[%iota3A, %broadcast_in_dim3A_172] : memref<32x128xf32, #tpu.memory_space<vmem>>[vector<16xi32>, vector<16xi32>], vector<16xf32>,
      %add3A_173 = arith.constant 16 : i32
      %add3A_174 = vector.broadcast %add3A_173 : i32 to vector<16xi32>
      %add3A_175 = arith.addi %iota3A, %add3A_174 : vector<16xi32>
      %gather3A_176 = tpu.vector_load_idx %arg19[%add3A_175, %broadcast_in_dim3A_172] : memref<32x128xf32, #tpu.memory_space<vmem>>[vector<16xi32>, vector<16xi32>], vector<16xf32>,
      %gather3A_177 = tpu.vector_load_idx %arg14[%iota3A, %broadcast_in_dim3A_172] : memref<32x128xf32, #tpu.memory_space<vmem>>[vector<16xi32>, vector<16xi32>], vector<16xf32>,
      %add3A_178 = arith.constant 16 : i32
      %add3A_179 = vector.broadcast %add3A_178 : i32 to vector<16xi32>
      %add3A_180 = arith.addi %iota3A, %add3A_179 : vector<16xi32>
      %gather3A_181 = tpu.vector_load_idx %arg14[%add3A_180, %broadcast_in_dim3A_172] : memref<32x128xf32, #tpu.memory_space<vmem>>[vector<16xi32>, vector<16xi32>], vector<16xf32>,
      %ge3A_182 = arith.constant 999936 : i32
      %ge3A_183 = arith.cmpi sge, %squeeze3A_163, %ge3A_182 : i32
      %select_n3A_184 = arith.select %ge3A_183, %gather3A_177, %gather3A : vector<16xf32>
      %select_n3A_185 = arith.select %ge3A_183, %gather3A_181, %gather3A_176 : vector<16xf32>
      %broadcast_in_dim3A_186 = vector.broadcast %add3A_161 : i32 to vector<16xi32>
      tpu.vector_store_idx %arg16[%iota3A, %broadcast_in_dim3A_186], %select_n3A_184 : memref<32x512xf32, #tpu.memory_space<vmem>>[vector<16xi32>, vector<16xi32>], vector<16xf32>,
      %add3A_187 = arith.constant 16 : i32
      %add3A_188 = vector.broadcast %add3A_187 : i32 to vector<16xi32>
      %add3A_189 = arith.addi %iota3A, %add3A_188 : vector<16xi32>
      tpu.vector_store_idx %arg16[%add3A_189, %broadcast_in_dim3A_186], %select_n3A_185 : memref<32x512xf32, #tpu.memory_space<vmem>>[vector<16xi32>, vector<16xi32>], vector<16xf32>,
      %add3A_190 = arith.constant 8 : i32
      %add3A_191 = arith.addi %add3A_161, %add3A_190 : i32
      %lt3A = arith.constant 512 : i32
      %lt3A_192 = arith.cmpi slt, %add3A_191, %lt3A : i32
      %convert_element_type3A = arith.extui %lt3A_192 : i1 to i32
      %cond3A = arith.constant 0 : i32
      %cond3A_193 = arith.cmpi ne, %convert_element_type3A, %cond3A : i32
      scf.if %cond3A_193 {
        %slice3A_869 = vector.extract_strided_slice %get3A_153 {offsets = [0], sizes = [1], strides = [1]} : vector<16xi32> to vector<1xi32>
        %squeeze3A_870 = vector.extract %slice3A_869[0] : i32 from vector<1xi32>
        %multiple_of3A_871 = tpu.assume_multiple %squeeze3A_870, 128 : i32
        %dma_start3A_872 = arith.constant 0 : i32
        %dma_start3A_873 = tpu.memref_slice %arg4[%dma_start3A_872, %multiple_of3A_871] : memref<32x1000000xf32, #tpu.memory_space<hbm>> -> memref<32x128xf32, #tpu.memory_space<hbm>>
        %dma_start3A_874 = arith.constant 0 : i32
        %dma_start3A_875 = tpu.memref_slice %arg4[%dma_start3A_874, %multiple_of3A_871] : memref<32x1000000xf32, #tpu.memory_space<hbm>> -> memref<32x128xf32, #tpu.memory_space<hbm>>
        tpu.enqueue_dma source(%dma_start3A_875 : memref<32x128xf32, #tpu.memory_space<hbm>>) target(%arg19 : memref<32x128xf32, #tpu.memory_space<vmem>>) target_semaphore(%arg27 : memref<!tpu.dma_semaphore, #tpu.memory_space<semaphore_mem>>)
      } else {
      }
      %mul3A_194 = arith.constant 16 : i32
      %mul3A_195 = arith.muli %scan3A_143, %mul3A_194 : i32
      %add3A_196 = arith.constant 1 : i32
      %add3A_197 = arith.addi %mul3A_195, %add3A_196 : i32
      %slice3A_198 = vector.extract_strided_slice %get3A_147 {offsets = [1], sizes = [1], strides = [1]} : vector<16xi32> to vector<1xi32>
      %squeeze3A_199 = vector.extract %slice3A_198[0] : i32 from vector<1xi32>
      %dma_wait3A_200 = arith.constant 0 : i32
      %dma_wait3A_201 = arith.constant 0 : i32
      %dma_wait3A_202 = tpu.memref_slice %arg4[%dma_wait3A_200, %dma_wait3A_201] : memref<32x1000000xf32, #tpu.memory_space<hbm>> -> memref<32x128xf32, #tpu.memory_space<hbm>>
      %dma_wait3A_203 = arith.constant 0 : i32
      %dma_wait3A_204 = arith.constant 0 : i32
      %dma_wait3A_205 = tpu.memref_slice %arg4[%dma_wait3A_203, %dma_wait3A_204] : memref<32x1000000xf32, #tpu.memory_space<hbm>> -> memref<32x128xf32, #tpu.memory_space<hbm>>
      tpu.wait_dma2 semaphore(%arg28 : memref<!tpu.dma_semaphore, #tpu.memory_space<semaphore_mem>>) src(%dma_wait3A_205 : memref<32x128xf32, #tpu.memory_space<hbm>>) dst(%arg20 : memref<32x128xf32, #tpu.memory_space<vmem>>)
      %ge3A_206 = arith.constant 999936 : i32
      %ge3A_207 = arith.cmpi sge, %squeeze3A_199, %ge3A_206 : i32
      %sub3A_208 = arith.constant 999936 : i32
      %sub3A_209 = arith.subi %squeeze3A_199, %sub3A_208 : i32
      %and3A_210 = arith.constant 127 : i32
      %and3A_211 = arith.andi %squeeze3A_199, %and3A_210 : i32
      %select_n3A_212 = arith.select %ge3A_207, %sub3A_209, %and3A_211 : i32
      %broadcast_in_dim3A_213 = vector.broadcast %select_n3A_212 : i32 to vector<16xi32>
      %gather3A_214 = tpu.vector_load_idx %arg20[%iota3A, %broadcast_in_dim3A_213] : memref<32x128xf32, #tpu.memory_space<vmem>>[vector<16xi32>, vector<16xi32>], vector<16xf32>,
      %add3A_215 = arith.constant 16 : i32
      %add3A_216 = vector.broadcast %add3A_215 : i32 to vector<16xi32>
      %add3A_217 = arith.addi %iota3A, %add3A_216 : vector<16xi32>
      %gather3A_218 = tpu.vector_load_idx %arg20[%add3A_217, %broadcast_in_dim3A_213] : memref<32x128xf32, #tpu.memory_space<vmem>>[vector<16xi32>, vector<16xi32>], vector<16xf32>,
      %gather3A_219 = tpu.vector_load_idx %arg14[%iota3A, %broadcast_in_dim3A_213] : memref<32x128xf32, #tpu.memory_space<vmem>>[vector<16xi32>, vector<16xi32>], vector<16xf32>,
      %add3A_220 = arith.constant 16 : i32
      %add3A_221 = vector.broadcast %add3A_220 : i32 to vector<16xi32>
      %add3A_222 = arith.addi %iota3A, %add3A_221 : vector<16xi32>
      %gather3A_223 = tpu.vector_load_idx %arg14[%add3A_222, %broadcast_in_dim3A_213] : memref<32x128xf32, #tpu.memory_space<vmem>>[vector<16xi32>, vector<16xi32>], vector<16xf32>,
      %ge3A_224 = arith.constant 999936 : i32
      %ge3A_225 = arith.cmpi sge, %squeeze3A_199, %ge3A_224 : i32
      %select_n3A_226 = arith.select %ge3A_225, %gather3A_219, %gather3A_214 : vector<16xf32>
      %select_n3A_227 = arith.select %ge3A_225, %gather3A_223, %gather3A_218 : vector<16xf32>
      %broadcast_in_dim3A_228 = vector.broadcast %add3A_197 : i32 to vector<16xi32>
      tpu.vector_store_idx %arg16[%iota3A, %broadcast_in_dim3A_228], %select_n3A_226 : memref<32x512xf32, #tpu.memory_space<vmem>>[vector<16xi32>, vector<16xi32>], vector<16xf32>,
      %add3A_229 = arith.constant 16 : i32
      %add3A_230 = vector.broadcast %add3A_229 : i32 to vector<16xi32>
      %add3A_231 = arith.addi %iota3A, %add3A_230 : vector<16xi32>
      tpu.vector_store_idx %arg16[%add3A_231, %broadcast_in_dim3A_228], %select_n3A_227 : memref<32x512xf32, #tpu.memory_space<vmem>>[vector<16xi32>, vector<16xi32>], vector<16xf32>,
      %add3A_232 = arith.constant 8 : i32
      %add3A_233 = arith.addi %add3A_197, %add3A_232 : i32
      %lt3A_234 = arith.constant 512 : i32
      %lt3A_235 = arith.cmpi slt, %add3A_233, %lt3A_234 : i32
      %convert_element_type3A_236 = arith.extui %lt3A_235 : i1 to i32
      %cond3A_237 = arith.constant 0 : i32
      %cond3A_238 = arith.cmpi ne, %convert_element_type3A_236, %cond3A_237 : i32
      scf.if %cond3A_238 {
        %slice3A_869 = vector.extract_strided_slice %get3A_153 {offsets = [1], sizes = [1], strides = [1]} : vector<16xi32> to vector<1xi32>
        %squeeze3A_870 = vector.extract %slice3A_869[0] : i32 from vector<1xi32>
        %multiple_of3A_871 = tpu.assume_multiple %squeeze3A_870, 128 : i32
        %dma_start3A_872 = arith.constant 0 : i32
        %dma_start3A_873 = tpu.memref_slice %arg4[%dma_start3A_872, %multiple_of3A_871] : memref<32x1000000xf32, #tpu.memory_space<hbm>> -> memref<32x128xf32, #tpu.memory_space<hbm>>
        %dma_start3A_874 = arith.constant 0 : i32
        %dma_start3A_875 = tpu.memref_slice %arg4[%dma_start3A_874, %multiple_of3A_871] : memref<32x1000000xf32, #tpu.memory_space<hbm>> -> memref<32x128xf32, #tpu.memory_space<hbm>>
        tpu.enqueue_dma source(%dma_start3A_875 : memref<32x128xf32, #tpu.memory_space<hbm>>) target(%arg20 : memref<32x128xf32, #tpu.memory_space<vmem>>) target_semaphore(%arg28 : memref<!tpu.dma_semaphore, #tpu.memory_space<semaphore_mem>>)
      } else {
      }
      %mul3A_239 = arith.constant 16 : i32
      %mul3A_240 = arith.muli %scan3A_143, %mul3A_239 : i32
      %add3A_241 = arith.constant 2 : i32
      %add3A_242 = arith.addi %mul3A_240, %add3A_241 : i32
      %slice3A_243 = vector.extract_strided_slice %get3A_147 {offsets = [2], sizes = [1], strides = [1]} : vector<16xi32> to vector<1xi32>
      %squeeze3A_244 = vector.extract %slice3A_243[0] : i32 from vector<1xi32>
      %dma_wait3A_245 = arith.constant 0 : i32
      %dma_wait3A_246 = arith.constant 0 : i32
      %dma_wait3A_247 = tpu.memref_slice %arg4[%dma_wait3A_245, %dma_wait3A_246] : memref<32x1000000xf32, #tpu.memory_space<hbm>> -> memref<32x128xf32, #tpu.memory_space<hbm>>
      %dma_wait3A_248 = arith.constant 0 : i32
      %dma_wait3A_249 = arith.constant 0 : i32
      %dma_wait3A_250 = tpu.memref_slice %arg4[%dma_wait3A_248, %dma_wait3A_249] : memref<32x1000000xf32, #tpu.memory_space<hbm>> -> memref<32x128xf32, #tpu.memory_space<hbm>>
      tpu.wait_dma2 semaphore(%arg29 : memref<!tpu.dma_semaphore, #tpu.memory_space<semaphore_mem>>) src(%dma_wait3A_250 : memref<32x128xf32, #tpu.memory_space<hbm>>) dst(%arg21 : memref<32x128xf32, #tpu.memory_space<vmem>>)
      %ge3A_251 = arith.constant 999936 : i32
      %ge3A_252 = arith.cmpi sge, %squeeze3A_244, %ge3A_251 : i32
      %sub3A_253 = arith.constant 999936 : i32
      %sub3A_254 = arith.subi %squeeze3A_244, %sub3A_253 : i32
      %and3A_255 = arith.constant 127 : i32
      %and3A_256 = arith.andi %squeeze3A_244, %and3A_255 : i32
      %select_n3A_257 = arith.select %ge3A_252, %sub3A_254, %and3A_256 : i32
      %broadcast_in_dim3A_258 = vector.broadcast %select_n3A_257 : i32 to vector<16xi32>
      %gather3A_259 = tpu.vector_load_idx %arg21[%iota3A, %broadcast_in_dim3A_258] : memref<32x128xf32, #tpu.memory_space<vmem>>[vector<16xi32>, vector<16xi32>], vector<16xf32>,
      %add3A_260 = arith.constant 16 : i32
      %add3A_261 = vector.broadcast %add3A_260 : i32 to vector<16xi32>
      %add3A_262 = arith.addi %iota3A, %add3A_261 : vector<16xi32>
      %gather3A_263 = tpu.vector_load_idx %arg21[%add3A_262, %broadcast_in_dim3A_258] : memref<32x128xf32, #tpu.memory_space<vmem>>[vector<16xi32>, vector<16xi32>], vector<16xf32>,
      %gather3A_264 = tpu.vector_load_idx %arg14[%iota3A, %broadcast_in_dim3A_258] : memref<32x128xf32, #tpu.memory_space<vmem>>[vector<16xi32>, vector<16xi32>], vector<16xf32>,
      %add3A_265 = arith.constant 16 : i32
      %add3A_266 = vector.broadcast %add3A_265 : i32 to vector<16xi32>
      %add3A_267 = arith.addi %iota3A, %add3A_266 : vector<16xi32>
      %gather3A_268 = tpu.vector_load_idx %arg14[%add3A_267, %broadcast_in_dim3A_258] : memref<32x128xf32, #tpu.memory_space<vmem>>[vector<16xi32>, vector<16xi32>], vector<16xf32>,
      %ge3A_269 = arith.constant 999936 : i32
      %ge3A_270 = arith.cmpi sge, %squeeze3A_244, %ge3A_269 : i32
      %select_n3A_271 = arith.select %ge3A_270, %gather3A_264, %gather3A_259 : vector<16xf32>
      %select_n3A_272 = arith.select %ge3A_270, %gather3A_268, %gather3A_263 : vector<16xf32>
      %broadcast_in_dim3A_273 = vector.broadcast %add3A_242 : i32 to vector<16xi32>
      tpu.vector_store_idx %arg16[%iota3A, %broadcast_in_dim3A_273], %select_n3A_271 : memref<32x512xf32, #tpu.memory_space<vmem>>[vector<16xi32>, vector<16xi32>], vector<16xf32>,
      %add3A_274 = arith.constant 16 : i32
      %add3A_275 = vector.broadcast %add3A_274 : i32 to vector<16xi32>
      %add3A_276 = arith.addi %iota3A, %add3A_275 : vector<16xi32>
      tpu.vector_store_idx %arg16[%add3A_276, %broadcast_in_dim3A_273], %select_n3A_272 : memref<32x512xf32, #tpu.memory_space<vmem>>[vector<16xi32>, vector<16xi32>], vector<16xf32>,
      %add3A_277 = arith.constant 8 : i32
      %add3A_278 = arith.addi %add3A_242, %add3A_277 : i32
      %lt3A_279 = arith.constant 512 : i32
      %lt3A_280 = arith.cmpi slt, %add3A_278, %lt3A_279 : i32
      %convert_element_type3A_281 = arith.extui %lt3A_280 : i1 to i32
      %cond3A_282 = arith.constant 0 : i32
      %cond3A_283 = arith.cmpi ne, %convert_element_type3A_281, %cond3A_282 : i32
      scf.if %cond3A_283 {
        %slice3A_869 = vector.extract_strided_slice %get3A_153 {offsets = [2], sizes = [1], strides = [1]} : vector<16xi32> to vector<1xi32>
        %squeeze3A_870 = vector.extract %slice3A_869[0] : i32 from vector<1xi32>
        %multiple_of3A_871 = tpu.assume_multiple %squeeze3A_870, 128 : i32
        %dma_start3A_872 = arith.constant 0 : i32
        %dma_start3A_873 = tpu.memref_slice %arg4[%dma_start3A_872, %multiple_of3A_871] : memref<32x1000000xf32, #tpu.memory_space<hbm>> -> memref<32x128xf32, #tpu.memory_space<hbm>>
        %dma_start3A_874 = arith.constant 0 : i32
        %dma_start3A_875 = tpu.memref_slice %arg4[%dma_start3A_874, %multiple_of3A_871] : memref<32x1000000xf32, #tpu.memory_space<hbm>> -> memref<32x128xf32, #tpu.memory_space<hbm>>
        tpu.enqueue_dma source(%dma_start3A_875 : memref<32x128xf32, #tpu.memory_space<hbm>>) target(%arg21 : memref<32x128xf32, #tpu.memory_space<vmem>>) target_semaphore(%arg29 : memref<!tpu.dma_semaphore, #tpu.memory_space<semaphore_mem>>)
      } else {
      }
      %mul3A_284 = arith.constant 16 : i32
      %mul3A_285 = arith.muli %scan3A_143, %mul3A_284 : i32
      %add3A_286 = arith.constant 3 : i32
      %add3A_287 = arith.addi %mul3A_285, %add3A_286 : i32
      %slice3A_288 = vector.extract_strided_slice %get3A_147 {offsets = [3], sizes = [1], strides = [1]} : vector<16xi32> to vector<1xi32>
      %squeeze3A_289 = vector.extract %slice3A_288[0] : i32 from vector<1xi32>
      %dma_wait3A_290 = arith.constant 0 : i32
      %dma_wait3A_291 = arith.constant 0 : i32
      %dma_wait3A_292 = tpu.memref_slice %arg4[%dma_wait3A_290, %dma_wait3A_291] : memref<32x1000000xf32, #tpu.memory_space<hbm>> -> memref<32x128xf32, #tpu.memory_space<hbm>>
      %dma_wait3A_293 = arith.constant 0 : i32
      %dma_wait3A_294 = arith.constant 0 : i32
      %dma_wait3A_295 = tpu.memref_slice %arg4[%dma_wait3A_293, %dma_wait3A_294] : memref<32x1000000xf32, #tpu.memory_space<hbm>> -> memref<32x128xf32, #tpu.memory_space<hbm>>
      tpu.wait_dma2 semaphore(%arg30 : memref<!tpu.dma_semaphore, #tpu.memory_space<semaphore_mem>>) src(%dma_wait3A_295 : memref<32x128xf32, #tpu.memory_space<hbm>>) dst(%arg22 : memref<32x128xf32, #tpu.memory_space<vmem>>)
      %ge3A_296 = arith.constant 999936 : i32
      %ge3A_297 = arith.cmpi sge, %squeeze3A_289, %ge3A_296 : i32
      %sub3A_298 = arith.constant 999936 : i32
      %sub3A_299 = arith.subi %squeeze3A_289, %sub3A_298 : i32
      %and3A_300 = arith.constant 127 : i32
      %and3A_301 = arith.andi %squeeze3A_289, %and3A_300 : i32
      %select_n3A_302 = arith.select %ge3A_297, %sub3A_299, %and3A_301 : i32
      %broadcast_in_dim3A_303 = vector.broadcast %select_n3A_302 : i32 to vector<16xi32>
      %gather3A_304 = tpu.vector_load_idx %arg22[%iota3A, %broadcast_in_dim3A_303] : memref<32x128xf32, #tpu.memory_space<vmem>>[vector<16xi32>, vector<16xi32>], vector<16xf32>,
      %add3A_305 = arith.constant 16 : i32
      %add3A_306 = vector.broadcast %add3A_305 : i32 to vector<16xi32>
      %add3A_307 = arith.addi %iota3A, %add3A_306 : vector<16xi32>
      %gather3A_308 = tpu.vector_load_idx %arg22[%add3A_307, %broadcast_in_dim3A_303] : memref<32x128xf32, #tpu.memory_space<vmem>>[vector<16xi32>, vector<16xi32>], vector<16xf32>,
      %gather3A_309 = tpu.vector_load_idx %arg14[%iota3A, %broadcast_in_dim3A_303] : memref<32x128xf32, #tpu.memory_space<vmem>>[vector<16xi32>, vector<16xi32>], vector<16xf32>,
      %add3A_310 = arith.constant 16 : i32
      %add3A_311 = vector.broadcast %add3A_310 : i32 to vector<16xi32>
      %add3A_312 = arith.addi %iota3A, %add3A_311 : vector<16xi32>
      %gather3A_313 = tpu.vector_load_idx %arg14[%add3A_312, %broadcast_in_dim3A_303] : memref<32x128xf32, #tpu.memory_space<vmem>>[vector<16xi32>, vector<16xi32>], vector<16xf32>,
      %ge3A_314 = arith.constant 999936 : i32
      %ge3A_315 = arith.cmpi sge, %squeeze3A_289, %ge3A_314 : i32
      %select_n3A_316 = arith.select %ge3A_315, %gather3A_309, %gather3A_304 : vector<16xf32>
      %select_n3A_317 = arith.select %ge3A_315, %gather3A_313, %gather3A_308 : vector<16xf32>
      %broadcast_in_dim3A_318 = vector.broadcast %add3A_287 : i32 to vector<16xi32>
      tpu.vector_store_idx %arg16[%iota3A, %broadcast_in_dim3A_318], %select_n3A_316 : memref<32x512xf32, #tpu.memory_space<vmem>>[vector<16xi32>, vector<16xi32>], vector<16xf32>,
      %add3A_319 = arith.constant 16 : i32
      %add3A_320 = vector.broadcast %add3A_319 : i32 to vector<16xi32>
      %add3A_321 = arith.addi %iota3A, %add3A_320 : vector<16xi32>
      tpu.vector_store_idx %arg16[%add3A_321, %broadcast_in_dim3A_318], %select_n3A_317 : memref<32x512xf32, #tpu.memory_space<vmem>>[vector<16xi32>, vector<16xi32>], vector<16xf32>,
      %add3A_322 = arith.constant 8 : i32
      %add3A_323 = arith.addi %add3A_287, %add3A_322 : i32
      %lt3A_324 = arith.constant 512 : i32
      %lt3A_325 = arith.cmpi slt, %add3A_323, %lt3A_324 : i32
      %convert_element_type3A_326 = arith.extui %lt3A_325 : i1 to i32
      %cond3A_327 = arith.constant 0 : i32
      %cond3A_328 = arith.cmpi ne, %convert_element_type3A_326, %cond3A_327 : i32
      scf.if %cond3A_328 {
        %slice3A_869 = vector.extract_strided_slice %get3A_153 {offsets = [3], sizes = [1], strides = [1]} : vector<16xi32> to vector<1xi32>
        %squeeze3A_870 = vector.extract %slice3A_869[0] : i32 from vector<1xi32>
        %multiple_of3A_871 = tpu.assume_multiple %squeeze3A_870, 128 : i32
        %dma_start3A_872 = arith.constant 0 : i32
        %dma_start3A_873 = tpu.memref_slice %arg4[%dma_start3A_872, %multiple_of3A_871] : memref<32x1000000xf32, #tpu.memory_space<hbm>> -> memref<32x128xf32, #tpu.memory_space<hbm>>
        %dma_start3A_874 = arith.constant 0 : i32
        %dma_start3A_875 = tpu.memref_slice %arg4[%dma_start3A_874, %multiple_of3A_871] : memref<32x1000000xf32, #tpu.memory_space<hbm>> -> memref<32x128xf32, #tpu.memory_space<hbm>>
        tpu.enqueue_dma source(%dma_start3A_875 : memref<32x128xf32, #tpu.memory_space<hbm>>) target(%arg22 : memref<32x128xf32, #tpu.memory_space<vmem>>) target_semaphore(%arg30 : memref<!tpu.dma_semaphore, #tpu.memory_space<semaphore_mem>>)
      } else {
      }
      %mul3A_329 = arith.constant 16 : i32
      %mul3A_330 = arith.muli %scan3A_143, %mul3A_329 : i32
      %add3A_331 = arith.constant 4 : i32
      %add3A_332 = arith.addi %mul3A_330, %add3A_331 : i32
      %slice3A_333 = vector.extract_strided_slice %get3A_147 {offsets = [4], sizes = [1], strides = [1]} : vector<16xi32> to vector<1xi32>
      %squeeze3A_334 = vector.extract %slice3A_333[0] : i32 from vector<1xi32>
      %dma_wait3A_335 = arith.constant 0 : i32
      %dma_wait3A_336 = arith.constant 0 : i32
      %dma_wait3A_337 = tpu.memref_slice %arg4[%dma_wait3A_335, %dma_wait3A_336] : memref<32x1000000xf32, #tpu.memory_space<hbm>> -> memref<32x128xf32, #tpu.memory_space<hbm>>
      %dma_wait3A_338 = arith.constant 0 : i32
      %dma_wait3A_339 = arith.constant 0 : i32
      %dma_wait3A_340 = tpu.memref_slice %arg4[%dma_wait3A_338, %dma_wait3A_339] : memref<32x1000000xf32, #tpu.memory_space<hbm>> -> memref<32x128xf32, #tpu.memory_space<hbm>>
      tpu.wait_dma2 semaphore(%arg31 : memref<!tpu.dma_semaphore, #tpu.memory_space<semaphore_mem>>) src(%dma_wait3A_340 : memref<32x128xf32, #tpu.memory_space<hbm>>) dst(%arg23 : memref<32x128xf32, #tpu.memory_space<vmem>>)
      %ge3A_341 = arith.constant 999936 : i32
      %ge3A_342 = arith.cmpi sge, %squeeze3A_334, %ge3A_341 : i32
      %sub3A_343 = arith.constant 999936 : i32
      %sub3A_344 = arith.subi %squeeze3A_334, %sub3A_343 : i32
      %and3A_345 = arith.constant 127 : i32
      %and3A_346 = arith.andi %squeeze3A_334, %and3A_345 : i32
      %select_n3A_347 = arith.select %ge3A_342, %sub3A_344, %and3A_346 : i32
      %broadcast_in_dim3A_348 = vector.broadcast %select_n3A_347 : i32 to vector<16xi32>
      %gather3A_349 = tpu.vector_load_idx %arg23[%iota3A, %broadcast_in_dim3A_348] : memref<32x128xf32, #tpu.memory_space<vmem>>[vector<16xi32>, vector<16xi32>], vector<16xf32>,
      %add3A_350 = arith.constant 16 : i32
      %add3A_351 = vector.broadcast %add3A_350 : i32 to vector<16xi32>
      %add3A_352 = arith.addi %iota3A, %add3A_351 : vector<16xi32>
      %gather3A_353 = tpu.vector_load_idx %arg23[%add3A_352, %broadcast_in_dim3A_348] : memref<32x128xf32, #tpu.memory_space<vmem>>[vector<16xi32>, vector<16xi32>], vector<16xf32>,
      %gather3A_354 = tpu.vector_load_idx %arg14[%iota3A, %broadcast_in_dim3A_348] : memref<32x128xf32, #tpu.memory_space<vmem>>[vector<16xi32>, vector<16xi32>], vector<16xf32>,
      %add3A_355 = arith.constant 16 : i32
      %add3A_356 = vector.broadcast %add3A_355 : i32 to vector<16xi32>
      %add3A_357 = arith.addi %iota3A, %add3A_356 : vector<16xi32>
      %gather3A_358 = tpu.vector_load_idx %arg14[%add3A_357, %broadcast_in_dim3A_348] : memref<32x128xf32, #tpu.memory_space<vmem>>[vector<16xi32>, vector<16xi32>], vector<16xf32>,
      %ge3A_359 = arith.constant 999936 : i32
      %ge3A_360 = arith.cmpi sge, %squeeze3A_334, %ge3A_359 : i32
      %select_n3A_361 = arith.select %ge3A_360, %gather3A_354, %gather3A_349 : vector<16xf32>
      %select_n3A_362 = arith.select %ge3A_360, %gather3A_358, %gather3A_353 : vector<16xf32>
      %broadcast_in_dim3A_363 = vector.broadcast %add3A_332 : i32 to vector<16xi32>
      tpu.vector_store_idx %arg16[%iota3A, %broadcast_in_dim3A_363], %select_n3A_361 : memref<32x512xf32, #tpu.memory_space<vmem>>[vector<16xi32>, vector<16xi32>], vector<16xf32>,
      %add3A_364 = arith.constant 16 : i32
      %add3A_365 = vector.broadcast %add3A_364 : i32 to vector<16xi32>
      %add3A_366 = arith.addi %iota3A, %add3A_365 : vector<16xi32>
      tpu.vector_store_idx %arg16[%add3A_366, %broadcast_in_dim3A_363], %select_n3A_362 : memref<32x512xf32, #tpu.memory_space<vmem>>[vector<16xi32>, vector<16xi32>], vector<16xf32>,
      %add3A_367 = arith.constant 8 : i32
      %add3A_368 = arith.addi %add3A_332, %add3A_367 : i32
      %lt3A_369 = arith.constant 512 : i32
      %lt3A_370 = arith.cmpi slt, %add3A_368, %lt3A_369 : i32
      %convert_element_type3A_371 = arith.extui %lt3A_370 : i1 to i32
      %cond3A_372 = arith.constant 0 : i32
      %cond3A_373 = arith.cmpi ne, %convert_element_type3A_371, %cond3A_372 : i32
      scf.if %cond3A_373 {
        %slice3A_869 = vector.extract_strided_slice %get3A_153 {offsets = [4], sizes = [1], strides = [1]} : vector<16xi32> to vector<1xi32>
        %squeeze3A_870 = vector.extract %slice3A_869[0] : i32 from vector<1xi32>
        %multiple_of3A_871 = tpu.assume_multiple %squeeze3A_870, 128 : i32
        %dma_start3A_872 = arith.constant 0 : i32
        %dma_start3A_873 = tpu.memref_slice %arg4[%dma_start3A_872, %multiple_of3A_871] : memref<32x1000000xf32, #tpu.memory_space<hbm>> -> memref<32x128xf32, #tpu.memory_space<hbm>>
        %dma_start3A_874 = arith.constant 0 : i32
        %dma_start3A_875 = tpu.memref_slice %arg4[%dma_start3A_874, %multiple_of3A_871] : memref<32x1000000xf32, #tpu.memory_space<hbm>> -> memref<32x128xf32, #tpu.memory_space<hbm>>
        tpu.enqueue_dma source(%dma_start3A_875 : memref<32x128xf32, #tpu.memory_space<hbm>>) target(%arg23 : memref<32x128xf32, #tpu.memory_space<vmem>>) target_semaphore(%arg31 : memref<!tpu.dma_semaphore, #tpu.memory_space<semaphore_mem>>)
      } else {
      }
      %mul3A_374 = arith.constant 16 : i32
      %mul3A_375 = arith.muli %scan3A_143, %mul3A_374 : i32
      %add3A_376 = arith.constant 5 : i32
      %add3A_377 = arith.addi %mul3A_375, %add3A_376 : i32
      %slice3A_378 = vector.extract_strided_slice %get3A_147 {offsets = [5], sizes = [1], strides = [1]} : vector<16xi32> to vector<1xi32>
      %squeeze3A_379 = vector.extract %slice3A_378[0] : i32 from vector<1xi32>
      %dma_wait3A_380 = arith.constant 0 : i32
      %dma_wait3A_381 = arith.constant 0 : i32
      %dma_wait3A_382 = tpu.memref_slice %arg4[%dma_wait3A_380, %dma_wait3A_381] : memref<32x1000000xf32, #tpu.memory_space<hbm>> -> memref<32x128xf32, #tpu.memory_space<hbm>>
      %dma_wait3A_383 = arith.constant 0 : i32
      %dma_wait3A_384 = arith.constant 0 : i32
      %dma_wait3A_385 = tpu.memref_slice %arg4[%dma_wait3A_383, %dma_wait3A_384] : memref<32x1000000xf32, #tpu.memory_space<hbm>> -> memref<32x128xf32, #tpu.memory_space<hbm>>
      tpu.wait_dma2 semaphore(%arg32 : memref<!tpu.dma_semaphore, #tpu.memory_space<semaphore_mem>>) src(%dma_wait3A_385 : memref<32x128xf32, #tpu.memory_space<hbm>>) dst(%arg24 : memref<32x128xf32, #tpu.memory_space<vmem>>)
      %ge3A_386 = arith.constant 999936 : i32
      %ge3A_387 = arith.cmpi sge, %squeeze3A_379, %ge3A_386 : i32
      %sub3A_388 = arith.constant 999936 : i32
      %sub3A_389 = arith.subi %squeeze3A_379, %sub3A_388 : i32
      %and3A_390 = arith.constant 127 : i32
      %and3A_391 = arith.andi %squeeze3A_379, %and3A_390 : i32
      %select_n3A_392 = arith.select %ge3A_387, %sub3A_389, %and3A_391 : i32
      %broadcast_in_dim3A_393 = vector.broadcast %select_n3A_392 : i32 to vector<16xi32>
      %gather3A_394 = tpu.vector_load_idx %arg24[%iota3A, %broadcast_in_dim3A_393] : memref<32x128xf32, #tpu.memory_space<vmem>>[vector<16xi32>, vector<16xi32>], vector<16xf32>,
      %add3A_395 = arith.constant 16 : i32
      %add3A_396 = vector.broadcast %add3A_395 : i32 to vector<16xi32>
      %add3A_397 = arith.addi %iota3A, %add3A_396 : vector<16xi32>
      %gather3A_398 = tpu.vector_load_idx %arg24[%add3A_397, %broadcast_in_dim3A_393] : memref<32x128xf32, #tpu.memory_space<vmem>>[vector<16xi32>, vector<16xi32>], vector<16xf32>,
      %gather3A_399 = tpu.vector_load_idx %arg14[%iota3A, %broadcast_in_dim3A_393] : memref<32x128xf32, #tpu.memory_space<vmem>>[vector<16xi32>, vector<16xi32>], vector<16xf32>,
      %add3A_400 = arith.constant 16 : i32
      %add3A_401 = vector.broadcast %add3A_400 : i32 to vector<16xi32>
      %add3A_402 = arith.addi %iota3A, %add3A_401 : vector<16xi32>
      %gather3A_403 = tpu.vector_load_idx %arg14[%add3A_402, %broadcast_in_dim3A_393] : memref<32x128xf32, #tpu.memory_space<vmem>>[vector<16xi32>, vector<16xi32>], vector<16xf32>,
      %ge3A_404 = arith.constant 999936 : i32
      %ge3A_405 = arith.cmpi sge, %squeeze3A_379, %ge3A_404 : i32
      %select_n3A_406 = arith.select %ge3A_405, %gather3A_399, %gather3A_394 : vector<16xf32>
      %select_n3A_407 = arith.select %ge3A_405, %gather3A_403, %gather3A_398 : vector<16xf32>
      %broadcast_in_dim3A_408 = vector.broadcast %add3A_377 : i32 to vector<16xi32>
      tpu.vector_store_idx %arg16[%iota3A, %broadcast_in_dim3A_408], %select_n3A_406 : memref<32x512xf32, #tpu.memory_space<vmem>>[vector<16xi32>, vector<16xi32>], vector<16xf32>,
      %add3A_409 = arith.constant 16 : i32
      %add3A_410 = vector.broadcast %add3A_409 : i32 to vector<16xi32>
      %add3A_411 = arith.addi %iota3A, %add3A_410 : vector<16xi32>
      tpu.vector_store_idx %arg16[%add3A_411, %broadcast_in_dim3A_408], %select_n3A_407 : memref<32x512xf32, #tpu.memory_space<vmem>>[vector<16xi32>, vector<16xi32>], vector<16xf32>,
      %add3A_412 = arith.constant 8 : i32
      %add3A_413 = arith.addi %add3A_377, %add3A_412 : i32
      %lt3A_414 = arith.constant 512 : i32
      %lt3A_415 = arith.cmpi slt, %add3A_413, %lt3A_414 : i32
      %convert_element_type3A_416 = arith.extui %lt3A_415 : i1 to i32
      %cond3A_417 = arith.constant 0 : i32
      %cond3A_418 = arith.cmpi ne, %convert_element_type3A_416, %cond3A_417 : i32
      scf.if %cond3A_418 {
        %slice3A_869 = vector.extract_strided_slice %get3A_153 {offsets = [5], sizes = [1], strides = [1]} : vector<16xi32> to vector<1xi32>
        %squeeze3A_870 = vector.extract %slice3A_869[0] : i32 from vector<1xi32>
        %multiple_of3A_871 = tpu.assume_multiple %squeeze3A_870, 128 : i32
        %dma_start3A_872 = arith.constant 0 : i32
        %dma_start3A_873 = tpu.memref_slice %arg4[%dma_start3A_872, %multiple_of3A_871] : memref<32x1000000xf32, #tpu.memory_space<hbm>> -> memref<32x128xf32, #tpu.memory_space<hbm>>
        %dma_start3A_874 = arith.constant 0 : i32
        %dma_start3A_875 = tpu.memref_slice %arg4[%dma_start3A_874, %multiple_of3A_871] : memref<32x1000000xf32, #tpu.memory_space<hbm>> -> memref<32x128xf32, #tpu.memory_space<hbm>>
        tpu.enqueue_dma source(%dma_start3A_875 : memref<32x128xf32, #tpu.memory_space<hbm>>) target(%arg24 : memref<32x128xf32, #tpu.memory_space<vmem>>) target_semaphore(%arg32 : memref<!tpu.dma_semaphore, #tpu.memory_space<semaphore_mem>>)
      } else {
      }
      %mul3A_419 = arith.constant 16 : i32
      %mul3A_420 = arith.muli %scan3A_143, %mul3A_419 : i32
      %add3A_421 = arith.constant 6 : i32
      %add3A_422 = arith.addi %mul3A_420, %add3A_421 : i32
      %slice3A_423 = vector.extract_strided_slice %get3A_147 {offsets = [6], sizes = [1], strides = [1]} : vector<16xi32> to vector<1xi32>
      %squeeze3A_424 = vector.extract %slice3A_423[0] : i32 from vector<1xi32>
      %dma_wait3A_425 = arith.constant 0 : i32
      %dma_wait3A_426 = arith.constant 0 : i32
      %dma_wait3A_427 = tpu.memref_slice %arg4[%dma_wait3A_425, %dma_wait3A_426] : memref<32x1000000xf32, #tpu.memory_space<hbm>> -> memref<32x128xf32, #tpu.memory_space<hbm>>
      %dma_wait3A_428 = arith.constant 0 : i32
      %dma_wait3A_429 = arith.constant 0 : i32
      %dma_wait3A_430 = tpu.memref_slice %arg4[%dma_wait3A_428, %dma_wait3A_429] : memref<32x1000000xf32, #tpu.memory_space<hbm>> -> memref<32x128xf32, #tpu.memory_space<hbm>>
      tpu.wait_dma2 semaphore(%arg33 : memref<!tpu.dma_semaphore, #tpu.memory_space<semaphore_mem>>) src(%dma_wait3A_430 : memref<32x128xf32, #tpu.memory_space<hbm>>) dst(%arg25 : memref<32x128xf32, #tpu.memory_space<vmem>>)
      %ge3A_431 = arith.constant 999936 : i32
      %ge3A_432 = arith.cmpi sge, %squeeze3A_424, %ge3A_431 : i32
      %sub3A_433 = arith.constant 999936 : i32
      %sub3A_434 = arith.subi %squeeze3A_424, %sub3A_433 : i32
      %and3A_435 = arith.constant 127 : i32
      %and3A_436 = arith.andi %squeeze3A_424, %and3A_435 : i32
      %select_n3A_437 = arith.select %ge3A_432, %sub3A_434, %and3A_436 : i32
      %broadcast_in_dim3A_438 = vector.broadcast %select_n3A_437 : i32 to vector<16xi32>
      %gather3A_439 = tpu.vector_load_idx %arg25[%iota3A, %broadcast_in_dim3A_438] : memref<32x128xf32, #tpu.memory_space<vmem>>[vector<16xi32>, vector<16xi32>], vector<16xf32>,
      %add3A_440 = arith.constant 16 : i32
      %add3A_441 = vector.broadcast %add3A_440 : i32 to vector<16xi32>
      %add3A_442 = arith.addi %iota3A, %add3A_441 : vector<16xi32>
      %gather3A_443 = tpu.vector_load_idx %arg25[%add3A_442, %broadcast_in_dim3A_438] : memref<32x128xf32, #tpu.memory_space<vmem>>[vector<16xi32>, vector<16xi32>], vector<16xf32>,
      %gather3A_444 = tpu.vector_load_idx %arg14[%iota3A, %broadcast_in_dim3A_438] : memref<32x128xf32, #tpu.memory_space<vmem>>[vector<16xi32>, vector<16xi32>], vector<16xf32>,
      %add3A_445 = arith.constant 16 : i32
      %add3A_446 = vector.broadcast %add3A_445 : i32 to vector<16xi32>
      %add3A_447 = arith.addi %iota3A, %add3A_446 : vector<16xi32>
      %gather3A_448 = tpu.vector_load_idx %arg14[%add3A_447, %broadcast_in_dim3A_438] : memref<32x128xf32, #tpu.memory_space<vmem>>[vector<16xi32>, vector<16xi32>], vector<16xf32>,
      %ge3A_449 = arith.constant 999936 : i32
      %ge3A_450 = arith.cmpi sge, %squeeze3A_424, %ge3A_449 : i32
      %select_n3A_451 = arith.select %ge3A_450, %gather3A_444, %gather3A_439 : vector<16xf32>
      %select_n3A_452 = arith.select %ge3A_450, %gather3A_448, %gather3A_443 : vector<16xf32>
      %broadcast_in_dim3A_453 = vector.broadcast %add3A_422 : i32 to vector<16xi32>
      tpu.vector_store_idx %arg16[%iota3A, %broadcast_in_dim3A_453], %select_n3A_451 : memref<32x512xf32, #tpu.memory_space<vmem>>[vector<16xi32>, vector<16xi32>], vector<16xf32>,
      %add3A_454 = arith.constant 16 : i32
      %add3A_455 = vector.broadcast %add3A_454 : i32 to vector<16xi32>
      %add3A_456 = arith.addi %iota3A, %add3A_455 : vector<16xi32>
      tpu.vector_store_idx %arg16[%add3A_456, %broadcast_in_dim3A_453], %select_n3A_452 : memref<32x512xf32, #tpu.memory_space<vmem>>[vector<16xi32>, vector<16xi32>], vector<16xf32>,
      %add3A_457 = arith.constant 8 : i32
      %add3A_458 = arith.addi %add3A_422, %add3A_457 : i32
      %lt3A_459 = arith.constant 512 : i32
      %lt3A_460 = arith.cmpi slt, %add3A_458, %lt3A_459 : i32
      %convert_element_type3A_461 = arith.extui %lt3A_460 : i1 to i32
      %cond3A_462 = arith.constant 0 : i32
      %cond3A_463 = arith.cmpi ne, %convert_element_type3A_461, %cond3A_462 : i32
      scf.if %cond3A_463 {
        %slice3A_869 = vector.extract_strided_slice %get3A_153 {offsets = [6], sizes = [1], strides = [1]} : vector<16xi32> to vector<1xi32>
        %squeeze3A_870 = vector.extract %slice3A_869[0] : i32 from vector<1xi32>
        %multiple_of3A_871 = tpu.assume_multiple %squeeze3A_870, 128 : i32
        %dma_start3A_872 = arith.constant 0 : i32
        %dma_start3A_873 = tpu.memref_slice %arg4[%dma_start3A_872, %multiple_of3A_871] : memref<32x1000000xf32, #tpu.memory_space<hbm>> -> memref<32x128xf32, #tpu.memory_space<hbm>>
        %dma_start3A_874 = arith.constant 0 : i32
        %dma_start3A_875 = tpu.memref_slice %arg4[%dma_start3A_874, %multiple_of3A_871] : memref<32x1000000xf32, #tpu.memory_space<hbm>> -> memref<32x128xf32, #tpu.memory_space<hbm>>
        tpu.enqueue_dma source(%dma_start3A_875 : memref<32x128xf32, #tpu.memory_space<hbm>>) target(%arg25 : memref<32x128xf32, #tpu.memory_space<vmem>>) target_semaphore(%arg33 : memref<!tpu.dma_semaphore, #tpu.memory_space<semaphore_mem>>)
      } else {
      }
      %mul3A_464 = arith.constant 16 : i32
      %mul3A_465 = arith.muli %scan3A_143, %mul3A_464 : i32
      %add3A_466 = arith.constant 7 : i32
      %add3A_467 = arith.addi %mul3A_465, %add3A_466 : i32
      %slice3A_468 = vector.extract_strided_slice %get3A_147 {offsets = [7], sizes = [1], strides = [1]} : vector<16xi32> to vector<1xi32>
      %squeeze3A_469 = vector.extract %slice3A_468[0] : i32 from vector<1xi32>
      %dma_wait3A_470 = arith.constant 0 : i32
      %dma_wait3A_471 = arith.constant 0 : i32
      %dma_wait3A_472 = tpu.memref_slice %arg4[%dma_wait3A_470, %dma_wait3A_471] : memref<32x1000000xf32, #tpu.memory_space<hbm>> -> memref<32x128xf32, #tpu.memory_space<hbm>>
      %dma_wait3A_473 = arith.constant 0 : i32
      %dma_wait3A_474 = arith.constant 0 : i32
      %dma_wait3A_475 = tpu.memref_slice %arg4[%dma_wait3A_473, %dma_wait3A_474] : memref<32x1000000xf32, #tpu.memory_space<hbm>> -> memref<32x128xf32, #tpu.memory_space<hbm>>
      tpu.wait_dma2 semaphore(%arg34 : memref<!tpu.dma_semaphore, #tpu.memory_space<semaphore_mem>>) src(%dma_wait3A_475 : memref<32x128xf32, #tpu.memory_space<hbm>>) dst(%arg26 : memref<32x128xf32, #tpu.memory_space<vmem>>)
      %ge3A_476 = arith.constant 999936 : i32
      %ge3A_477 = arith.cmpi sge, %squeeze3A_469, %ge3A_476 : i32
      %sub3A_478 = arith.constant 999936 : i32
      %sub3A_479 = arith.subi %squeeze3A_469, %sub3A_478 : i32
      %and3A_480 = arith.constant 127 : i32
      %and3A_481 = arith.andi %squeeze3A_469, %and3A_480 : i32
      %select_n3A_482 = arith.select %ge3A_477, %sub3A_479, %and3A_481 : i32
      %broadcast_in_dim3A_483 = vector.broadcast %select_n3A_482 : i32 to vector<16xi32>
      %gather3A_484 = tpu.vector_load_idx %arg26[%iota3A, %broadcast_in_dim3A_483] : memref<32x128xf32, #tpu.memory_space<vmem>>[vector<16xi32>, vector<16xi32>], vector<16xf32>,
      %add3A_485 = arith.constant 16 : i32
      %add3A_486 = vector.broadcast %add3A_485 : i32 to vector<16xi32>
      %add3A_487 = arith.addi %iota3A, %add3A_486 : vector<16xi32>
      %gather3A_488 = tpu.vector_load_idx %arg26[%add3A_487, %broadcast_in_dim3A_483] : memref<32x128xf32, #tpu.memory_space<vmem>>[vector<16xi32>, vector<16xi32>], vector<16xf32>,
      %gather3A_489 = tpu.vector_load_idx %arg14[%iota3A, %broadcast_in_dim3A_483] : memref<32x128xf32, #tpu.memory_space<vmem>>[vector<16xi32>, vector<16xi32>], vector<16xf32>,
      %add3A_490 = arith.constant 16 : i32
      %add3A_491 = vector.broadcast %add3A_490 : i32 to vector<16xi32>
      %add3A_492 = arith.addi %iota3A, %add3A_491 : vector<16xi32>
      %gather3A_493 = tpu.vector_load_idx %arg14[%add3A_492, %broadcast_in_dim3A_483] : memref<32x128xf32, #tpu.memory_space<vmem>>[vector<16xi32>, vector<16xi32>], vector<16xf32>,
      %ge3A_494 = arith.constant 999936 : i32
      %ge3A_495 = arith.cmpi sge, %squeeze3A_469, %ge3A_494 : i32
      %select_n3A_496 = arith.select %ge3A_495, %gather3A_489, %gather3A_484 : vector<16xf32>
      %select_n3A_497 = arith.select %ge3A_495, %gather3A_493, %gather3A_488 : vector<16xf32>
      %broadcast_in_dim3A_498 = vector.broadcast %add3A_467 : i32 to vector<16xi32>
      tpu.vector_store_idx %arg16[%iota3A, %broadcast_in_dim3A_498], %select_n3A_496 : memref<32x512xf32, #tpu.memory_space<vmem>>[vector<16xi32>, vector<16xi32>], vector<16xf32>,
      %add3A_499 = arith.constant 16 : i32
      %add3A_500 = vector.broadcast %add3A_499 : i32 to vector<16xi32>
      %add3A_501 = arith.addi %iota3A, %add3A_500 : vector<16xi32>
      tpu.vector_store_idx %arg16[%add3A_501, %broadcast_in_dim3A_498], %select_n3A_497 : memref<32x512xf32, #tpu.memory_space<vmem>>[vector<16xi32>, vector<16xi32>], vector<16xf32>,
      %add3A_502 = arith.constant 8 : i32
      %add3A_503 = arith.addi %add3A_467, %add3A_502 : i32
      %lt3A_504 = arith.constant 512 : i32
      %lt3A_505 = arith.cmpi slt, %add3A_503, %lt3A_504 : i32
      %convert_element_type3A_506 = arith.extui %lt3A_505 : i1 to i32
      %cond3A_507 = arith.constant 0 : i32
      %cond3A_508 = arith.cmpi ne, %convert_element_type3A_506, %cond3A_507 : i32
      scf.if %cond3A_508 {
        %slice3A_869 = vector.extract_strided_slice %get3A_153 {offsets = [7], sizes = [1], strides = [1]} : vector<16xi32> to vector<1xi32>
        %squeeze3A_870 = vector.extract %slice3A_869[0] : i32 from vector<1xi32>
        %multiple_of3A_871 = tpu.assume_multiple %squeeze3A_870, 128 : i32
        %dma_start3A_872 = arith.constant 0 : i32
        %dma_start3A_873 = tpu.memref_slice %arg4[%dma_start3A_872, %multiple_of3A_871] : memref<32x1000000xf32, #tpu.memory_space<hbm>> -> memref<32x128xf32, #tpu.memory_space<hbm>>
        %dma_start3A_874 = arith.constant 0 : i32
        %dma_start3A_875 = tpu.memref_slice %arg4[%dma_start3A_874, %multiple_of3A_871] : memref<32x1000000xf32, #tpu.memory_space<hbm>> -> memref<32x128xf32, #tpu.memory_space<hbm>>
        tpu.enqueue_dma source(%dma_start3A_875 : memref<32x128xf32, #tpu.memory_space<hbm>>) target(%arg26 : memref<32x128xf32, #tpu.memory_space<vmem>>) target_semaphore(%arg34 : memref<!tpu.dma_semaphore, #tpu.memory_space<semaphore_mem>>)
      } else {
      }
      %mul3A_509 = arith.constant 16 : i32
      %mul3A_510 = arith.muli %scan3A_143, %mul3A_509 : i32
      %add3A_511 = arith.constant 8 : i32
      %add3A_512 = arith.addi %mul3A_510, %add3A_511 : i32
      %slice3A_513 = vector.extract_strided_slice %get3A_147 {offsets = [8], sizes = [1], strides = [1]} : vector<16xi32> to vector<1xi32>
      %squeeze3A_514 = vector.extract %slice3A_513[0] : i32 from vector<1xi32>
      %dma_wait3A_515 = arith.constant 0 : i32
      %dma_wait3A_516 = arith.constant 0 : i32
      %dma_wait3A_517 = tpu.memref_slice %arg4[%dma_wait3A_515, %dma_wait3A_516] : memref<32x1000000xf32, #tpu.memory_space<hbm>> -> memref<32x128xf32, #tpu.memory_space<hbm>>
      %dma_wait3A_518 = arith.constant 0 : i32
      %dma_wait3A_519 = arith.constant 0 : i32
      %dma_wait3A_520 = tpu.memref_slice %arg4[%dma_wait3A_518, %dma_wait3A_519] : memref<32x1000000xf32, #tpu.memory_space<hbm>> -> memref<32x128xf32, #tpu.memory_space<hbm>>
      tpu.wait_dma2 semaphore(%arg27 : memref<!tpu.dma_semaphore, #tpu.memory_space<semaphore_mem>>) src(%dma_wait3A_520 : memref<32x128xf32, #tpu.memory_space<hbm>>) dst(%arg19 : memref<32x128xf32, #tpu.memory_space<vmem>>)
      %ge3A_521 = arith.constant 999936 : i32
      %ge3A_522 = arith.cmpi sge, %squeeze3A_514, %ge3A_521 : i32
      %sub3A_523 = arith.constant 999936 : i32
      %sub3A_524 = arith.subi %squeeze3A_514, %sub3A_523 : i32
      %and3A_525 = arith.constant 127 : i32
      %and3A_526 = arith.andi %squeeze3A_514, %and3A_525 : i32
      %select_n3A_527 = arith.select %ge3A_522, %sub3A_524, %and3A_526 : i32
      %broadcast_in_dim3A_528 = vector.broadcast %select_n3A_527 : i32 to vector<16xi32>
      %gather3A_529 = tpu.vector_load_idx %arg19[%iota3A, %broadcast_in_dim3A_528] : memref<32x128xf32, #tpu.memory_space<vmem>>[vector<16xi32>, vector<16xi32>], vector<16xf32>,
      %add3A_530 = arith.constant 16 : i32
      %add3A_531 = vector.broadcast %add3A_530 : i32 to vector<16xi32>
      %add3A_532 = arith.addi %iota3A, %add3A_531 : vector<16xi32>
      %gather3A_533 = tpu.vector_load_idx %arg19[%add3A_532, %broadcast_in_dim3A_528] : memref<32x128xf32, #tpu.memory_space<vmem>>[vector<16xi32>, vector<16xi32>], vector<16xf32>,
      %gather3A_534 = tpu.vector_load_idx %arg14[%iota3A, %broadcast_in_dim3A_528] : memref<32x128xf32, #tpu.memory_space<vmem>>[vector<16xi32>, vector<16xi32>], vector<16xf32>,
      %add3A_535 = arith.constant 16 : i32
      %add3A_536 = vector.broadcast %add3A_535 : i32 to vector<16xi32>
      %add3A_537 = arith.addi %iota3A, %add3A_536 : vector<16xi32>
      %gather3A_538 = tpu.vector_load_idx %arg14[%add3A_537, %broadcast_in_dim3A_528] : memref<32x128xf32, #tpu.memory_space<vmem>>[vector<16xi32>, vector<16xi32>], vector<16xf32>,
      %ge3A_539 = arith.constant 999936 : i32
      %ge3A_540 = arith.cmpi sge, %squeeze3A_514, %ge3A_539 : i32
      %select_n3A_541 = arith.select %ge3A_540, %gather3A_534, %gather3A_529 : vector<16xf32>
      %select_n3A_542 = arith.select %ge3A_540, %gather3A_538, %gather3A_533 : vector<16xf32>
      %broadcast_in_dim3A_543 = vector.broadcast %add3A_512 : i32 to vector<16xi32>
      tpu.vector_store_idx %arg16[%iota3A, %broadcast_in_dim3A_543], %select_n3A_541 : memref<32x512xf32, #tpu.memory_space<vmem>>[vector<16xi32>, vector<16xi32>], vector<16xf32>,
      %add3A_544 = arith.constant 16 : i32
      %add3A_545 = vector.broadcast %add3A_544 : i32 to vector<16xi32>
      %add3A_546 = arith.addi %iota3A, %add3A_545 : vector<16xi32>
      tpu.vector_store_idx %arg16[%add3A_546, %broadcast_in_dim3A_543], %select_n3A_542 : memref<32x512xf32, #tpu.memory_space<vmem>>[vector<16xi32>, vector<16xi32>], vector<16xf32>,
      %add3A_547 = arith.constant 8 : i32
      %add3A_548 = arith.addi %add3A_512, %add3A_547 : i32
      %lt3A_549 = arith.constant 512 : i32
      %lt3A_550 = arith.cmpi slt, %add3A_548, %lt3A_549 : i32
      %convert_element_type3A_551 = arith.extui %lt3A_550 : i1 to i32
      %cond3A_552 = arith.constant 0 : i32
      %cond3A_553 = arith.cmpi ne, %convert_element_type3A_551, %cond3A_552 : i32
      scf.if %cond3A_553 {
        %slice3A_869 = vector.extract_strided_slice %get3A_153 {offsets = [8], sizes = [1], strides = [1]} : vector<16xi32> to vector<1xi32>
        %squeeze3A_870 = vector.extract %slice3A_869[0] : i32 from vector<1xi32>
        %multiple_of3A_871 = tpu.assume_multiple %squeeze3A_870, 128 : i32
        %dma_start3A_872 = arith.constant 0 : i32
        %dma_start3A_873 = tpu.memref_slice %arg4[%dma_start3A_872, %multiple_of3A_871] : memref<32x1000000xf32, #tpu.memory_space<hbm>> -> memref<32x128xf32, #tpu.memory_space<hbm>>
        %dma_start3A_874 = arith.constant 0 : i32
        %dma_start3A_875 = tpu.memref_slice %arg4[%dma_start3A_874, %multiple_of3A_871] : memref<32x1000000xf32, #tpu.memory_space<hbm>> -> memref<32x128xf32, #tpu.memory_space<hbm>>
        tpu.enqueue_dma source(%dma_start3A_875 : memref<32x128xf32, #tpu.memory_space<hbm>>) target(%arg19 : memref<32x128xf32, #tpu.memory_space<vmem>>) target_semaphore(%arg27 : memref<!tpu.dma_semaphore, #tpu.memory_space<semaphore_mem>>)
      } else {
      }
      %mul3A_554 = arith.constant 16 : i32
      %mul3A_555 = arith.muli %scan3A_143, %mul3A_554 : i32
      %add3A_556 = arith.constant 9 : i32
      %add3A_557 = arith.addi %mul3A_555, %add3A_556 : i32
      %slice3A_558 = vector.extract_strided_slice %get3A_147 {offsets = [9], sizes = [1], strides = [1]} : vector<16xi32> to vector<1xi32>
      %squeeze3A_559 = vector.extract %slice3A_558[0] : i32 from vector<1xi32>
      %dma_wait3A_560 = arith.constant 0 : i32
      %dma_wait3A_561 = arith.constant 0 : i32
      %dma_wait3A_562 = tpu.memref_slice %arg4[%dma_wait3A_560, %dma_wait3A_561] : memref<32x1000000xf32, #tpu.memory_space<hbm>> -> memref<32x128xf32, #tpu.memory_space<hbm>>
      %dma_wait3A_563 = arith.constant 0 : i32
      %dma_wait3A_564 = arith.constant 0 : i32
      %dma_wait3A_565 = tpu.memref_slice %arg4[%dma_wait3A_563, %dma_wait3A_564] : memref<32x1000000xf32, #tpu.memory_space<hbm>> -> memref<32x128xf32, #tpu.memory_space<hbm>>
      tpu.wait_dma2 semaphore(%arg28 : memref<!tpu.dma_semaphore, #tpu.memory_space<semaphore_mem>>) src(%dma_wait3A_565 : memref<32x128xf32, #tpu.memory_space<hbm>>) dst(%arg20 : memref<32x128xf32, #tpu.memory_space<vmem>>)
      %ge3A_566 = arith.constant 999936 : i32
      %ge3A_567 = arith.cmpi sge, %squeeze3A_559, %ge3A_566 : i32
      %sub3A_568 = arith.constant 999936 : i32
      %sub3A_569 = arith.subi %squeeze3A_559, %sub3A_568 : i32
      %and3A_570 = arith.constant 127 : i32
      %and3A_571 = arith.andi %squeeze3A_559, %and3A_570 : i32
      %select_n3A_572 = arith.select %ge3A_567, %sub3A_569, %and3A_571 : i32
      %broadcast_in_dim3A_573 = vector.broadcast %select_n3A_572 : i32 to vector<16xi32>
      %gather3A_574 = tpu.vector_load_idx %arg20[%iota3A, %broadcast_in_dim3A_573] : memref<32x128xf32, #tpu.memory_space<vmem>>[vector<16xi32>, vector<16xi32>], vector<16xf32>,
      %add3A_575 = arith.constant 16 : i32
      %add3A_576 = vector.broadcast %add3A_575 : i32 to vector<16xi32>
      %add3A_577 = arith.addi %iota3A, %add3A_576 : vector<16xi32>
      %gather3A_578 = tpu.vector_load_idx %arg20[%add3A_577, %broadcast_in_dim3A_573] : memref<32x128xf32, #tpu.memory_space<vmem>>[vector<16xi32>, vector<16xi32>], vector<16xf32>,
      %gather3A_579 = tpu.vector_load_idx %arg14[%iota3A, %broadcast_in_dim3A_573] : memref<32x128xf32, #tpu.memory_space<vmem>>[vector<16xi32>, vector<16xi32>], vector<16xf32>,
      %add3A_580 = arith.constant 16 : i32
      %add3A_581 = vector.broadcast %add3A_580 : i32 to vector<16xi32>
      %add3A_582 = arith.addi %iota3A, %add3A_581 : vector<16xi32>
      %gather3A_583 = tpu.vector_load_idx %arg14[%add3A_582, %broadcast_in_dim3A_573] : memref<32x128xf32, #tpu.memory_space<vmem>>[vector<16xi32>, vector<16xi32>], vector<16xf32>,
      %ge3A_584 = arith.constant 999936 : i32
      %ge3A_585 = arith.cmpi sge, %squeeze3A_559, %ge3A_584 : i32
      %select_n3A_586 = arith.select %ge3A_585, %gather3A_579, %gather3A_574 : vector<16xf32>
      %select_n3A_587 = arith.select %ge3A_585, %gather3A_583, %gather3A_578 : vector<16xf32>
      %broadcast_in_dim3A_588 = vector.broadcast %add3A_557 : i32 to vector<16xi32>
      tpu.vector_store_idx %arg16[%iota3A, %broadcast_in_dim3A_588], %select_n3A_586 : memref<32x512xf32, #tpu.memory_space<vmem>>[vector<16xi32>, vector<16xi32>], vector<16xf32>,
      %add3A_589 = arith.constant 16 : i32
      %add3A_590 = vector.broadcast %add3A_589 : i32 to vector<16xi32>
      %add3A_591 = arith.addi %iota3A, %add3A_590 : vector<16xi32>
      tpu.vector_store_idx %arg16[%add3A_591, %broadcast_in_dim3A_588], %select_n3A_587 : memref<32x512xf32, #tpu.memory_space<vmem>>[vector<16xi32>, vector<16xi32>], vector<16xf32>,
      %add3A_592 = arith.constant 8 : i32
      %add3A_593 = arith.addi %add3A_557, %add3A_592 : i32
      %lt3A_594 = arith.constant 512 : i32
      %lt3A_595 = arith.cmpi slt, %add3A_593, %lt3A_594 : i32
      %convert_element_type3A_596 = arith.extui %lt3A_595 : i1 to i32
      %cond3A_597 = arith.constant 0 : i32
      %cond3A_598 = arith.cmpi ne, %convert_element_type3A_596, %cond3A_597 : i32
      scf.if %cond3A_598 {
        %slice3A_869 = vector.extract_strided_slice %get3A_153 {offsets = [9], sizes = [1], strides = [1]} : vector<16xi32> to vector<1xi32>
        %squeeze3A_870 = vector.extract %slice3A_869[0] : i32 from vector<1xi32>
        %multiple_of3A_871 = tpu.assume_multiple %squeeze3A_870, 128 : i32
        %dma_start3A_872 = arith.constant 0 : i32
        %dma_start3A_873 = tpu.memref_slice %arg4[%dma_start3A_872, %multiple_of3A_871] : memref<32x1000000xf32, #tpu.memory_space<hbm>> -> memref<32x128xf32, #tpu.memory_space<hbm>>
        %dma_start3A_874 = arith.constant 0 : i32
        %dma_start3A_875 = tpu.memref_slice %arg4[%dma_start3A_874, %multiple_of3A_871] : memref<32x1000000xf32, #tpu.memory_space<hbm>> -> memref<32x128xf32, #tpu.memory_space<hbm>>
        tpu.enqueue_dma source(%dma_start3A_875 : memref<32x128xf32, #tpu.memory_space<hbm>>) target(%arg20 : memref<32x128xf32, #tpu.memory_space<vmem>>) target_semaphore(%arg28 : memref<!tpu.dma_semaphore, #tpu.memory_space<semaphore_mem>>)
      } else {
      }
      %mul3A_599 = arith.constant 16 : i32
      %mul3A_600 = arith.muli %scan3A_143, %mul3A_599 : i32
      %add3A_601 = arith.constant 10 : i32
      %add3A_602 = arith.addi %mul3A_600, %add3A_601 : i32
      %slice3A_603 = vector.extract_strided_slice %get3A_147 {offsets = [10], sizes = [1], strides = [1]} : vector<16xi32> to vector<1xi32>
      %squeeze3A_604 = vector.extract %slice3A_603[0] : i32 from vector<1xi32>
      %dma_wait3A_605 = arith.constant 0 : i32
      %dma_wait3A_606 = arith.constant 0 : i32
      %dma_wait3A_607 = tpu.memref_slice %arg4[%dma_wait3A_605, %dma_wait3A_606] : memref<32x1000000xf32, #tpu.memory_space<hbm>> -> memref<32x128xf32, #tpu.memory_space<hbm>>
      %dma_wait3A_608 = arith.constant 0 : i32
      %dma_wait3A_609 = arith.constant 0 : i32
      %dma_wait3A_610 = tpu.memref_slice %arg4[%dma_wait3A_608, %dma_wait3A_609] : memref<32x1000000xf32, #tpu.memory_space<hbm>> -> memref<32x128xf32, #tpu.memory_space<hbm>>
      tpu.wait_dma2 semaphore(%arg29 : memref<!tpu.dma_semaphore, #tpu.memory_space<semaphore_mem>>) src(%dma_wait3A_610 : memref<32x128xf32, #tpu.memory_space<hbm>>) dst(%arg21 : memref<32x128xf32, #tpu.memory_space<vmem>>)
      %ge3A_611 = arith.constant 999936 : i32
      %ge3A_612 = arith.cmpi sge, %squeeze3A_604, %ge3A_611 : i32
      %sub3A_613 = arith.constant 999936 : i32
      %sub3A_614 = arith.subi %squeeze3A_604, %sub3A_613 : i32
      %and3A_615 = arith.constant 127 : i32
      %and3A_616 = arith.andi %squeeze3A_604, %and3A_615 : i32
      %select_n3A_617 = arith.select %ge3A_612, %sub3A_614, %and3A_616 : i32
      %broadcast_in_dim3A_618 = vector.broadcast %select_n3A_617 : i32 to vector<16xi32>
      %gather3A_619 = tpu.vector_load_idx %arg21[%iota3A, %broadcast_in_dim3A_618] : memref<32x128xf32, #tpu.memory_space<vmem>>[vector<16xi32>, vector<16xi32>], vector<16xf32>,
      %add3A_620 = arith.constant 16 : i32
      %add3A_621 = vector.broadcast %add3A_620 : i32 to vector<16xi32>
      %add3A_622 = arith.addi %iota3A, %add3A_621 : vector<16xi32>
      %gather3A_623 = tpu.vector_load_idx %arg21[%add3A_622, %broadcast_in_dim3A_618] : memref<32x128xf32, #tpu.memory_space<vmem>>[vector<16xi32>, vector<16xi32>], vector<16xf32>,
      %gather3A_624 = tpu.vector_load_idx %arg14[%iota3A, %broadcast_in_dim3A_618] : memref<32x128xf32, #tpu.memory_space<vmem>>[vector<16xi32>, vector<16xi32>], vector<16xf32>,
      %add3A_625 = arith.constant 16 : i32
      %add3A_626 = vector.broadcast %add3A_625 : i32 to vector<16xi32>
      %add3A_627 = arith.addi %iota3A, %add3A_626 : vector<16xi32>
      %gather3A_628 = tpu.vector_load_idx %arg14[%add3A_627, %broadcast_in_dim3A_618] : memref<32x128xf32, #tpu.memory_space<vmem>>[vector<16xi32>, vector<16xi32>], vector<16xf32>,
      %ge3A_629 = arith.constant 999936 : i32
      %ge3A_630 = arith.cmpi sge, %squeeze3A_604, %ge3A_629 : i32
      %select_n3A_631 = arith.select %ge3A_630, %gather3A_624, %gather3A_619 : vector<16xf32>
      %select_n3A_632 = arith.select %ge3A_630, %gather3A_628, %gather3A_623 : vector<16xf32>
      %broadcast_in_dim3A_633 = vector.broadcast %add3A_602 : i32 to vector<16xi32>
      tpu.vector_store_idx %arg16[%iota3A, %broadcast_in_dim3A_633], %select_n3A_631 : memref<32x512xf32, #tpu.memory_space<vmem>>[vector<16xi32>, vector<16xi32>], vector<16xf32>,
      %add3A_634 = arith.constant 16 : i32
      %add3A_635 = vector.broadcast %add3A_634 : i32 to vector<16xi32>
      %add3A_636 = arith.addi %iota3A, %add3A_635 : vector<16xi32>
      tpu.vector_store_idx %arg16[%add3A_636, %broadcast_in_dim3A_633], %select_n3A_632 : memref<32x512xf32, #tpu.memory_space<vmem>>[vector<16xi32>, vector<16xi32>], vector<16xf32>,
      %add3A_637 = arith.constant 8 : i32
      %add3A_638 = arith.addi %add3A_602, %add3A_637 : i32
      %lt3A_639 = arith.constant 512 : i32
      %lt3A_640 = arith.cmpi slt, %add3A_638, %lt3A_639 : i32
      %convert_element_type3A_641 = arith.extui %lt3A_640 : i1 to i32
      %cond3A_642 = arith.constant 0 : i32
      %cond3A_643 = arith.cmpi ne, %convert_element_type3A_641, %cond3A_642 : i32
      scf.if %cond3A_643 {
        %slice3A_869 = vector.extract_strided_slice %get3A_153 {offsets = [10], sizes = [1], strides = [1]} : vector<16xi32> to vector<1xi32>
        %squeeze3A_870 = vector.extract %slice3A_869[0] : i32 from vector<1xi32>
        %multiple_of3A_871 = tpu.assume_multiple %squeeze3A_870, 128 : i32
        %dma_start3A_872 = arith.constant 0 : i32
        %dma_start3A_873 = tpu.memref_slice %arg4[%dma_start3A_872, %multiple_of3A_871] : memref<32x1000000xf32, #tpu.memory_space<hbm>> -> memref<32x128xf32, #tpu.memory_space<hbm>>
        %dma_start3A_874 = arith.constant 0 : i32
        %dma_start3A_875 = tpu.memref_slice %arg4[%dma_start3A_874, %multiple_of3A_871] : memref<32x1000000xf32, #tpu.memory_space<hbm>> -> memref<32x128xf32, #tpu.memory_space<hbm>>
        tpu.enqueue_dma source(%dma_start3A_875 : memref<32x128xf32, #tpu.memory_space<hbm>>) target(%arg21 : memref<32x128xf32, #tpu.memory_space<vmem>>) target_semaphore(%arg29 : memref<!tpu.dma_semaphore, #tpu.memory_space<semaphore_mem>>)
      } else {
      }
      %mul3A_644 = arith.constant 16 : i32
      %mul3A_645 = arith.muli %scan3A_143, %mul3A_644 : i32
      %add3A_646 = arith.constant 11 : i32
      %add3A_647 = arith.addi %mul3A_645, %add3A_646 : i32
      %slice3A_648 = vector.extract_strided_slice %get3A_147 {offsets = [11], sizes = [1], strides = [1]} : vector<16xi32> to vector<1xi32>
      %squeeze3A_649 = vector.extract %slice3A_648[0] : i32 from vector<1xi32>
      %dma_wait3A_650 = arith.constant 0 : i32
      %dma_wait3A_651 = arith.constant 0 : i32
      %dma_wait3A_652 = tpu.memref_slice %arg4[%dma_wait3A_650, %dma_wait3A_651] : memref<32x1000000xf32, #tpu.memory_space<hbm>> -> memref<32x128xf32, #tpu.memory_space<hbm>>
      %dma_wait3A_653 = arith.constant 0 : i32
      %dma_wait3A_654 = arith.constant 0 : i32
      %dma_wait3A_655 = tpu.memref_slice %arg4[%dma_wait3A_653, %dma_wait3A_654] : memref<32x1000000xf32, #tpu.memory_space<hbm>> -> memref<32x128xf32, #tpu.memory_space<hbm>>
      tpu.wait_dma2 semaphore(%arg30 : memref<!tpu.dma_semaphore, #tpu.memory_space<semaphore_mem>>) src(%dma_wait3A_655 : memref<32x128xf32, #tpu.memory_space<hbm>>) dst(%arg22 : memref<32x128xf32, #tpu.memory_space<vmem>>)
      %ge3A_656 = arith.constant 999936 : i32
      %ge3A_657 = arith.cmpi sge, %squeeze3A_649, %ge3A_656 : i32
      %sub3A_658 = arith.constant 999936 : i32
      %sub3A_659 = arith.subi %squeeze3A_649, %sub3A_658 : i32
      %and3A_660 = arith.constant 127 : i32
      %and3A_661 = arith.andi %squeeze3A_649, %and3A_660 : i32
      %select_n3A_662 = arith.select %ge3A_657, %sub3A_659, %and3A_661 : i32
      %broadcast_in_dim3A_663 = vector.broadcast %select_n3A_662 : i32 to vector<16xi32>
      %gather3A_664 = tpu.vector_load_idx %arg22[%iota3A, %broadcast_in_dim3A_663] : memref<32x128xf32, #tpu.memory_space<vmem>>[vector<16xi32>, vector<16xi32>], vector<16xf32>,
      %add3A_665 = arith.constant 16 : i32
      %add3A_666 = vector.broadcast %add3A_665 : i32 to vector<16xi32>
      %add3A_667 = arith.addi %iota3A, %add3A_666 : vector<16xi32>
      %gather3A_668 = tpu.vector_load_idx %arg22[%add3A_667, %broadcast_in_dim3A_663] : memref<32x128xf32, #tpu.memory_space<vmem>>[vector<16xi32>, vector<16xi32>], vector<16xf32>,
      %gather3A_669 = tpu.vector_load_idx %arg14[%iota3A, %broadcast_in_dim3A_663] : memref<32x128xf32, #tpu.memory_space<vmem>>[vector<16xi32>, vector<16xi32>], vector<16xf32>,
      %add3A_670 = arith.constant 16 : i32
      %add3A_671 = vector.broadcast %add3A_670 : i32 to vector<16xi32>
      %add3A_672 = arith.addi %iota3A, %add3A_671 : vector<16xi32>
      %gather3A_673 = tpu.vector_load_idx %arg14[%add3A_672, %broadcast_in_dim3A_663] : memref<32x128xf32, #tpu.memory_space<vmem>>[vector<16xi32>, vector<16xi32>], vector<16xf32>,
      %ge3A_674 = arith.constant 999936 : i32
      %ge3A_675 = arith.cmpi sge, %squeeze3A_649, %ge3A_674 : i32
      %select_n3A_676 = arith.select %ge3A_675, %gather3A_669, %gather3A_664 : vector<16xf32>
      %select_n3A_677 = arith.select %ge3A_675, %gather3A_673, %gather3A_668 : vector<16xf32>
      %broadcast_in_dim3A_678 = vector.broadcast %add3A_647 : i32 to vector<16xi32>
      tpu.vector_store_idx %arg16[%iota3A, %broadcast_in_dim3A_678], %select_n3A_676 : memref<32x512xf32, #tpu.memory_space<vmem>>[vector<16xi32>, vector<16xi32>], vector<16xf32>,
      %add3A_679 = arith.constant 16 : i32
      %add3A_680 = vector.broadcast %add3A_679 : i32 to vector<16xi32>
      %add3A_681 = arith.addi %iota3A, %add3A_680 : vector<16xi32>
      tpu.vector_store_idx %arg16[%add3A_681, %broadcast_in_dim3A_678], %select_n3A_677 : memref<32x512xf32, #tpu.memory_space<vmem>>[vector<16xi32>, vector<16xi32>], vector<16xf32>,
      %add3A_682 = arith.constant 8 : i32
      %add3A_683 = arith.addi %add3A_647, %add3A_682 : i32
      %lt3A_684 = arith.constant 512 : i32
      %lt3A_685 = arith.cmpi slt, %add3A_683, %lt3A_684 : i32
      %convert_element_type3A_686 = arith.extui %lt3A_685 : i1 to i32
      %cond3A_687 = arith.constant 0 : i32
      %cond3A_688 = arith.cmpi ne, %convert_element_type3A_686, %cond3A_687 : i32
      scf.if %cond3A_688 {
        %slice3A_869 = vector.extract_strided_slice %get3A_153 {offsets = [11], sizes = [1], strides = [1]} : vector<16xi32> to vector<1xi32>
        %squeeze3A_870 = vector.extract %slice3A_869[0] : i32 from vector<1xi32>
        %multiple_of3A_871 = tpu.assume_multiple %squeeze3A_870, 128 : i32
        %dma_start3A_872 = arith.constant 0 : i32
        %dma_start3A_873 = tpu.memref_slice %arg4[%dma_start3A_872, %multiple_of3A_871] : memref<32x1000000xf32, #tpu.memory_space<hbm>> -> memref<32x128xf32, #tpu.memory_space<hbm>>
        %dma_start3A_874 = arith.constant 0 : i32
        %dma_start3A_875 = tpu.memref_slice %arg4[%dma_start3A_874, %multiple_of3A_871] : memref<32x1000000xf32, #tpu.memory_space<hbm>> -> memref<32x128xf32, #tpu.memory_space<hbm>>
        tpu.enqueue_dma source(%dma_start3A_875 : memref<32x128xf32, #tpu.memory_space<hbm>>) target(%arg22 : memref<32x128xf32, #tpu.memory_space<vmem>>) target_semaphore(%arg30 : memref<!tpu.dma_semaphore, #tpu.memory_space<semaphore_mem>>)
      } else {
      }
      %mul3A_689 = arith.constant 16 : i32
      %mul3A_690 = arith.muli %scan3A_143, %mul3A_689 : i32
      %add3A_691 = arith.constant 12 : i32
      %add3A_692 = arith.addi %mul3A_690, %add3A_691 : i32
      %slice3A_693 = vector.extract_strided_slice %get3A_147 {offsets = [12], sizes = [1], strides = [1]} : vector<16xi32> to vector<1xi32>
      %squeeze3A_694 = vector.extract %slice3A_693[0] : i32 from vector<1xi32>
      %dma_wait3A_695 = arith.constant 0 : i32
      %dma_wait3A_696 = arith.constant 0 : i32
      %dma_wait3A_697 = tpu.memref_slice %arg4[%dma_wait3A_695, %dma_wait3A_696] : memref<32x1000000xf32, #tpu.memory_space<hbm>> -> memref<32x128xf32, #tpu.memory_space<hbm>>
      %dma_wait3A_698 = arith.constant 0 : i32
      %dma_wait3A_699 = arith.constant 0 : i32
      %dma_wait3A_700 = tpu.memref_slice %arg4[%dma_wait3A_698, %dma_wait3A_699] : memref<32x1000000xf32, #tpu.memory_space<hbm>> -> memref<32x128xf32, #tpu.memory_space<hbm>>
      tpu.wait_dma2 semaphore(%arg31 : memref<!tpu.dma_semaphore, #tpu.memory_space<semaphore_mem>>) src(%dma_wait3A_700 : memref<32x128xf32, #tpu.memory_space<hbm>>) dst(%arg23 : memref<32x128xf32, #tpu.memory_space<vmem>>)
      %ge3A_701 = arith.constant 999936 : i32
      %ge3A_702 = arith.cmpi sge, %squeeze3A_694, %ge3A_701 : i32
      %sub3A_703 = arith.constant 999936 : i32
      %sub3A_704 = arith.subi %squeeze3A_694, %sub3A_703 : i32
      %and3A_705 = arith.constant 127 : i32
      %and3A_706 = arith.andi %squeeze3A_694, %and3A_705 : i32
      %select_n3A_707 = arith.select %ge3A_702, %sub3A_704, %and3A_706 : i32
      %broadcast_in_dim3A_708 = vector.broadcast %select_n3A_707 : i32 to vector<16xi32>
      %gather3A_709 = tpu.vector_load_idx %arg23[%iota3A, %broadcast_in_dim3A_708] : memref<32x128xf32, #tpu.memory_space<vmem>>[vector<16xi32>, vector<16xi32>], vector<16xf32>,
      %add3A_710 = arith.constant 16 : i32
      %add3A_711 = vector.broadcast %add3A_710 : i32 to vector<16xi32>
      %add3A_712 = arith.addi %iota3A, %add3A_711 : vector<16xi32>
      %gather3A_713 = tpu.vector_load_idx %arg23[%add3A_712, %broadcast_in_dim3A_708] : memref<32x128xf32, #tpu.memory_space<vmem>>[vector<16xi32>, vector<16xi32>], vector<16xf32>,
      %gather3A_714 = tpu.vector_load_idx %arg14[%iota3A, %broadcast_in_dim3A_708] : memref<32x128xf32, #tpu.memory_space<vmem>>[vector<16xi32>, vector<16xi32>], vector<16xf32>,
      %add3A_715 = arith.constant 16 : i32
      %add3A_716 = vector.broadcast %add3A_715 : i32 to vector<16xi32>
      %add3A_717 = arith.addi %iota3A, %add3A_716 : vector<16xi32>
      %gather3A_718 = tpu.vector_load_idx %arg14[%add3A_717, %broadcast_in_dim3A_708] : memref<32x128xf32, #tpu.memory_space<vmem>>[vector<16xi32>, vector<16xi32>], vector<16xf32>,
      %ge3A_719 = arith.constant 999936 : i32
      %ge3A_720 = arith.cmpi sge, %squeeze3A_694, %ge3A_719 : i32
      %select_n3A_721 = arith.select %ge3A_720, %gather3A_714, %gather3A_709 : vector<16xf32>
      %select_n3A_722 = arith.select %ge3A_720, %gather3A_718, %gather3A_713 : vector<16xf32>
      %broadcast_in_dim3A_723 = vector.broadcast %add3A_692 : i32 to vector<16xi32>
      tpu.vector_store_idx %arg16[%iota3A, %broadcast_in_dim3A_723], %select_n3A_721 : memref<32x512xf32, #tpu.memory_space<vmem>>[vector<16xi32>, vector<16xi32>], vector<16xf32>,
      %add3A_724 = arith.constant 16 : i32
      %add3A_725 = vector.broadcast %add3A_724 : i32 to vector<16xi32>
      %add3A_726 = arith.addi %iota3A, %add3A_725 : vector<16xi32>
      tpu.vector_store_idx %arg16[%add3A_726, %broadcast_in_dim3A_723], %select_n3A_722 : memref<32x512xf32, #tpu.memory_space<vmem>>[vector<16xi32>, vector<16xi32>], vector<16xf32>,
      %add3A_727 = arith.constant 8 : i32
      %add3A_728 = arith.addi %add3A_692, %add3A_727 : i32
      %lt3A_729 = arith.constant 512 : i32
      %lt3A_730 = arith.cmpi slt, %add3A_728, %lt3A_729 : i32
      %convert_element_type3A_731 = arith.extui %lt3A_730 : i1 to i32
      %cond3A_732 = arith.constant 0 : i32
      %cond3A_733 = arith.cmpi ne, %convert_element_type3A_731, %cond3A_732 : i32
      scf.if %cond3A_733 {
        %slice3A_869 = vector.extract_strided_slice %get3A_153 {offsets = [12], sizes = [1], strides = [1]} : vector<16xi32> to vector<1xi32>
        %squeeze3A_870 = vector.extract %slice3A_869[0] : i32 from vector<1xi32>
        %multiple_of3A_871 = tpu.assume_multiple %squeeze3A_870, 128 : i32
        %dma_start3A_872 = arith.constant 0 : i32
        %dma_start3A_873 = tpu.memref_slice %arg4[%dma_start3A_872, %multiple_of3A_871] : memref<32x1000000xf32, #tpu.memory_space<hbm>> -> memref<32x128xf32, #tpu.memory_space<hbm>>
        %dma_start3A_874 = arith.constant 0 : i32
        %dma_start3A_875 = tpu.memref_slice %arg4[%dma_start3A_874, %multiple_of3A_871] : memref<32x1000000xf32, #tpu.memory_space<hbm>> -> memref<32x128xf32, #tpu.memory_space<hbm>>
        tpu.enqueue_dma source(%dma_start3A_875 : memref<32x128xf32, #tpu.memory_space<hbm>>) target(%arg23 : memref<32x128xf32, #tpu.memory_space<vmem>>) target_semaphore(%arg31 : memref<!tpu.dma_semaphore, #tpu.memory_space<semaphore_mem>>)
      } else {
      }
      %mul3A_734 = arith.constant 16 : i32
      %mul3A_735 = arith.muli %scan3A_143, %mul3A_734 : i32
      %add3A_736 = arith.constant 13 : i32
      %add3A_737 = arith.addi %mul3A_735, %add3A_736 : i32
      %slice3A_738 = vector.extract_strided_slice %get3A_147 {offsets = [13], sizes = [1], strides = [1]} : vector<16xi32> to vector<1xi32>
      %squeeze3A_739 = vector.extract %slice3A_738[0] : i32 from vector<1xi32>
      %dma_wait3A_740 = arith.constant 0 : i32
      %dma_wait3A_741 = arith.constant 0 : i32
      %dma_wait3A_742 = tpu.memref_slice %arg4[%dma_wait3A_740, %dma_wait3A_741] : memref<32x1000000xf32, #tpu.memory_space<hbm>> -> memref<32x128xf32, #tpu.memory_space<hbm>>
      %dma_wait3A_743 = arith.constant 0 : i32
      %dma_wait3A_744 = arith.constant 0 : i32
      %dma_wait3A_745 = tpu.memref_slice %arg4[%dma_wait3A_743, %dma_wait3A_744] : memref<32x1000000xf32, #tpu.memory_space<hbm>> -> memref<32x128xf32, #tpu.memory_space<hbm>>
      tpu.wait_dma2 semaphore(%arg32 : memref<!tpu.dma_semaphore, #tpu.memory_space<semaphore_mem>>) src(%dma_wait3A_745 : memref<32x128xf32, #tpu.memory_space<hbm>>) dst(%arg24 : memref<32x128xf32, #tpu.memory_space<vmem>>)
      %ge3A_746 = arith.constant 999936 : i32
      %ge3A_747 = arith.cmpi sge, %squeeze3A_739, %ge3A_746 : i32
      %sub3A_748 = arith.constant 999936 : i32
      %sub3A_749 = arith.subi %squeeze3A_739, %sub3A_748 : i32
      %and3A_750 = arith.constant 127 : i32
      %and3A_751 = arith.andi %squeeze3A_739, %and3A_750 : i32
      %select_n3A_752 = arith.select %ge3A_747, %sub3A_749, %and3A_751 : i32
      %broadcast_in_dim3A_753 = vector.broadcast %select_n3A_752 : i32 to vector<16xi32>
      %gather3A_754 = tpu.vector_load_idx %arg24[%iota3A, %broadcast_in_dim3A_753] : memref<32x128xf32, #tpu.memory_space<vmem>>[vector<16xi32>, vector<16xi32>], vector<16xf32>,
      %add3A_755 = arith.constant 16 : i32
      %add3A_756 = vector.broadcast %add3A_755 : i32 to vector<16xi32>
      %add3A_757 = arith.addi %iota3A, %add3A_756 : vector<16xi32>
      %gather3A_758 = tpu.vector_load_idx %arg24[%add3A_757, %broadcast_in_dim3A_753] : memref<32x128xf32, #tpu.memory_space<vmem>>[vector<16xi32>, vector<16xi32>], vector<16xf32>,
      %gather3A_759 = tpu.vector_load_idx %arg14[%iota3A, %broadcast_in_dim3A_753] : memref<32x128xf32, #tpu.memory_space<vmem>>[vector<16xi32>, vector<16xi32>], vector<16xf32>,
      %add3A_760 = arith.constant 16 : i32
      %add3A_761 = vector.broadcast %add3A_760 : i32 to vector<16xi32>
      %add3A_762 = arith.addi %iota3A, %add3A_761 : vector<16xi32>
      %gather3A_763 = tpu.vector_load_idx %arg14[%add3A_762, %broadcast_in_dim3A_753] : memref<32x128xf32, #tpu.memory_space<vmem>>[vector<16xi32>, vector<16xi32>], vector<16xf32>,
      %ge3A_764 = arith.constant 999936 : i32
      %ge3A_765 = arith.cmpi sge, %squeeze3A_739, %ge3A_764 : i32
      %select_n3A_766 = arith.select %ge3A_765, %gather3A_759, %gather3A_754 : vector<16xf32>
      %select_n3A_767 = arith.select %ge3A_765, %gather3A_763, %gather3A_758 : vector<16xf32>
      %broadcast_in_dim3A_768 = vector.broadcast %add3A_737 : i32 to vector<16xi32>
      tpu.vector_store_idx %arg16[%iota3A, %broadcast_in_dim3A_768], %select_n3A_766 : memref<32x512xf32, #tpu.memory_space<vmem>>[vector<16xi32>, vector<16xi32>], vector<16xf32>,
      %add3A_769 = arith.constant 16 : i32
      %add3A_770 = vector.broadcast %add3A_769 : i32 to vector<16xi32>
      %add3A_771 = arith.addi %iota3A, %add3A_770 : vector<16xi32>
      tpu.vector_store_idx %arg16[%add3A_771, %broadcast_in_dim3A_768], %select_n3A_767 : memref<32x512xf32, #tpu.memory_space<vmem>>[vector<16xi32>, vector<16xi32>], vector<16xf32>,
      %add3A_772 = arith.constant 8 : i32
      %add3A_773 = arith.addi %add3A_737, %add3A_772 : i32
      %lt3A_774 = arith.constant 512 : i32
      %lt3A_775 = arith.cmpi slt, %add3A_773, %lt3A_774 : i32
      %convert_element_type3A_776 = arith.extui %lt3A_775 : i1 to i32
      %cond3A_777 = arith.constant 0 : i32
      %cond3A_778 = arith.cmpi ne, %convert_element_type3A_776, %cond3A_777 : i32
      scf.if %cond3A_778 {
        %slice3A_869 = vector.extract_strided_slice %get3A_153 {offsets = [13], sizes = [1], strides = [1]} : vector<16xi32> to vector<1xi32>
        %squeeze3A_870 = vector.extract %slice3A_869[0] : i32 from vector<1xi32>
        %multiple_of3A_871 = tpu.assume_multiple %squeeze3A_870, 128 : i32
        %dma_start3A_872 = arith.constant 0 : i32
        %dma_start3A_873 = tpu.memref_slice %arg4[%dma_start3A_872, %multiple_of3A_871] : memref<32x1000000xf32, #tpu.memory_space<hbm>> -> memref<32x128xf32, #tpu.memory_space<hbm>>
        %dma_start3A_874 = arith.constant 0 : i32
        %dma_start3A_875 = tpu.memref_slice %arg4[%dma_start3A_874, %multiple_of3A_871] : memref<32x1000000xf32, #tpu.memory_space<hbm>> -> memref<32x128xf32, #tpu.memory_space<hbm>>
        tpu.enqueue_dma source(%dma_start3A_875 : memref<32x128xf32, #tpu.memory_space<hbm>>) target(%arg24 : memref<32x128xf32, #tpu.memory_space<vmem>>) target_semaphore(%arg32 : memref<!tpu.dma_semaphore, #tpu.memory_space<semaphore_mem>>)
      } else {
      }
      %mul3A_779 = arith.constant 16 : i32
      %mul3A_780 = arith.muli %scan3A_143, %mul3A_779 : i32
      %add3A_781 = arith.constant 14 : i32
      %add3A_782 = arith.addi %mul3A_780, %add3A_781 : i32
      %slice3A_783 = vector.extract_strided_slice %get3A_147 {offsets = [14], sizes = [1], strides = [1]} : vector<16xi32> to vector<1xi32>
      %squeeze3A_784 = vector.extract %slice3A_783[0] : i32 from vector<1xi32>
      %dma_wait3A_785 = arith.constant 0 : i32
      %dma_wait3A_786 = arith.constant 0 : i32
      %dma_wait3A_787 = tpu.memref_slice %arg4[%dma_wait3A_785, %dma_wait3A_786] : memref<32x1000000xf32, #tpu.memory_space<hbm>> -> memref<32x128xf32, #tpu.memory_space<hbm>>
      %dma_wait3A_788 = arith.constant 0 : i32
      %dma_wait3A_789 = arith.constant 0 : i32
      %dma_wait3A_790 = tpu.memref_slice %arg4[%dma_wait3A_788, %dma_wait3A_789] : memref<32x1000000xf32, #tpu.memory_space<hbm>> -> memref<32x128xf32, #tpu.memory_space<hbm>>
      tpu.wait_dma2 semaphore(%arg33 : memref<!tpu.dma_semaphore, #tpu.memory_space<semaphore_mem>>) src(%dma_wait3A_790 : memref<32x128xf32, #tpu.memory_space<hbm>>) dst(%arg25 : memref<32x128xf32, #tpu.memory_space<vmem>>)
      %ge3A_791 = arith.constant 999936 : i32
      %ge3A_792 = arith.cmpi sge, %squeeze3A_784, %ge3A_791 : i32
      %sub3A_793 = arith.constant 999936 : i32
      %sub3A_794 = arith.subi %squeeze3A_784, %sub3A_793 : i32
      %and3A_795 = arith.constant 127 : i32
      %and3A_796 = arith.andi %squeeze3A_784, %and3A_795 : i32
      %select_n3A_797 = arith.select %ge3A_792, %sub3A_794, %and3A_796 : i32
      %broadcast_in_dim3A_798 = vector.broadcast %select_n3A_797 : i32 to vector<16xi32>
      %gather3A_799 = tpu.vector_load_idx %arg25[%iota3A, %broadcast_in_dim3A_798] : memref<32x128xf32, #tpu.memory_space<vmem>>[vector<16xi32>, vector<16xi32>], vector<16xf32>,
      %add3A_800 = arith.constant 16 : i32
      %add3A_801 = vector.broadcast %add3A_800 : i32 to vector<16xi32>
      %add3A_802 = arith.addi %iota3A, %add3A_801 : vector<16xi32>
      %gather3A_803 = tpu.vector_load_idx %arg25[%add3A_802, %broadcast_in_dim3A_798] : memref<32x128xf32, #tpu.memory_space<vmem>>[vector<16xi32>, vector<16xi32>], vector<16xf32>,
      %gather3A_804 = tpu.vector_load_idx %arg14[%iota3A, %broadcast_in_dim3A_798] : memref<32x128xf32, #tpu.memory_space<vmem>>[vector<16xi32>, vector<16xi32>], vector<16xf32>,
      %add3A_805 = arith.constant 16 : i32
      %add3A_806 = vector.broadcast %add3A_805 : i32 to vector<16xi32>
      %add3A_807 = arith.addi %iota3A, %add3A_806 : vector<16xi32>
      %gather3A_808 = tpu.vector_load_idx %arg14[%add3A_807, %broadcast_in_dim3A_798] : memref<32x128xf32, #tpu.memory_space<vmem>>[vector<16xi32>, vector<16xi32>], vector<16xf32>,
      %ge3A_809 = arith.constant 999936 : i32
      %ge3A_810 = arith.cmpi sge, %squeeze3A_784, %ge3A_809 : i32
      %select_n3A_811 = arith.select %ge3A_810, %gather3A_804, %gather3A_799 : vector<16xf32>
      %select_n3A_812 = arith.select %ge3A_810, %gather3A_808, %gather3A_803 : vector<16xf32>
      %broadcast_in_dim3A_813 = vector.broadcast %add3A_782 : i32 to vector<16xi32>
      tpu.vector_store_idx %arg16[%iota3A, %broadcast_in_dim3A_813], %select_n3A_811 : memref<32x512xf32, #tpu.memory_space<vmem>>[vector<16xi32>, vector<16xi32>], vector<16xf32>,
      %add3A_814 = arith.constant 16 : i32
      %add3A_815 = vector.broadcast %add3A_814 : i32 to vector<16xi32>
      %add3A_816 = arith.addi %iota3A, %add3A_815 : vector<16xi32>
      tpu.vector_store_idx %arg16[%add3A_816, %broadcast_in_dim3A_813], %select_n3A_812 : memref<32x512xf32, #tpu.memory_space<vmem>>[vector<16xi32>, vector<16xi32>], vector<16xf32>,
      %add3A_817 = arith.constant 8 : i32
      %add3A_818 = arith.addi %add3A_782, %add3A_817 : i32
      %lt3A_819 = arith.constant 512 : i32
      %lt3A_820 = arith.cmpi slt, %add3A_818, %lt3A_819 : i32
      %convert_element_type3A_821 = arith.extui %lt3A_820 : i1 to i32
      %cond3A_822 = arith.constant 0 : i32
      %cond3A_823 = arith.cmpi ne, %convert_element_type3A_821, %cond3A_822 : i32
      scf.if %cond3A_823 {
        %slice3A_869 = vector.extract_strided_slice %get3A_153 {offsets = [14], sizes = [1], strides = [1]} : vector<16xi32> to vector<1xi32>
        %squeeze3A_870 = vector.extract %slice3A_869[0] : i32 from vector<1xi32>
        %multiple_of3A_871 = tpu.assume_multiple %squeeze3A_870, 128 : i32
        %dma_start3A_872 = arith.constant 0 : i32
        %dma_start3A_873 = tpu.memref_slice %arg4[%dma_start3A_872, %multiple_of3A_871] : memref<32x1000000xf32, #tpu.memory_space<hbm>> -> memref<32x128xf32, #tpu.memory_space<hbm>>
        %dma_start3A_874 = arith.constant 0 : i32
        %dma_start3A_875 = tpu.memref_slice %arg4[%dma_start3A_874, %multiple_of3A_871] : memref<32x1000000xf32, #tpu.memory_space<hbm>> -> memref<32x128xf32, #tpu.memory_space<hbm>>
        tpu.enqueue_dma source(%dma_start3A_875 : memref<32x128xf32, #tpu.memory_space<hbm>>) target(%arg25 : memref<32x128xf32, #tpu.memory_space<vmem>>) target_semaphore(%arg33 : memref<!tpu.dma_semaphore, #tpu.memory_space<semaphore_mem>>)
      } else {
      }
      %mul3A_824 = arith.constant 16 : i32
      %mul3A_825 = arith.muli %scan3A_143, %mul3A_824 : i32
      %add3A_826 = arith.constant 15 : i32
      %add3A_827 = arith.addi %mul3A_825, %add3A_826 : i32
      %slice3A_828 = vector.extract_strided_slice %get3A_147 {offsets = [15], sizes = [1], strides = [1]} : vector<16xi32> to vector<1xi32>
      %squeeze3A_829 = vector.extract %slice3A_828[0] : i32 from vector<1xi32>
      %dma_wait3A_830 = arith.constant 0 : i32
      %dma_wait3A_831 = arith.constant 0 : i32
      %dma_wait3A_832 = tpu.memref_slice %arg4[%dma_wait3A_830, %dma_wait3A_831] : memref<32x1000000xf32, #tpu.memory_space<hbm>> -> memref<32x128xf32, #tpu.memory_space<hbm>>
      %dma_wait3A_833 = arith.constant 0 : i32
      %dma_wait3A_834 = arith.constant 0 : i32
      %dma_wait3A_835 = tpu.memref_slice %arg4[%dma_wait3A_833, %dma_wait3A_834] : memref<32x1000000xf32, #tpu.memory_space<hbm>> -> memref<32x128xf32, #tpu.memory_space<hbm>>
      tpu.wait_dma2 semaphore(%arg34 : memref<!tpu.dma_semaphore, #tpu.memory_space<semaphore_mem>>) src(%dma_wait3A_835 : memref<32x128xf32, #tpu.memory_space<hbm>>) dst(%arg26 : memref<32x128xf32, #tpu.memory_space<vmem>>)
      %ge3A_836 = arith.constant 999936 : i32
      %ge3A_837 = arith.cmpi sge, %squeeze3A_829, %ge3A_836 : i32
      %sub3A_838 = arith.constant 999936 : i32
      %sub3A_839 = arith.subi %squeeze3A_829, %sub3A_838 : i32
      %and3A_840 = arith.constant 127 : i32
      %and3A_841 = arith.andi %squeeze3A_829, %and3A_840 : i32
      %select_n3A_842 = arith.select %ge3A_837, %sub3A_839, %and3A_841 : i32
      %broadcast_in_dim3A_843 = vector.broadcast %select_n3A_842 : i32 to vector<16xi32>
      %gather3A_844 = tpu.vector_load_idx %arg26[%iota3A, %broadcast_in_dim3A_843] : memref<32x128xf32, #tpu.memory_space<vmem>>[vector<16xi32>, vector<16xi32>], vector<16xf32>,
      %add3A_845 = arith.constant 16 : i32
      %add3A_846 = vector.broadcast %add3A_845 : i32 to vector<16xi32>
      %add3A_847 = arith.addi %iota3A, %add3A_846 : vector<16xi32>
      %gather3A_848 = tpu.vector_load_idx %arg26[%add3A_847, %broadcast_in_dim3A_843] : memref<32x128xf32, #tpu.memory_space<vmem>>[vector<16xi32>, vector<16xi32>], vector<16xf32>,
      %gather3A_849 = tpu.vector_load_idx %arg14[%iota3A, %broadcast_in_dim3A_843] : memref<32x128xf32, #tpu.memory_space<vmem>>[vector<16xi32>, vector<16xi32>], vector<16xf32>,
      %add3A_850 = arith.constant 16 : i32
      %add3A_851 = vector.broadcast %add3A_850 : i32 to vector<16xi32>
      %add3A_852 = arith.addi %iota3A, %add3A_851 : vector<16xi32>
      %gather3A_853 = tpu.vector_load_idx %arg14[%add3A_852, %broadcast_in_dim3A_843] : memref<32x128xf32, #tpu.memory_space<vmem>>[vector<16xi32>, vector<16xi32>], vector<16xf32>,
      %ge3A_854 = arith.constant 999936 : i32
      %ge3A_855 = arith.cmpi sge, %squeeze3A_829, %ge3A_854 : i32
      %select_n3A_856 = arith.select %ge3A_855, %gather3A_849, %gather3A_844 : vector<16xf32>
      %select_n3A_857 = arith.select %ge3A_855, %gather3A_853, %gather3A_848 : vector<16xf32>
      %broadcast_in_dim3A_858 = vector.broadcast %add3A_827 : i32 to vector<16xi32>
      tpu.vector_store_idx %arg16[%iota3A, %broadcast_in_dim3A_858], %select_n3A_856 : memref<32x512xf32, #tpu.memory_space<vmem>>[vector<16xi32>, vector<16xi32>], vector<16xf32>,
      %add3A_859 = arith.constant 16 : i32
      %add3A_860 = vector.broadcast %add3A_859 : i32 to vector<16xi32>
      %add3A_861 = arith.addi %iota3A, %add3A_860 : vector<16xi32>
      tpu.vector_store_idx %arg16[%add3A_861, %broadcast_in_dim3A_858], %select_n3A_857 : memref<32x512xf32, #tpu.memory_space<vmem>>[vector<16xi32>, vector<16xi32>], vector<16xf32>,
      %add3A_862 = arith.constant 8 : i32
      %add3A_863 = arith.addi %add3A_827, %add3A_862 : i32
      %lt3A_864 = arith.constant 512 : i32
      %lt3A_865 = arith.cmpi slt, %add3A_863, %lt3A_864 : i32
      %convert_element_type3A_866 = arith.extui %lt3A_865 : i1 to i32
      %cond3A_867 = arith.constant 0 : i32
      %cond3A_868 = arith.cmpi ne, %convert_element_type3A_866, %cond3A_867 : i32
      scf.if %cond3A_868 {
        %slice3A_869 = vector.extract_strided_slice %get3A_153 {offsets = [15], sizes = [1], strides = [1]} : vector<16xi32> to vector<1xi32>
        %squeeze3A_870 = vector.extract %slice3A_869[0] : i32 from vector<1xi32>
        %multiple_of3A_871 = tpu.assume_multiple %squeeze3A_870, 128 : i32
        %dma_start3A_872 = arith.constant 0 : i32
        %dma_start3A_873 = tpu.memref_slice %arg4[%dma_start3A_872, %multiple_of3A_871] : memref<32x1000000xf32, #tpu.memory_space<hbm>> -> memref<32x128xf32, #tpu.memory_space<hbm>>
        %dma_start3A_874 = arith.constant 0 : i32
        %dma_start3A_875 = tpu.memref_slice %arg4[%dma_start3A_874, %multiple_of3A_871] : memref<32x1000000xf32, #tpu.memory_space<hbm>> -> memref<32x128xf32, #tpu.memory_space<hbm>>
        tpu.enqueue_dma source(%dma_start3A_875 : memref<32x128xf32, #tpu.memory_space<hbm>>) target(%arg26 : memref<32x128xf32, #tpu.memory_space<vmem>>) target_semaphore(%arg34 : memref<!tpu.dma_semaphore, #tpu.memory_space<semaphore_mem>>)
      } else {
      }
    }
    %scan3A_68 = arith.constant 32 : i32
    %scan3A_69 = arith.constant 0 : i32
    %scan3A_70 = arith.constant 0 : i32
    %scan3A_71 = arith.constant 32 : i32
    %scan3A_72 = arith.addi %scan3A_70, %scan3A_71 : i32
    %scan3A_73 = arith.constant 1 : i32
    scf.for %scan3A_143 = %scan3A_70 to %scan3A_72 step %scan3A_73  : i32 {
      %mul3A_144 = arith.constant 16 : i32
      %mul3A_145 = arith.muli %scan3A_143, %mul3A_144 : i32
      %get3A_146 = arith.index_cast %mul3A_145 : i32 to index
      %get3A_147 = tpu.vector_load %arg12[%get3A_146] {strides = array<i32>} : memref<512xi32, #tpu.memory_space<vmem>>, vector<16xi32>,
      %shift_right_arithmetic3A = arith.constant 7 : i32
      %shift_right_arithmetic3A_148 = vector.broadcast %shift_right_arithmetic3A : i32 to vector<16xi32>
      %shift_right_arithmetic3A_149 = arith.shrsi %get3A_147, %shift_right_arithmetic3A_148 : vector<16xi32>
      %shift_left3A = arith.constant 7 : i32
      %shift_left3A_150 = vector.broadcast %shift_left3A : i32 to vector<16xi32>
      %shift_left3A_151 = arith.shli %shift_right_arithmetic3A_149, %shift_left3A_150 : vector<16xi32>
      %ge3A = arith.constant 99968 : i32
      %ge3A_152 = vector.broadcast %ge3A : i32 to vector<16xi32>
      %ge3A_153 = arith.cmpi sge, %get3A_147, %ge3A_152 : vector<16xi32>
      %jit3A = arith.constant 0 : i32
      %broadcast_in_dim3A_154 = vector.broadcast %jit3A : i32 to vector<16xi32>
      %select_n3A = arith.select %ge3A_153, %broadcast_in_dim3A_154, %shift_left3A_151 : vector<16xi1>, vector<16xi32>
      %mul3A_155 = arith.constant 16 : i32
      %mul3A_156 = arith.muli %scan3A_143, %mul3A_155 : i32
      %swap3A_157 = arith.index_cast %mul3A_156 : i32 to index
      %swap3A_158 = tpu.vector_load %arg13[%swap3A_157] {strides = array<i32>} : memref<528xi32, #tpu.memory_space<vmem>>, vector<16xi32>,
      tpu.vector_store %arg13[%swap3A_157], %select_n3A {strides = array<i32>} : memref<528xi32, #tpu.memory_space<vmem>>, vector<16xi32>,
    }
    %scan3A_74 = arith.constant 32 : i32
    %broadcast_in_dim3A_75 = arith.constant 0 : i32
    %broadcast_in_dim3A_76 = vector.broadcast %broadcast_in_dim3A_75 : i32 to vector<16xi32>
    %swap3A_77 = arith.constant 512 : index
    %swap3A_78 = tpu.vector_load %arg13[%swap3A_77] {strides = array<i32>} : memref<528xi32, #tpu.memory_space<vmem>>, vector<16xi32>,
    tpu.vector_store %arg13[%swap3A_77], %broadcast_in_dim3A_76 {strides = array<i32>} : memref<528xi32, #tpu.memory_space<vmem>>, vector<16xi32>,
    %get3A_79 = arith.constant 0 : index
    %get3A_80 = tpu.vector_load %arg13[%get3A_79] {strides = array<i32>} : memref<528xi32, #tpu.memory_space<vmem>>, vector<16xi32>,
    %slice3A_81 = vector.extract_strided_slice %get3A_80 {offsets = [0], sizes = [1], strides = [1]} : vector<16xi32> to vector<1xi32>
    %squeeze3A_82 = vector.extract %slice3A_81[0] : i32 from vector<1xi32>
    %multiple_of3A_83 = tpu.assume_multiple %squeeze3A_82, 128 : i32
    %dma_start3A_84 = arith.constant 0 : i32
    %dma_start3A_85 = tpu.memref_slice %arg5[%dma_start3A_84, %multiple_of3A_83] : memref<32x100000xf32, #tpu.memory_space<hbm>> -> memref<32x128xf32, #tpu.memory_space<hbm>>
    %dma_start3A_86 = arith.constant 0 : i32
    %dma_start3A_87 = tpu.memref_slice %arg5[%dma_start3A_86, %multiple_of3A_83] : memref<32x100000xf32, #tpu.memory_space<hbm>> -> memref<32x128xf32, #tpu.memory_space<hbm>>
    tpu.enqueue_dma source(%dma_start3A_87 : memref<32x128xf32, #tpu.memory_space<hbm>>) target(%arg19 : memref<32x128xf32, #tpu.memory_space<vmem>>) target_semaphore(%arg27 : memref<!tpu.dma_semaphore, #tpu.memory_space<semaphore_mem>>)
    %slice3A_88 = vector.extract_strided_slice %get3A_80 {offsets = [1], sizes = [1], strides = [1]} : vector<16xi32> to vector<1xi32>
    %squeeze3A_89 = vector.extract %slice3A_88[0] : i32 from vector<1xi32>
    %multiple_of3A_90 = tpu.assume_multiple %squeeze3A_89, 128 : i32
    %dma_start3A_91 = arith.constant 0 : i32
    %dma_start3A_92 = tpu.memref_slice %arg5[%dma_start3A_91, %multiple_of3A_90] : memref<32x100000xf32, #tpu.memory_space<hbm>> -> memref<32x128xf32, #tpu.memory_space<hbm>>
    %dma_start3A_93 = arith.constant 0 : i32
    %dma_start3A_94 = tpu.memref_slice %arg5[%dma_start3A_93, %multiple_of3A_90] : memref<32x100000xf32, #tpu.memory_space<hbm>> -> memref<32x128xf32, #tpu.memory_space<hbm>>
    tpu.enqueue_dma source(%dma_start3A_94 : memref<32x128xf32, #tpu.memory_space<hbm>>) target(%arg20 : memref<32x128xf32, #tpu.memory_space<vmem>>) target_semaphore(%arg28 : memref<!tpu.dma_semaphore, #tpu.memory_space<semaphore_mem>>)
    %slice3A_95 = vector.extract_strided_slice %get3A_80 {offsets = [2], sizes = [1], strides = [1]} : vector<16xi32> to vector<1xi32>
    %squeeze3A_96 = vector.extract %slice3A_95[0] : i32 from vector<1xi32>
    %multiple_of3A_97 = tpu.assume_multiple %squeeze3A_96, 128 : i32
    %dma_start3A_98 = arith.constant 0 : i32
    %dma_start3A_99 = tpu.memref_slice %arg5[%dma_start3A_98, %multiple_of3A_97] : memref<32x100000xf32, #tpu.memory_space<hbm>> -> memref<32x128xf32, #tpu.memory_space<hbm>>
    %dma_start3A_100 = arith.constant 0 : i32
    %dma_start3A_101 = tpu.memref_slice %arg5[%dma_start3A_100, %multiple_of3A_97] : memref<32x100000xf32, #tpu.memory_space<hbm>> -> memref<32x128xf32, #tpu.memory_space<hbm>>
    tpu.enqueue_dma source(%dma_start3A_101 : memref<32x128xf32, #tpu.memory_space<hbm>>) target(%arg21 : memref<32x128xf32, #tpu.memory_space<vmem>>) target_semaphore(%arg29 : memref<!tpu.dma_semaphore, #tpu.memory_space<semaphore_mem>>)
    %slice3A_102 = vector.extract_strided_slice %get3A_80 {offsets = [3], sizes = [1], strides = [1]} : vector<16xi32> to vector<1xi32>
    %squeeze3A_103 = vector.extract %slice3A_102[0] : i32 from vector<1xi32>
    %multiple_of3A_104 = tpu.assume_multiple %squeeze3A_103, 128 : i32
    %dma_start3A_105 = arith.constant 0 : i32
    %dma_start3A_106 = tpu.memref_slice %arg5[%dma_start3A_105, %multiple_of3A_104] : memref<32x100000xf32, #tpu.memory_space<hbm>> -> memref<32x128xf32, #tpu.memory_space<hbm>>
    %dma_start3A_107 = arith.constant 0 : i32
    %dma_start3A_108 = tpu.memref_slice %arg5[%dma_start3A_107, %multiple_of3A_104] : memref<32x100000xf32, #tpu.memory_space<hbm>> -> memref<32x128xf32, #tpu.memory_space<hbm>>
    tpu.enqueue_dma source(%dma_start3A_108 : memref<32x128xf32, #tpu.memory_space<hbm>>) target(%arg22 : memref<32x128xf32, #tpu.memory_space<vmem>>) target_semaphore(%arg30 : memref<!tpu.dma_semaphore, #tpu.memory_space<semaphore_mem>>)
    %slice3A_109 = vector.extract_strided_slice %get3A_80 {offsets = [4], sizes = [1], strides = [1]} : vector<16xi32> to vector<1xi32>
    %squeeze3A_110 = vector.extract %slice3A_109[0] : i32 from vector<1xi32>
    %multiple_of3A_111 = tpu.assume_multiple %squeeze3A_110, 128 : i32
    %dma_start3A_112 = arith.constant 0 : i32
    %dma_start3A_113 = tpu.memref_slice %arg5[%dma_start3A_112, %multiple_of3A_111] : memref<32x100000xf32, #tpu.memory_space<hbm>> -> memref<32x128xf32, #tpu.memory_space<hbm>>
    %dma_start3A_114 = arith.constant 0 : i32
    %dma_start3A_115 = tpu.memref_slice %arg5[%dma_start3A_114, %multiple_of3A_111] : memref<32x100000xf32, #tpu.memory_space<hbm>> -> memref<32x128xf32, #tpu.memory_space<hbm>>
    tpu.enqueue_dma source(%dma_start3A_115 : memref<32x128xf32, #tpu.memory_space<hbm>>) target(%arg23 : memref<32x128xf32, #tpu.memory_space<vmem>>) target_semaphore(%arg31 : memref<!tpu.dma_semaphore, #tpu.memory_space<semaphore_mem>>)
    %slice3A_116 = vector.extract_strided_slice %get3A_80 {offsets = [5], sizes = [1], strides = [1]} : vector<16xi32> to vector<1xi32>
    %squeeze3A_117 = vector.extract %slice3A_116[0] : i32 from vector<1xi32>
    %multiple_of3A_118 = tpu.assume_multiple %squeeze3A_117, 128 : i32
    %dma_start3A_119 = arith.constant 0 : i32
    %dma_start3A_120 = tpu.memref_slice %arg5[%dma_start3A_119, %multiple_of3A_118] : memref<32x100000xf32, #tpu.memory_space<hbm>> -> memref<32x128xf32, #tpu.memory_space<hbm>>
    %dma_start3A_121 = arith.constant 0 : i32
    %dma_start3A_122 = tpu.memref_slice %arg5[%dma_start3A_121, %multiple_of3A_118] : memref<32x100000xf32, #tpu.memory_space<hbm>> -> memref<32x128xf32, #tpu.memory_space<hbm>>
    tpu.enqueue_dma source(%dma_start3A_122 : memref<32x128xf32, #tpu.memory_space<hbm>>) target(%arg24 : memref<32x128xf32, #tpu.memory_space<vmem>>) target_semaphore(%arg32 : memref<!tpu.dma_semaphore, #tpu.memory_space<semaphore_mem>>)
    %slice3A_123 = vector.extract_strided_slice %get3A_80 {offsets = [6], sizes = [1], strides = [1]} : vector<16xi32> to vector<1xi32>
    %squeeze3A_124 = vector.extract %slice3A_123[0] : i32 from vector<1xi32>
    %multiple_of3A_125 = tpu.assume_multiple %squeeze3A_124, 128 : i32
    %dma_start3A_126 = arith.constant 0 : i32
    %dma_start3A_127 = tpu.memref_slice %arg5[%dma_start3A_126, %multiple_of3A_125] : memref<32x100000xf32, #tpu.memory_space<hbm>> -> memref<32x128xf32, #tpu.memory_space<hbm>>
    %dma_start3A_128 = arith.constant 0 : i32
    %dma_start3A_129 = tpu.memref_slice %arg5[%dma_start3A_128, %multiple_of3A_125] : memref<32x100000xf32, #tpu.memory_space<hbm>> -> memref<32x128xf32, #tpu.memory_space<hbm>>
    tpu.enqueue_dma source(%dma_start3A_129 : memref<32x128xf32, #tpu.memory_space<hbm>>) target(%arg25 : memref<32x128xf32, #tpu.memory_space<vmem>>) target_semaphore(%arg33 : memref<!tpu.dma_semaphore, #tpu.memory_space<semaphore_mem>>)
    %slice3A_130 = vector.extract_strided_slice %get3A_80 {offsets = [7], sizes = [1], strides = [1]} : vector<16xi32> to vector<1xi32>
    %squeeze3A_131 = vector.extract %slice3A_130[0] : i32 from vector<1xi32>
    %multiple_of3A_132 = tpu.assume_multiple %squeeze3A_131, 128 : i32
    %dma_start3A_133 = arith.constant 0 : i32
    %dma_start3A_134 = tpu.memref_slice %arg5[%dma_start3A_133, %multiple_of3A_132] : memref<32x100000xf32, #tpu.memory_space<hbm>> -> memref<32x128xf32, #tpu.memory_space<hbm>>
    %dma_start3A_135 = arith.constant 0 : i32
    %dma_start3A_136 = tpu.memref_slice %arg5[%dma_start3A_135, %multiple_of3A_132] : memref<32x100000xf32, #tpu.memory_space<hbm>> -> memref<32x128xf32, #tpu.memory_space<hbm>>
    tpu.enqueue_dma source(%dma_start3A_136 : memref<32x128xf32, #tpu.memory_space<hbm>>) target(%arg26 : memref<32x128xf32, #tpu.memory_space<vmem>>) target_semaphore(%arg34 : memref<!tpu.dma_semaphore, #tpu.memory_space<semaphore_mem>>)
    %scan3A_137 = arith.constant 0 : i32
    %scan3A_138 = arith.constant 0 : i32
    %scan3A_139 = arith.constant 32 : i32
    %scan3A_140 = arith.addi %scan3A_138, %scan3A_139 : i32
    %scan3A_141 = arith.constant 1 : i32
    scf.for %scan3A_143 = %scan3A_138 to %scan3A_140 step %scan3A_141  : i32 {
      %mul3A_144 = arith.constant 16 : i32
      %mul3A_145 = arith.muli %scan3A_143, %mul3A_144 : i32
      %get3A_146 = arith.index_cast %mul3A_145 : i32 to index
      %get3A_147 = tpu.vector_load %arg12[%get3A_146] {strides = array<i32>} : memref<512xi32, #tpu.memory_space<vmem>>, vector<16xi32>,
      %mul3A_148 = arith.constant 16 : i32
      %mul3A_149 = arith.muli %scan3A_143, %mul3A_148 : i32
      %add3A_150 = arith.constant 8 : i32
      %add3A_151 = arith.addi %mul3A_149, %add3A_150 : i32
      %get3A_152 = arith.index_cast %add3A_151 : i32 to index
      %get3A_153 = tpu.vector_load %arg13[%get3A_152] {strides = array<i32>} : memref<528xi32, #tpu.memory_space<vmem>>, vector<16xi32>,
      %mul3A_154 = arith.constant 16 : i32
      %mul3A_155 = arith.muli %scan3A_143, %mul3A_154 : i32
      %get3A_156 = arith.index_cast %mul3A_155 : i32 to index
      %get3A_157 = tpu.vector_load %arg18[%get3A_156] {strides = array<i32>} : memref<512xf32, #tpu.memory_space<vmem>>, vector<16xf32>,
      %mul3A_158 = arith.constant 16 : i32
      %mul3A_159 = arith.muli %scan3A_143, %mul3A_158 : i32
      %add3A_160 = arith.constant 0 : i32
      %add3A_161 = arith.addi %mul3A_159, %add3A_160 : i32
      %slice3A_162 = vector.extract_strided_slice %get3A_147 {offsets = [0], sizes = [1], strides = [1]} : vector<16xi32> to vector<1xi32>
      %squeeze3A_163 = vector.extract %slice3A_162[0] : i32 from vector<1xi32>
      %dma_wait3A = arith.constant 0 : i32
      %dma_wait3A_164 = arith.constant 0 : i32
      %dma_wait3A_165 = tpu.memref_slice %arg5[%dma_wait3A, %dma_wait3A_164] : memref<32x100000xf32, #tpu.memory_space<hbm>> -> memref<32x128xf32, #tpu.memory_space<hbm>>
      %dma_wait3A_166 = arith.constant 0 : i32
      %dma_wait3A_167 = arith.constant 0 : i32
      %dma_wait3A_168 = tpu.memref_slice %arg5[%dma_wait3A_166, %dma_wait3A_167] : memref<32x100000xf32, #tpu.memory_space<hbm>> -> memref<32x128xf32, #tpu.memory_space<hbm>>
      tpu.wait_dma2 semaphore(%arg27 : memref<!tpu.dma_semaphore, #tpu.memory_space<semaphore_mem>>) src(%dma_wait3A_168 : memref<32x128xf32, #tpu.memory_space<hbm>>) dst(%arg19 : memref<32x128xf32, #tpu.memory_space<vmem>>)
      %ge3A = arith.constant 99968 : i32
      %ge3A_169 = arith.cmpi sge, %squeeze3A_163, %ge3A : i32
      %sub3A = arith.constant 99968 : i32
      %sub3A_170 = arith.subi %squeeze3A_163, %sub3A : i32
      %and3A = arith.constant 127 : i32
      %and3A_171 = arith.andi %squeeze3A_163, %and3A : i32
      %select_n3A = arith.select %ge3A_169, %sub3A_170, %and3A_171 : i32
      %broadcast_in_dim3A_172 = vector.broadcast %select_n3A : i32 to vector<16xi32>
      %gather3A = tpu.vector_load_idx %arg19[%iota3A, %broadcast_in_dim3A_172] : memref<32x128xf32, #tpu.memory_space<vmem>>[vector<16xi32>, vector<16xi32>], vector<16xf32>,
      %add3A_173 = arith.constant 16 : i32
      %add3A_174 = vector.broadcast %add3A_173 : i32 to vector<16xi32>
      %add3A_175 = arith.addi %iota3A, %add3A_174 : vector<16xi32>
      %gather3A_176 = tpu.vector_load_idx %arg19[%add3A_175, %broadcast_in_dim3A_172] : memref<32x128xf32, #tpu.memory_space<vmem>>[vector<16xi32>, vector<16xi32>], vector<16xf32>,
      %gather3A_177 = tpu.vector_load_idx %arg15[%iota3A, %broadcast_in_dim3A_172] : memref<32x128xf32, #tpu.memory_space<vmem>>[vector<16xi32>, vector<16xi32>], vector<16xf32>,
      %add3A_178 = arith.constant 16 : i32
      %add3A_179 = vector.broadcast %add3A_178 : i32 to vector<16xi32>
      %add3A_180 = arith.addi %iota3A, %add3A_179 : vector<16xi32>
      %gather3A_181 = tpu.vector_load_idx %arg15[%add3A_180, %broadcast_in_dim3A_172] : memref<32x128xf32, #tpu.memory_space<vmem>>[vector<16xi32>, vector<16xi32>], vector<16xf32>,
      %ge3A_182 = arith.constant 99968 : i32
      %ge3A_183 = arith.cmpi sge, %squeeze3A_163, %ge3A_182 : i32
      %select_n3A_184 = arith.select %ge3A_183, %gather3A_177, %gather3A : vector<16xf32>
      %select_n3A_185 = arith.select %ge3A_183, %gather3A_181, %gather3A_176 : vector<16xf32>
      %broadcast_in_dim3A_186 = vector.broadcast %add3A_161 : i32 to vector<16xi32>
      tpu.vector_store_idx %arg17[%iota3A, %broadcast_in_dim3A_186], %select_n3A_184 : memref<32x512xf32, #tpu.memory_space<vmem>>[vector<16xi32>, vector<16xi32>], vector<16xf32>,
      %add3A_187 = arith.constant 16 : i32
      %add3A_188 = vector.broadcast %add3A_187 : i32 to vector<16xi32>
      %add3A_189 = arith.addi %iota3A, %add3A_188 : vector<16xi32>
      tpu.vector_store_idx %arg17[%add3A_189, %broadcast_in_dim3A_186], %select_n3A_185 : memref<32x512xf32, #tpu.memory_space<vmem>>[vector<16xi32>, vector<16xi32>], vector<16xf32>,
      %gather3A_190 = tpu.vector_load_idx %arg16[%iota3A, %broadcast_in_dim3A_186] : memref<32x512xf32, #tpu.memory_space<vmem>>[vector<16xi32>, vector<16xi32>], vector<16xf32>,
      %add3A_191 = arith.constant 16 : i32
      %add3A_192 = vector.broadcast %add3A_191 : i32 to vector<16xi32>
      %add3A_193 = arith.addi %iota3A, %add3A_192 : vector<16xi32>
      %gather3A_194 = tpu.vector_load_idx %arg16[%add3A_193, %broadcast_in_dim3A_186] : memref<32x512xf32, #tpu.memory_space<vmem>>[vector<16xi32>, vector<16xi32>], vector<16xf32>,
      %mul3A_195 = arith.mulf %gather3A_190, %select_n3A_184 : vector<16xf32>
      %mul3A_196 = arith.mulf %gather3A_194, %select_n3A_185 : vector<16xf32>
      %add3A_197 = arith.addf %mul3A_195, %mul3A_196 : vector<16xf32>
      %reduce_sum3A = arith.constant true
      %reduce_sum3A_198 = vector.broadcast %reduce_sum3A : i1 to vector<16xi1>
      %reduce_sum3A_199 = tpu.scan <sum>, %add3A_197 masked %reduce_sum3A_198 : vector<16xf32>, vector<16xi1> -> vector<16xf32>
      %reduce_sum3A_200 = vector.extract %reduce_sum3A_199[15] : f32 from vector<16xf32>
      %eq3A = arith.constant 0 : i32
      %eq3A_201 = vector.broadcast %eq3A : i32 to vector<16xi32>
      %eq3A_202 = arith.cmpi eq, %iota3A, %eq3A_201 : vector<16xi32>
      %broadcast_in_dim3A_203 = vector.broadcast %reduce_sum3A_200 : f32 to vector<16xf32>
      %select_n3A_204 = arith.select %eq3A_202, %broadcast_in_dim3A_203, %get3A_157 : vector<16xi1>, vector<16xf32>
      %add3A_205 = arith.constant 8 : i32
      %add3A_206 = arith.addi %add3A_161, %add3A_205 : i32
      %lt3A = arith.constant 512 : i32
      %lt3A_207 = arith.cmpi slt, %add3A_206, %lt3A : i32
      %convert_element_type3A = arith.extui %lt3A_207 : i1 to i32
      %cond3A = arith.constant 0 : i32
      %cond3A_208 = arith.cmpi ne, %convert_element_type3A, %cond3A : i32
      scf.if %cond3A_208 {
        %slice3A_1143 = vector.extract_strided_slice %get3A_153 {offsets = [0], sizes = [1], strides = [1]} : vector<16xi32> to vector<1xi32>
        %squeeze3A_1144 = vector.extract %slice3A_1143[0] : i32 from vector<1xi32>
        %multiple_of3A_1145 = tpu.assume_multiple %squeeze3A_1144, 128 : i32
        %dma_start3A_1146 = arith.constant 0 : i32
        %dma_start3A_1147 = tpu.memref_slice %arg5[%dma_start3A_1146, %multiple_of3A_1145] : memref<32x100000xf32, #tpu.memory_space<hbm>> -> memref<32x128xf32, #tpu.memory_space<hbm>>
        %dma_start3A_1148 = arith.constant 0 : i32
        %dma_start3A_1149 = tpu.memref_slice %arg5[%dma_start3A_1148, %multiple_of3A_1145] : memref<32x100000xf32, #tpu.memory_space<hbm>> -> memref<32x128xf32, #tpu.memory_space<hbm>>
        tpu.enqueue_dma source(%dma_start3A_1149 : memref<32x128xf32, #tpu.memory_space<hbm>>) target(%arg19 : memref<32x128xf32, #tpu.memory_space<vmem>>) target_semaphore(%arg27 : memref<!tpu.dma_semaphore, #tpu.memory_space<semaphore_mem>>)
      } else {
      }
      %mul3A_209 = arith.constant 16 : i32
      %mul3A_210 = arith.muli %scan3A_143, %mul3A_209 : i32
      %add3A_211 = arith.constant 1 : i32
      %add3A_212 = arith.addi %mul3A_210, %add3A_211 : i32
      %slice3A_213 = vector.extract_strided_slice %get3A_147 {offsets = [1], sizes = [1], strides = [1]} : vector<16xi32> to vector<1xi32>
      %squeeze3A_214 = vector.extract %slice3A_213[0] : i32 from vector<1xi32>
      %dma_wait3A_215 = arith.constant 0 : i32
      %dma_wait3A_216 = arith.constant 0 : i32
      %dma_wait3A_217 = tpu.memref_slice %arg5[%dma_wait3A_215, %dma_wait3A_216] : memref<32x100000xf32, #tpu.memory_space<hbm>> -> memref<32x128xf32, #tpu.memory_space<hbm>>
      %dma_wait3A_218 = arith.constant 0 : i32
      %dma_wait3A_219 = arith.constant 0 : i32
      %dma_wait3A_220 = tpu.memref_slice %arg5[%dma_wait3A_218, %dma_wait3A_219] : memref<32x100000xf32, #tpu.memory_space<hbm>> -> memref<32x128xf32, #tpu.memory_space<hbm>>
      tpu.wait_dma2 semaphore(%arg28 : memref<!tpu.dma_semaphore, #tpu.memory_space<semaphore_mem>>) src(%dma_wait3A_220 : memref<32x128xf32, #tpu.memory_space<hbm>>) dst(%arg20 : memref<32x128xf32, #tpu.memory_space<vmem>>)
      %ge3A_221 = arith.constant 99968 : i32
      %ge3A_222 = arith.cmpi sge, %squeeze3A_214, %ge3A_221 : i32
      %sub3A_223 = arith.constant 99968 : i32
      %sub3A_224 = arith.subi %squeeze3A_214, %sub3A_223 : i32
      %and3A_225 = arith.constant 127 : i32
      %and3A_226 = arith.andi %squeeze3A_214, %and3A_225 : i32
      %select_n3A_227 = arith.select %ge3A_222, %sub3A_224, %and3A_226 : i32
      %broadcast_in_dim3A_228 = vector.broadcast %select_n3A_227 : i32 to vector<16xi32>
      %gather3A_229 = tpu.vector_load_idx %arg20[%iota3A, %broadcast_in_dim3A_228] : memref<32x128xf32, #tpu.memory_space<vmem>>[vector<16xi32>, vector<16xi32>], vector<16xf32>,
      %add3A_230 = arith.constant 16 : i32
      %add3A_231 = vector.broadcast %add3A_230 : i32 to vector<16xi32>
      %add3A_232 = arith.addi %iota3A, %add3A_231 : vector<16xi32>
      %gather3A_233 = tpu.vector_load_idx %arg20[%add3A_232, %broadcast_in_dim3A_228] : memref<32x128xf32, #tpu.memory_space<vmem>>[vector<16xi32>, vector<16xi32>], vector<16xf32>,
      %gather3A_234 = tpu.vector_load_idx %arg15[%iota3A, %broadcast_in_dim3A_228] : memref<32x128xf32, #tpu.memory_space<vmem>>[vector<16xi32>, vector<16xi32>], vector<16xf32>,
      %add3A_235 = arith.constant 16 : i32
      %add3A_236 = vector.broadcast %add3A_235 : i32 to vector<16xi32>
      %add3A_237 = arith.addi %iota3A, %add3A_236 : vector<16xi32>
      %gather3A_238 = tpu.vector_load_idx %arg15[%add3A_237, %broadcast_in_dim3A_228] : memref<32x128xf32, #tpu.memory_space<vmem>>[vector<16xi32>, vector<16xi32>], vector<16xf32>,
      %ge3A_239 = arith.constant 99968 : i32
      %ge3A_240 = arith.cmpi sge, %squeeze3A_214, %ge3A_239 : i32
      %select_n3A_241 = arith.select %ge3A_240, %gather3A_234, %gather3A_229 : vector<16xf32>
      %select_n3A_242 = arith.select %ge3A_240, %gather3A_238, %gather3A_233 : vector<16xf32>
      %broadcast_in_dim3A_243 = vector.broadcast %add3A_212 : i32 to vector<16xi32>
      tpu.vector_store_idx %arg17[%iota3A, %broadcast_in_dim3A_243], %select_n3A_241 : memref<32x512xf32, #tpu.memory_space<vmem>>[vector<16xi32>, vector<16xi32>], vector<16xf32>,
      %add3A_244 = arith.constant 16 : i32
      %add3A_245 = vector.broadcast %add3A_244 : i32 to vector<16xi32>
      %add3A_246 = arith.addi %iota3A, %add3A_245 : vector<16xi32>
      tpu.vector_store_idx %arg17[%add3A_246, %broadcast_in_dim3A_243], %select_n3A_242 : memref<32x512xf32, #tpu.memory_space<vmem>>[vector<16xi32>, vector<16xi32>], vector<16xf32>,
      %gather3A_247 = tpu.vector_load_idx %arg16[%iota3A, %broadcast_in_dim3A_243] : memref<32x512xf32, #tpu.memory_space<vmem>>[vector<16xi32>, vector<16xi32>], vector<16xf32>,
      %add3A_248 = arith.constant 16 : i32
      %add3A_249 = vector.broadcast %add3A_248 : i32 to vector<16xi32>
      %add3A_250 = arith.addi %iota3A, %add3A_249 : vector<16xi32>
      %gather3A_251 = tpu.vector_load_idx %arg16[%add3A_250, %broadcast_in_dim3A_243] : memref<32x512xf32, #tpu.memory_space<vmem>>[vector<16xi32>, vector<16xi32>], vector<16xf32>,
      %mul3A_252 = arith.mulf %gather3A_247, %select_n3A_241 : vector<16xf32>
      %mul3A_253 = arith.mulf %gather3A_251, %select_n3A_242 : vector<16xf32>
      %add3A_254 = arith.addf %mul3A_252, %mul3A_253 : vector<16xf32>
      %reduce_sum3A_255 = arith.constant true
      %reduce_sum3A_256 = vector.broadcast %reduce_sum3A_255 : i1 to vector<16xi1>
      %reduce_sum3A_257 = tpu.scan <sum>, %add3A_254 masked %reduce_sum3A_256 : vector<16xf32>, vector<16xi1> -> vector<16xf32>
      %reduce_sum3A_258 = vector.extract %reduce_sum3A_257[15] : f32 from vector<16xf32>
      %eq3A_259 = arith.constant 1 : i32
      %eq3A_260 = vector.broadcast %eq3A_259 : i32 to vector<16xi32>
      %eq3A_261 = arith.cmpi eq, %iota3A, %eq3A_260 : vector<16xi32>
      %broadcast_in_dim3A_262 = vector.broadcast %reduce_sum3A_258 : f32 to vector<16xf32>
      %select_n3A_263 = arith.select %eq3A_261, %broadcast_in_dim3A_262, %select_n3A_204 : vector<16xi1>, vector<16xf32>
      %add3A_264 = arith.constant 8 : i32
      %add3A_265 = arith.addi %add3A_212, %add3A_264 : i32
      %lt3A_266 = arith.constant 512 : i32
      %lt3A_267 = arith.cmpi slt, %add3A_265, %lt3A_266 : i32
      %convert_element_type3A_268 = arith.extui %lt3A_267 : i1 to i32
      %cond3A_269 = arith.constant 0 : i32
      %cond3A_270 = arith.cmpi ne, %convert_element_type3A_268, %cond3A_269 : i32
      scf.if %cond3A_270 {
        %slice3A_1143 = vector.extract_strided_slice %get3A_153 {offsets = [1], sizes = [1], strides = [1]} : vector<16xi32> to vector<1xi32>
        %squeeze3A_1144 = vector.extract %slice3A_1143[0] : i32 from vector<1xi32>
        %multiple_of3A_1145 = tpu.assume_multiple %squeeze3A_1144, 128 : i32
        %dma_start3A_1146 = arith.constant 0 : i32
        %dma_start3A_1147 = tpu.memref_slice %arg5[%dma_start3A_1146, %multiple_of3A_1145] : memref<32x100000xf32, #tpu.memory_space<hbm>> -> memref<32x128xf32, #tpu.memory_space<hbm>>
        %dma_start3A_1148 = arith.constant 0 : i32
        %dma_start3A_1149 = tpu.memref_slice %arg5[%dma_start3A_1148, %multiple_of3A_1145] : memref<32x100000xf32, #tpu.memory_space<hbm>> -> memref<32x128xf32, #tpu.memory_space<hbm>>
        tpu.enqueue_dma source(%dma_start3A_1149 : memref<32x128xf32, #tpu.memory_space<hbm>>) target(%arg20 : memref<32x128xf32, #tpu.memory_space<vmem>>) target_semaphore(%arg28 : memref<!tpu.dma_semaphore, #tpu.memory_space<semaphore_mem>>)
      } else {
      }
      %mul3A_271 = arith.constant 16 : i32
      %mul3A_272 = arith.muli %scan3A_143, %mul3A_271 : i32
      %add3A_273 = arith.constant 2 : i32
      %add3A_274 = arith.addi %mul3A_272, %add3A_273 : i32
      %slice3A_275 = vector.extract_strided_slice %get3A_147 {offsets = [2], sizes = [1], strides = [1]} : vector<16xi32> to vector<1xi32>
      %squeeze3A_276 = vector.extract %slice3A_275[0] : i32 from vector<1xi32>
      %dma_wait3A_277 = arith.constant 0 : i32
      %dma_wait3A_278 = arith.constant 0 : i32
      %dma_wait3A_279 = tpu.memref_slice %arg5[%dma_wait3A_277, %dma_wait3A_278] : memref<32x100000xf32, #tpu.memory_space<hbm>> -> memref<32x128xf32, #tpu.memory_space<hbm>>
      %dma_wait3A_280 = arith.constant 0 : i32
      %dma_wait3A_281 = arith.constant 0 : i32
      %dma_wait3A_282 = tpu.memref_slice %arg5[%dma_wait3A_280, %dma_wait3A_281] : memref<32x100000xf32, #tpu.memory_space<hbm>> -> memref<32x128xf32, #tpu.memory_space<hbm>>
      tpu.wait_dma2 semaphore(%arg29 : memref<!tpu.dma_semaphore, #tpu.memory_space<semaphore_mem>>) src(%dma_wait3A_282 : memref<32x128xf32, #tpu.memory_space<hbm>>) dst(%arg21 : memref<32x128xf32, #tpu.memory_space<vmem>>)
      %ge3A_283 = arith.constant 99968 : i32
      %ge3A_284 = arith.cmpi sge, %squeeze3A_276, %ge3A_283 : i32
      %sub3A_285 = arith.constant 99968 : i32
      %sub3A_286 = arith.subi %squeeze3A_276, %sub3A_285 : i32
      %and3A_287 = arith.constant 127 : i32
      %and3A_288 = arith.andi %squeeze3A_276, %and3A_287 : i32
      %select_n3A_289 = arith.select %ge3A_284, %sub3A_286, %and3A_288 : i32
      %broadcast_in_dim3A_290 = vector.broadcast %select_n3A_289 : i32 to vector<16xi32>
      %gather3A_291 = tpu.vector_load_idx %arg21[%iota3A, %broadcast_in_dim3A_290] : memref<32x128xf32, #tpu.memory_space<vmem>>[vector<16xi32>, vector<16xi32>], vector<16xf32>,
      %add3A_292 = arith.constant 16 : i32
      %add3A_293 = vector.broadcast %add3A_292 : i32 to vector<16xi32>
      %add3A_294 = arith.addi %iota3A, %add3A_293 : vector<16xi32>
      %gather3A_295 = tpu.vector_load_idx %arg21[%add3A_294, %broadcast_in_dim3A_290] : memref<32x128xf32, #tpu.memory_space<vmem>>[vector<16xi32>, vector<16xi32>], vector<16xf32>,
      %gather3A_296 = tpu.vector_load_idx %arg15[%iota3A, %broadcast_in_dim3A_290] : memref<32x128xf32, #tpu.memory_space<vmem>>[vector<16xi32>, vector<16xi32>], vector<16xf32>,
      %add3A_297 = arith.constant 16 : i32
      %add3A_298 = vector.broadcast %add3A_297 : i32 to vector<16xi32>
      %add3A_299 = arith.addi %iota3A, %add3A_298 : vector<16xi32>
      %gather3A_300 = tpu.vector_load_idx %arg15[%add3A_299, %broadcast_in_dim3A_290] : memref<32x128xf32, #tpu.memory_space<vmem>>[vector<16xi32>, vector<16xi32>], vector<16xf32>,
      %ge3A_301 = arith.constant 99968 : i32
      %ge3A_302 = arith.cmpi sge, %squeeze3A_276, %ge3A_301 : i32
      %select_n3A_303 = arith.select %ge3A_302, %gather3A_296, %gather3A_291 : vector<16xf32>
      %select_n3A_304 = arith.select %ge3A_302, %gather3A_300, %gather3A_295 : vector<16xf32>
      %broadcast_in_dim3A_305 = vector.broadcast %add3A_274 : i32 to vector<16xi32>
      tpu.vector_store_idx %arg17[%iota3A, %broadcast_in_dim3A_305], %select_n3A_303 : memref<32x512xf32, #tpu.memory_space<vmem>>[vector<16xi32>, vector<16xi32>], vector<16xf32>,
      %add3A_306 = arith.constant 16 : i32
      %add3A_307 = vector.broadcast %add3A_306 : i32 to vector<16xi32>
      %add3A_308 = arith.addi %iota3A, %add3A_307 : vector<16xi32>
      tpu.vector_store_idx %arg17[%add3A_308, %broadcast_in_dim3A_305], %select_n3A_304 : memref<32x512xf32, #tpu.memory_space<vmem>>[vector<16xi32>, vector<16xi32>], vector<16xf32>,
      %gather3A_309 = tpu.vector_load_idx %arg16[%iota3A, %broadcast_in_dim3A_305] : memref<32x512xf32, #tpu.memory_space<vmem>>[vector<16xi32>, vector<16xi32>], vector<16xf32>,
      %add3A_310 = arith.constant 16 : i32
      %add3A_311 = vector.broadcast %add3A_310 : i32 to vector<16xi32>
      %add3A_312 = arith.addi %iota3A, %add3A_311 : vector<16xi32>
      %gather3A_313 = tpu.vector_load_idx %arg16[%add3A_312, %broadcast_in_dim3A_305] : memref<32x512xf32, #tpu.memory_space<vmem>>[vector<16xi32>, vector<16xi32>], vector<16xf32>,
      %mul3A_314 = arith.mulf %gather3A_309, %select_n3A_303 : vector<16xf32>
      %mul3A_315 = arith.mulf %gather3A_313, %select_n3A_304 : vector<16xf32>
      %add3A_316 = arith.addf %mul3A_314, %mul3A_315 : vector<16xf32>
      %reduce_sum3A_317 = arith.constant true
      %reduce_sum3A_318 = vector.broadcast %reduce_sum3A_317 : i1 to vector<16xi1>
      %reduce_sum3A_319 = tpu.scan <sum>, %add3A_316 masked %reduce_sum3A_318 : vector<16xf32>, vector<16xi1> -> vector<16xf32>
      %reduce_sum3A_320 = vector.extract %reduce_sum3A_319[15] : f32 from vector<16xf32>
      %eq3A_321 = arith.constant 2 : i32
      %eq3A_322 = vector.broadcast %eq3A_321 : i32 to vector<16xi32>
      %eq3A_323 = arith.cmpi eq, %iota3A, %eq3A_322 : vector<16xi32>
      %broadcast_in_dim3A_324 = vector.broadcast %reduce_sum3A_320 : f32 to vector<16xf32>
      %select_n3A_325 = arith.select %eq3A_323, %broadcast_in_dim3A_324, %select_n3A_263 : vector<16xi1>, vector<16xf32>
      %add3A_326 = arith.constant 8 : i32
      %add3A_327 = arith.addi %add3A_274, %add3A_326 : i32
      %lt3A_328 = arith.constant 512 : i32
      %lt3A_329 = arith.cmpi slt, %add3A_327, %lt3A_328 : i32
      %convert_element_type3A_330 = arith.extui %lt3A_329 : i1 to i32
      %cond3A_331 = arith.constant 0 : i32
      %cond3A_332 = arith.cmpi ne, %convert_element_type3A_330, %cond3A_331 : i32
      scf.if %cond3A_332 {
        %slice3A_1143 = vector.extract_strided_slice %get3A_153 {offsets = [2], sizes = [1], strides = [1]} : vector<16xi32> to vector<1xi32>
        %squeeze3A_1144 = vector.extract %slice3A_1143[0] : i32 from vector<1xi32>
        %multiple_of3A_1145 = tpu.assume_multiple %squeeze3A_1144, 128 : i32
        %dma_start3A_1146 = arith.constant 0 : i32
        %dma_start3A_1147 = tpu.memref_slice %arg5[%dma_start3A_1146, %multiple_of3A_1145] : memref<32x100000xf32, #tpu.memory_space<hbm>> -> memref<32x128xf32, #tpu.memory_space<hbm>>
        %dma_start3A_1148 = arith.constant 0 : i32
        %dma_start3A_1149 = tpu.memref_slice %arg5[%dma_start3A_1148, %multiple_of3A_1145] : memref<32x100000xf32, #tpu.memory_space<hbm>> -> memref<32x128xf32, #tpu.memory_space<hbm>>
        tpu.enqueue_dma source(%dma_start3A_1149 : memref<32x128xf32, #tpu.memory_space<hbm>>) target(%arg21 : memref<32x128xf32, #tpu.memory_space<vmem>>) target_semaphore(%arg29 : memref<!tpu.dma_semaphore, #tpu.memory_space<semaphore_mem>>)
      } else {
      }
      %mul3A_333 = arith.constant 16 : i32
      %mul3A_334 = arith.muli %scan3A_143, %mul3A_333 : i32
      %add3A_335 = arith.constant 3 : i32
      %add3A_336 = arith.addi %mul3A_334, %add3A_335 : i32
      %slice3A_337 = vector.extract_strided_slice %get3A_147 {offsets = [3], sizes = [1], strides = [1]} : vector<16xi32> to vector<1xi32>
      %squeeze3A_338 = vector.extract %slice3A_337[0] : i32 from vector<1xi32>
      %dma_wait3A_339 = arith.constant 0 : i32
      %dma_wait3A_340 = arith.constant 0 : i32
      %dma_wait3A_341 = tpu.memref_slice %arg5[%dma_wait3A_339, %dma_wait3A_340] : memref<32x100000xf32, #tpu.memory_space<hbm>> -> memref<32x128xf32, #tpu.memory_space<hbm>>
      %dma_wait3A_342 = arith.constant 0 : i32
      %dma_wait3A_343 = arith.constant 0 : i32
      %dma_wait3A_344 = tpu.memref_slice %arg5[%dma_wait3A_342, %dma_wait3A_343] : memref<32x100000xf32, #tpu.memory_space<hbm>> -> memref<32x128xf32, #tpu.memory_space<hbm>>
      tpu.wait_dma2 semaphore(%arg30 : memref<!tpu.dma_semaphore, #tpu.memory_space<semaphore_mem>>) src(%dma_wait3A_344 : memref<32x128xf32, #tpu.memory_space<hbm>>) dst(%arg22 : memref<32x128xf32, #tpu.memory_space<vmem>>)
      %ge3A_345 = arith.constant 99968 : i32
      %ge3A_346 = arith.cmpi sge, %squeeze3A_338, %ge3A_345 : i32
      %sub3A_347 = arith.constant 99968 : i32
      %sub3A_348 = arith.subi %squeeze3A_338, %sub3A_347 : i32
      %and3A_349 = arith.constant 127 : i32
      %and3A_350 = arith.andi %squeeze3A_338, %and3A_349 : i32
      %select_n3A_351 = arith.select %ge3A_346, %sub3A_348, %and3A_350 : i32
      %broadcast_in_dim3A_352 = vector.broadcast %select_n3A_351 : i32 to vector<16xi32>
      %gather3A_353 = tpu.vector_load_idx %arg22[%iota3A, %broadcast_in_dim3A_352] : memref<32x128xf32, #tpu.memory_space<vmem>>[vector<16xi32>, vector<16xi32>], vector<16xf32>,
      %add3A_354 = arith.constant 16 : i32
      %add3A_355 = vector.broadcast %add3A_354 : i32 to vector<16xi32>
      %add3A_356 = arith.addi %iota3A, %add3A_355 : vector<16xi32>
      %gather3A_357 = tpu.vector_load_idx %arg22[%add3A_356, %broadcast_in_dim3A_352] : memref<32x128xf32, #tpu.memory_space<vmem>>[vector<16xi32>, vector<16xi32>], vector<16xf32>,
      %gather3A_358 = tpu.vector_load_idx %arg15[%iota3A, %broadcast_in_dim3A_352] : memref<32x128xf32, #tpu.memory_space<vmem>>[vector<16xi32>, vector<16xi32>], vector<16xf32>,
      %add3A_359 = arith.constant 16 : i32
      %add3A_360 = vector.broadcast %add3A_359 : i32 to vector<16xi32>
      %add3A_361 = arith.addi %iota3A, %add3A_360 : vector<16xi32>
      %gather3A_362 = tpu.vector_load_idx %arg15[%add3A_361, %broadcast_in_dim3A_352] : memref<32x128xf32, #tpu.memory_space<vmem>>[vector<16xi32>, vector<16xi32>], vector<16xf32>,
      %ge3A_363 = arith.constant 99968 : i32
      %ge3A_364 = arith.cmpi sge, %squeeze3A_338, %ge3A_363 : i32
      %select_n3A_365 = arith.select %ge3A_364, %gather3A_358, %gather3A_353 : vector<16xf32>
      %select_n3A_366 = arith.select %ge3A_364, %gather3A_362, %gather3A_357 : vector<16xf32>
      %broadcast_in_dim3A_367 = vector.broadcast %add3A_336 : i32 to vector<16xi32>
      tpu.vector_store_idx %arg17[%iota3A, %broadcast_in_dim3A_367], %select_n3A_365 : memref<32x512xf32, #tpu.memory_space<vmem>>[vector<16xi32>, vector<16xi32>], vector<16xf32>,
      %add3A_368 = arith.constant 16 : i32
      %add3A_369 = vector.broadcast %add3A_368 : i32 to vector<16xi32>
      %add3A_370 = arith.addi %iota3A, %add3A_369 : vector<16xi32>
      tpu.vector_store_idx %arg17[%add3A_370, %broadcast_in_dim3A_367], %select_n3A_366 : memref<32x512xf32, #tpu.memory_space<vmem>>[vector<16xi32>, vector<16xi32>], vector<16xf32>,
      %gather3A_371 = tpu.vector_load_idx %arg16[%iota3A, %broadcast_in_dim3A_367] : memref<32x512xf32, #tpu.memory_space<vmem>>[vector<16xi32>, vector<16xi32>], vector<16xf32>,
      %add3A_372 = arith.constant 16 : i32
      %add3A_373 = vector.broadcast %add3A_372 : i32 to vector<16xi32>
      %add3A_374 = arith.addi %iota3A, %add3A_373 : vector<16xi32>
      %gather3A_375 = tpu.vector_load_idx %arg16[%add3A_374, %broadcast_in_dim3A_367] : memref<32x512xf32, #tpu.memory_space<vmem>>[vector<16xi32>, vector<16xi32>], vector<16xf32>,
      %mul3A_376 = arith.mulf %gather3A_371, %select_n3A_365 : vector<16xf32>
      %mul3A_377 = arith.mulf %gather3A_375, %select_n3A_366 : vector<16xf32>
      %add3A_378 = arith.addf %mul3A_376, %mul3A_377 : vector<16xf32>
      %reduce_sum3A_379 = arith.constant true
      %reduce_sum3A_380 = vector.broadcast %reduce_sum3A_379 : i1 to vector<16xi1>
      %reduce_sum3A_381 = tpu.scan <sum>, %add3A_378 masked %reduce_sum3A_380 : vector<16xf32>, vector<16xi1> -> vector<16xf32>
      %reduce_sum3A_382 = vector.extract %reduce_sum3A_381[15] : f32 from vector<16xf32>
      %eq3A_383 = arith.constant 3 : i32
      %eq3A_384 = vector.broadcast %eq3A_383 : i32 to vector<16xi32>
      %eq3A_385 = arith.cmpi eq, %iota3A, %eq3A_384 : vector<16xi32>
      %broadcast_in_dim3A_386 = vector.broadcast %reduce_sum3A_382 : f32 to vector<16xf32>
      %select_n3A_387 = arith.select %eq3A_385, %broadcast_in_dim3A_386, %select_n3A_325 : vector<16xi1>, vector<16xf32>
      %add3A_388 = arith.constant 8 : i32
      %add3A_389 = arith.addi %add3A_336, %add3A_388 : i32
      %lt3A_390 = arith.constant 512 : i32
      %lt3A_391 = arith.cmpi slt, %add3A_389, %lt3A_390 : i32
      %convert_element_type3A_392 = arith.extui %lt3A_391 : i1 to i32
      %cond3A_393 = arith.constant 0 : i32
      %cond3A_394 = arith.cmpi ne, %convert_element_type3A_392, %cond3A_393 : i32
      scf.if %cond3A_394 {
        %slice3A_1143 = vector.extract_strided_slice %get3A_153 {offsets = [3], sizes = [1], strides = [1]} : vector<16xi32> to vector<1xi32>
        %squeeze3A_1144 = vector.extract %slice3A_1143[0] : i32 from vector<1xi32>
        %multiple_of3A_1145 = tpu.assume_multiple %squeeze3A_1144, 128 : i32
        %dma_start3A_1146 = arith.constant 0 : i32
        %dma_start3A_1147 = tpu.memref_slice %arg5[%dma_start3A_1146, %multiple_of3A_1145] : memref<32x100000xf32, #tpu.memory_space<hbm>> -> memref<32x128xf32, #tpu.memory_space<hbm>>
        %dma_start3A_1148 = arith.constant 0 : i32
        %dma_start3A_1149 = tpu.memref_slice %arg5[%dma_start3A_1148, %multiple_of3A_1145] : memref<32x100000xf32, #tpu.memory_space<hbm>> -> memref<32x128xf32, #tpu.memory_space<hbm>>
        tpu.enqueue_dma source(%dma_start3A_1149 : memref<32x128xf32, #tpu.memory_space<hbm>>) target(%arg22 : memref<32x128xf32, #tpu.memory_space<vmem>>) target_semaphore(%arg30 : memref<!tpu.dma_semaphore, #tpu.memory_space<semaphore_mem>>)
      } else {
      }
      %mul3A_395 = arith.constant 16 : i32
      %mul3A_396 = arith.muli %scan3A_143, %mul3A_395 : i32
      %add3A_397 = arith.constant 4 : i32
      %add3A_398 = arith.addi %mul3A_396, %add3A_397 : i32
      %slice3A_399 = vector.extract_strided_slice %get3A_147 {offsets = [4], sizes = [1], strides = [1]} : vector<16xi32> to vector<1xi32>
      %squeeze3A_400 = vector.extract %slice3A_399[0] : i32 from vector<1xi32>
      %dma_wait3A_401 = arith.constant 0 : i32
      %dma_wait3A_402 = arith.constant 0 : i32
      %dma_wait3A_403 = tpu.memref_slice %arg5[%dma_wait3A_401, %dma_wait3A_402] : memref<32x100000xf32, #tpu.memory_space<hbm>> -> memref<32x128xf32, #tpu.memory_space<hbm>>
      %dma_wait3A_404 = arith.constant 0 : i32
      %dma_wait3A_405 = arith.constant 0 : i32
      %dma_wait3A_406 = tpu.memref_slice %arg5[%dma_wait3A_404, %dma_wait3A_405] : memref<32x100000xf32, #tpu.memory_space<hbm>> -> memref<32x128xf32, #tpu.memory_space<hbm>>
      tpu.wait_dma2 semaphore(%arg31 : memref<!tpu.dma_semaphore, #tpu.memory_space<semaphore_mem>>) src(%dma_wait3A_406 : memref<32x128xf32, #tpu.memory_space<hbm>>) dst(%arg23 : memref<32x128xf32, #tpu.memory_space<vmem>>)
      %ge3A_407 = arith.constant 99968 : i32
      %ge3A_408 = arith.cmpi sge, %squeeze3A_400, %ge3A_407 : i32
      %sub3A_409 = arith.constant 99968 : i32
      %sub3A_410 = arith.subi %squeeze3A_400, %sub3A_409 : i32
      %and3A_411 = arith.constant 127 : i32
      %and3A_412 = arith.andi %squeeze3A_400, %and3A_411 : i32
      %select_n3A_413 = arith.select %ge3A_408, %sub3A_410, %and3A_412 : i32
      %broadcast_in_dim3A_414 = vector.broadcast %select_n3A_413 : i32 to vector<16xi32>
      %gather3A_415 = tpu.vector_load_idx %arg23[%iota3A, %broadcast_in_dim3A_414] : memref<32x128xf32, #tpu.memory_space<vmem>>[vector<16xi32>, vector<16xi32>], vector<16xf32>,
      %add3A_416 = arith.constant 16 : i32
      %add3A_417 = vector.broadcast %add3A_416 : i32 to vector<16xi32>
      %add3A_418 = arith.addi %iota3A, %add3A_417 : vector<16xi32>
      %gather3A_419 = tpu.vector_load_idx %arg23[%add3A_418, %broadcast_in_dim3A_414] : memref<32x128xf32, #tpu.memory_space<vmem>>[vector<16xi32>, vector<16xi32>], vector<16xf32>,
      %gather3A_420 = tpu.vector_load_idx %arg15[%iota3A, %broadcast_in_dim3A_414] : memref<32x128xf32, #tpu.memory_space<vmem>>[vector<16xi32>, vector<16xi32>], vector<16xf32>,
      %add3A_421 = arith.constant 16 : i32
      %add3A_422 = vector.broadcast %add3A_421 : i32 to vector<16xi32>
      %add3A_423 = arith.addi %iota3A, %add3A_422 : vector<16xi32>
      %gather3A_424 = tpu.vector_load_idx %arg15[%add3A_423, %broadcast_in_dim3A_414] : memref<32x128xf32, #tpu.memory_space<vmem>>[vector<16xi32>, vector<16xi32>], vector<16xf32>,
      %ge3A_425 = arith.constant 99968 : i32
      %ge3A_426 = arith.cmpi sge, %squeeze3A_400, %ge3A_425 : i32
      %select_n3A_427 = arith.select %ge3A_426, %gather3A_420, %gather3A_415 : vector<16xf32>
      %select_n3A_428 = arith.select %ge3A_426, %gather3A_424, %gather3A_419 : vector<16xf32>
      %broadcast_in_dim3A_429 = vector.broadcast %add3A_398 : i32 to vector<16xi32>
      tpu.vector_store_idx %arg17[%iota3A, %broadcast_in_dim3A_429], %select_n3A_427 : memref<32x512xf32, #tpu.memory_space<vmem>>[vector<16xi32>, vector<16xi32>], vector<16xf32>,
      %add3A_430 = arith.constant 16 : i32
      %add3A_431 = vector.broadcast %add3A_430 : i32 to vector<16xi32>
      %add3A_432 = arith.addi %iota3A, %add3A_431 : vector<16xi32>
      tpu.vector_store_idx %arg17[%add3A_432, %broadcast_in_dim3A_429], %select_n3A_428 : memref<32x512xf32, #tpu.memory_space<vmem>>[vector<16xi32>, vector<16xi32>], vector<16xf32>,
      %gather3A_433 = tpu.vector_load_idx %arg16[%iota3A, %broadcast_in_dim3A_429] : memref<32x512xf32, #tpu.memory_space<vmem>>[vector<16xi32>, vector<16xi32>], vector<16xf32>,
      %add3A_434 = arith.constant 16 : i32
      %add3A_435 = vector.broadcast %add3A_434 : i32 to vector<16xi32>
      %add3A_436 = arith.addi %iota3A, %add3A_435 : vector<16xi32>
      %gather3A_437 = tpu.vector_load_idx %arg16[%add3A_436, %broadcast_in_dim3A_429] : memref<32x512xf32, #tpu.memory_space<vmem>>[vector<16xi32>, vector<16xi32>], vector<16xf32>,
      %mul3A_438 = arith.mulf %gather3A_433, %select_n3A_427 : vector<16xf32>
      %mul3A_439 = arith.mulf %gather3A_437, %select_n3A_428 : vector<16xf32>
      %add3A_440 = arith.addf %mul3A_438, %mul3A_439 : vector<16xf32>
      %reduce_sum3A_441 = arith.constant true
      %reduce_sum3A_442 = vector.broadcast %reduce_sum3A_441 : i1 to vector<16xi1>
      %reduce_sum3A_443 = tpu.scan <sum>, %add3A_440 masked %reduce_sum3A_442 : vector<16xf32>, vector<16xi1> -> vector<16xf32>
      %reduce_sum3A_444 = vector.extract %reduce_sum3A_443[15] : f32 from vector<16xf32>
      %eq3A_445 = arith.constant 4 : i32
      %eq3A_446 = vector.broadcast %eq3A_445 : i32 to vector<16xi32>
      %eq3A_447 = arith.cmpi eq, %iota3A, %eq3A_446 : vector<16xi32>
      %broadcast_in_dim3A_448 = vector.broadcast %reduce_sum3A_444 : f32 to vector<16xf32>
      %select_n3A_449 = arith.select %eq3A_447, %broadcast_in_dim3A_448, %select_n3A_387 : vector<16xi1>, vector<16xf32>
      %add3A_450 = arith.constant 8 : i32
      %add3A_451 = arith.addi %add3A_398, %add3A_450 : i32
      %lt3A_452 = arith.constant 512 : i32
      %lt3A_453 = arith.cmpi slt, %add3A_451, %lt3A_452 : i32
      %convert_element_type3A_454 = arith.extui %lt3A_453 : i1 to i32
      %cond3A_455 = arith.constant 0 : i32
      %cond3A_456 = arith.cmpi ne, %convert_element_type3A_454, %cond3A_455 : i32
      scf.if %cond3A_456 {
        %slice3A_1143 = vector.extract_strided_slice %get3A_153 {offsets = [4], sizes = [1], strides = [1]} : vector<16xi32> to vector<1xi32>
        %squeeze3A_1144 = vector.extract %slice3A_1143[0] : i32 from vector<1xi32>
        %multiple_of3A_1145 = tpu.assume_multiple %squeeze3A_1144, 128 : i32
        %dma_start3A_1146 = arith.constant 0 : i32
        %dma_start3A_1147 = tpu.memref_slice %arg5[%dma_start3A_1146, %multiple_of3A_1145] : memref<32x100000xf32, #tpu.memory_space<hbm>> -> memref<32x128xf32, #tpu.memory_space<hbm>>
        %dma_start3A_1148 = arith.constant 0 : i32
        %dma_start3A_1149 = tpu.memref_slice %arg5[%dma_start3A_1148, %multiple_of3A_1145] : memref<32x100000xf32, #tpu.memory_space<hbm>> -> memref<32x128xf32, #tpu.memory_space<hbm>>
        tpu.enqueue_dma source(%dma_start3A_1149 : memref<32x128xf32, #tpu.memory_space<hbm>>) target(%arg23 : memref<32x128xf32, #tpu.memory_space<vmem>>) target_semaphore(%arg31 : memref<!tpu.dma_semaphore, #tpu.memory_space<semaphore_mem>>)
      } else {
      }
      %mul3A_457 = arith.constant 16 : i32
      %mul3A_458 = arith.muli %scan3A_143, %mul3A_457 : i32
      %add3A_459 = arith.constant 5 : i32
      %add3A_460 = arith.addi %mul3A_458, %add3A_459 : i32
      %slice3A_461 = vector.extract_strided_slice %get3A_147 {offsets = [5], sizes = [1], strides = [1]} : vector<16xi32> to vector<1xi32>
      %squeeze3A_462 = vector.extract %slice3A_461[0] : i32 from vector<1xi32>
      %dma_wait3A_463 = arith.constant 0 : i32
      %dma_wait3A_464 = arith.constant 0 : i32
      %dma_wait3A_465 = tpu.memref_slice %arg5[%dma_wait3A_463, %dma_wait3A_464] : memref<32x100000xf32, #tpu.memory_space<hbm>> -> memref<32x128xf32, #tpu.memory_space<hbm>>
      %dma_wait3A_466 = arith.constant 0 : i32
      %dma_wait3A_467 = arith.constant 0 : i32
      %dma_wait3A_468 = tpu.memref_slice %arg5[%dma_wait3A_466, %dma_wait3A_467] : memref<32x100000xf32, #tpu.memory_space<hbm>> -> memref<32x128xf32, #tpu.memory_space<hbm>>
      tpu.wait_dma2 semaphore(%arg32 : memref<!tpu.dma_semaphore, #tpu.memory_space<semaphore_mem>>) src(%dma_wait3A_468 : memref<32x128xf32, #tpu.memory_space<hbm>>) dst(%arg24 : memref<32x128xf32, #tpu.memory_space<vmem>>)
      %ge3A_469 = arith.constant 99968 : i32
      %ge3A_470 = arith.cmpi sge, %squeeze3A_462, %ge3A_469 : i32
      %sub3A_471 = arith.constant 99968 : i32
      %sub3A_472 = arith.subi %squeeze3A_462, %sub3A_471 : i32
      %and3A_473 = arith.constant 127 : i32
      %and3A_474 = arith.andi %squeeze3A_462, %and3A_473 : i32
      %select_n3A_475 = arith.select %ge3A_470, %sub3A_472, %and3A_474 : i32
      %broadcast_in_dim3A_476 = vector.broadcast %select_n3A_475 : i32 to vector<16xi32>
      %gather3A_477 = tpu.vector_load_idx %arg24[%iota3A, %broadcast_in_dim3A_476] : memref<32x128xf32, #tpu.memory_space<vmem>>[vector<16xi32>, vector<16xi32>], vector<16xf32>,
      %add3A_478 = arith.constant 16 : i32
      %add3A_479 = vector.broadcast %add3A_478 : i32 to vector<16xi32>
      %add3A_480 = arith.addi %iota3A, %add3A_479 : vector<16xi32>
      %gather3A_481 = tpu.vector_load_idx %arg24[%add3A_480, %broadcast_in_dim3A_476] : memref<32x128xf32, #tpu.memory_space<vmem>>[vector<16xi32>, vector<16xi32>], vector<16xf32>,
      %gather3A_482 = tpu.vector_load_idx %arg15[%iota3A, %broadcast_in_dim3A_476] : memref<32x128xf32, #tpu.memory_space<vmem>>[vector<16xi32>, vector<16xi32>], vector<16xf32>,
      %add3A_483 = arith.constant 16 : i32
      %add3A_484 = vector.broadcast %add3A_483 : i32 to vector<16xi32>
      %add3A_485 = arith.addi %iota3A, %add3A_484 : vector<16xi32>
      %gather3A_486 = tpu.vector_load_idx %arg15[%add3A_485, %broadcast_in_dim3A_476] : memref<32x128xf32, #tpu.memory_space<vmem>>[vector<16xi32>, vector<16xi32>], vector<16xf32>,
      %ge3A_487 = arith.constant 99968 : i32
      %ge3A_488 = arith.cmpi sge, %squeeze3A_462, %ge3A_487 : i32
      %select_n3A_489 = arith.select %ge3A_488, %gather3A_482, %gather3A_477 : vector<16xf32>
      %select_n3A_490 = arith.select %ge3A_488, %gather3A_486, %gather3A_481 : vector<16xf32>
      %broadcast_in_dim3A_491 = vector.broadcast %add3A_460 : i32 to vector<16xi32>
      tpu.vector_store_idx %arg17[%iota3A, %broadcast_in_dim3A_491], %select_n3A_489 : memref<32x512xf32, #tpu.memory_space<vmem>>[vector<16xi32>, vector<16xi32>], vector<16xf32>,
      %add3A_492 = arith.constant 16 : i32
      %add3A_493 = vector.broadcast %add3A_492 : i32 to vector<16xi32>
      %add3A_494 = arith.addi %iota3A, %add3A_493 : vector<16xi32>
      tpu.vector_store_idx %arg17[%add3A_494, %broadcast_in_dim3A_491], %select_n3A_490 : memref<32x512xf32, #tpu.memory_space<vmem>>[vector<16xi32>, vector<16xi32>], vector<16xf32>,
      %gather3A_495 = tpu.vector_load_idx %arg16[%iota3A, %broadcast_in_dim3A_491] : memref<32x512xf32, #tpu.memory_space<vmem>>[vector<16xi32>, vector<16xi32>], vector<16xf32>,
      %add3A_496 = arith.constant 16 : i32
      %add3A_497 = vector.broadcast %add3A_496 : i32 to vector<16xi32>
      %add3A_498 = arith.addi %iota3A, %add3A_497 : vector<16xi32>
      %gather3A_499 = tpu.vector_load_idx %arg16[%add3A_498, %broadcast_in_dim3A_491] : memref<32x512xf32, #tpu.memory_space<vmem>>[vector<16xi32>, vector<16xi32>], vector<16xf32>,
      %mul3A_500 = arith.mulf %gather3A_495, %select_n3A_489 : vector<16xf32>
      %mul3A_501 = arith.mulf %gather3A_499, %select_n3A_490 : vector<16xf32>
      %add3A_502 = arith.addf %mul3A_500, %mul3A_501 : vector<16xf32>
      %reduce_sum3A_503 = arith.constant true
      %reduce_sum3A_504 = vector.broadcast %reduce_sum3A_503 : i1 to vector<16xi1>
      %reduce_sum3A_505 = tpu.scan <sum>, %add3A_502 masked %reduce_sum3A_504 : vector<16xf32>, vector<16xi1> -> vector<16xf32>
      %reduce_sum3A_506 = vector.extract %reduce_sum3A_505[15] : f32 from vector<16xf32>
      %eq3A_507 = arith.constant 5 : i32
      %eq3A_508 = vector.broadcast %eq3A_507 : i32 to vector<16xi32>
      %eq3A_509 = arith.cmpi eq, %iota3A, %eq3A_508 : vector<16xi32>
      %broadcast_in_dim3A_510 = vector.broadcast %reduce_sum3A_506 : f32 to vector<16xf32>
      %select_n3A_511 = arith.select %eq3A_509, %broadcast_in_dim3A_510, %select_n3A_449 : vector<16xi1>, vector<16xf32>
      %add3A_512 = arith.constant 8 : i32
      %add3A_513 = arith.addi %add3A_460, %add3A_512 : i32
      %lt3A_514 = arith.constant 512 : i32
      %lt3A_515 = arith.cmpi slt, %add3A_513, %lt3A_514 : i32
      %convert_element_type3A_516 = arith.extui %lt3A_515 : i1 to i32
      %cond3A_517 = arith.constant 0 : i32
      %cond3A_518 = arith.cmpi ne, %convert_element_type3A_516, %cond3A_517 : i32
      scf.if %cond3A_518 {
        %slice3A_1143 = vector.extract_strided_slice %get3A_153 {offsets = [5], sizes = [1], strides = [1]} : vector<16xi32> to vector<1xi32>
        %squeeze3A_1144 = vector.extract %slice3A_1143[0] : i32 from vector<1xi32>
        %multiple_of3A_1145 = tpu.assume_multiple %squeeze3A_1144, 128 : i32
        %dma_start3A_1146 = arith.constant 0 : i32
        %dma_start3A_1147 = tpu.memref_slice %arg5[%dma_start3A_1146, %multiple_of3A_1145] : memref<32x100000xf32, #tpu.memory_space<hbm>> -> memref<32x128xf32, #tpu.memory_space<hbm>>
        %dma_start3A_1148 = arith.constant 0 : i32
        %dma_start3A_1149 = tpu.memref_slice %arg5[%dma_start3A_1148, %multiple_of3A_1145] : memref<32x100000xf32, #tpu.memory_space<hbm>> -> memref<32x128xf32, #tpu.memory_space<hbm>>
        tpu.enqueue_dma source(%dma_start3A_1149 : memref<32x128xf32, #tpu.memory_space<hbm>>) target(%arg24 : memref<32x128xf32, #tpu.memory_space<vmem>>) target_semaphore(%arg32 : memref<!tpu.dma_semaphore, #tpu.memory_space<semaphore_mem>>)
      } else {
      }
      %mul3A_519 = arith.constant 16 : i32
      %mul3A_520 = arith.muli %scan3A_143, %mul3A_519 : i32
      %add3A_521 = arith.constant 6 : i32
      %add3A_522 = arith.addi %mul3A_520, %add3A_521 : i32
      %slice3A_523 = vector.extract_strided_slice %get3A_147 {offsets = [6], sizes = [1], strides = [1]} : vector<16xi32> to vector<1xi32>
      %squeeze3A_524 = vector.extract %slice3A_523[0] : i32 from vector<1xi32>
      %dma_wait3A_525 = arith.constant 0 : i32
      %dma_wait3A_526 = arith.constant 0 : i32
      %dma_wait3A_527 = tpu.memref_slice %arg5[%dma_wait3A_525, %dma_wait3A_526] : memref<32x100000xf32, #tpu.memory_space<hbm>> -> memref<32x128xf32, #tpu.memory_space<hbm>>
      %dma_wait3A_528 = arith.constant 0 : i32
      %dma_wait3A_529 = arith.constant 0 : i32
      %dma_wait3A_530 = tpu.memref_slice %arg5[%dma_wait3A_528, %dma_wait3A_529] : memref<32x100000xf32, #tpu.memory_space<hbm>> -> memref<32x128xf32, #tpu.memory_space<hbm>>
      tpu.wait_dma2 semaphore(%arg33 : memref<!tpu.dma_semaphore, #tpu.memory_space<semaphore_mem>>) src(%dma_wait3A_530 : memref<32x128xf32, #tpu.memory_space<hbm>>) dst(%arg25 : memref<32x128xf32, #tpu.memory_space<vmem>>)
      %ge3A_531 = arith.constant 99968 : i32
      %ge3A_532 = arith.cmpi sge, %squeeze3A_524, %ge3A_531 : i32
      %sub3A_533 = arith.constant 99968 : i32
      %sub3A_534 = arith.subi %squeeze3A_524, %sub3A_533 : i32
      %and3A_535 = arith.constant 127 : i32
      %and3A_536 = arith.andi %squeeze3A_524, %and3A_535 : i32
      %select_n3A_537 = arith.select %ge3A_532, %sub3A_534, %and3A_536 : i32
      %broadcast_in_dim3A_538 = vector.broadcast %select_n3A_537 : i32 to vector<16xi32>
      %gather3A_539 = tpu.vector_load_idx %arg25[%iota3A, %broadcast_in_dim3A_538] : memref<32x128xf32, #tpu.memory_space<vmem>>[vector<16xi32>, vector<16xi32>], vector<16xf32>,
      %add3A_540 = arith.constant 16 : i32
      %add3A_541 = vector.broadcast %add3A_540 : i32 to vector<16xi32>
      %add3A_542 = arith.addi %iota3A, %add3A_541 : vector<16xi32>
      %gather3A_543 = tpu.vector_load_idx %arg25[%add3A_542, %broadcast_in_dim3A_538] : memref<32x128xf32, #tpu.memory_space<vmem>>[vector<16xi32>, vector<16xi32>], vector<16xf32>,
      %gather3A_544 = tpu.vector_load_idx %arg15[%iota3A, %broadcast_in_dim3A_538] : memref<32x128xf32, #tpu.memory_space<vmem>>[vector<16xi32>, vector<16xi32>], vector<16xf32>,
      %add3A_545 = arith.constant 16 : i32
      %add3A_546 = vector.broadcast %add3A_545 : i32 to vector<16xi32>
      %add3A_547 = arith.addi %iota3A, %add3A_546 : vector<16xi32>
      %gather3A_548 = tpu.vector_load_idx %arg15[%add3A_547, %broadcast_in_dim3A_538] : memref<32x128xf32, #tpu.memory_space<vmem>>[vector<16xi32>, vector<16xi32>], vector<16xf32>,
      %ge3A_549 = arith.constant 99968 : i32
      %ge3A_550 = arith.cmpi sge, %squeeze3A_524, %ge3A_549 : i32
      %select_n3A_551 = arith.select %ge3A_550, %gather3A_544, %gather3A_539 : vector<16xf32>
      %select_n3A_552 = arith.select %ge3A_550, %gather3A_548, %gather3A_543 : vector<16xf32>
      %broadcast_in_dim3A_553 = vector.broadcast %add3A_522 : i32 to vector<16xi32>
      tpu.vector_store_idx %arg17[%iota3A, %broadcast_in_dim3A_553], %select_n3A_551 : memref<32x512xf32, #tpu.memory_space<vmem>>[vector<16xi32>, vector<16xi32>], vector<16xf32>,
      %add3A_554 = arith.constant 16 : i32
      %add3A_555 = vector.broadcast %add3A_554 : i32 to vector<16xi32>
      %add3A_556 = arith.addi %iota3A, %add3A_555 : vector<16xi32>
      tpu.vector_store_idx %arg17[%add3A_556, %broadcast_in_dim3A_553], %select_n3A_552 : memref<32x512xf32, #tpu.memory_space<vmem>>[vector<16xi32>, vector<16xi32>], vector<16xf32>,
      %gather3A_557 = tpu.vector_load_idx %arg16[%iota3A, %broadcast_in_dim3A_553] : memref<32x512xf32, #tpu.memory_space<vmem>>[vector<16xi32>, vector<16xi32>], vector<16xf32>,
      %add3A_558 = arith.constant 16 : i32
      %add3A_559 = vector.broadcast %add3A_558 : i32 to vector<16xi32>
      %add3A_560 = arith.addi %iota3A, %add3A_559 : vector<16xi32>
      %gather3A_561 = tpu.vector_load_idx %arg16[%add3A_560, %broadcast_in_dim3A_553] : memref<32x512xf32, #tpu.memory_space<vmem>>[vector<16xi32>, vector<16xi32>], vector<16xf32>,
      %mul3A_562 = arith.mulf %gather3A_557, %select_n3A_551 : vector<16xf32>
      %mul3A_563 = arith.mulf %gather3A_561, %select_n3A_552 : vector<16xf32>
      %add3A_564 = arith.addf %mul3A_562, %mul3A_563 : vector<16xf32>
      %reduce_sum3A_565 = arith.constant true
      %reduce_sum3A_566 = vector.broadcast %reduce_sum3A_565 : i1 to vector<16xi1>
      %reduce_sum3A_567 = tpu.scan <sum>, %add3A_564 masked %reduce_sum3A_566 : vector<16xf32>, vector<16xi1> -> vector<16xf32>
      %reduce_sum3A_568 = vector.extract %reduce_sum3A_567[15] : f32 from vector<16xf32>
      %eq3A_569 = arith.constant 6 : i32
      %eq3A_570 = vector.broadcast %eq3A_569 : i32 to vector<16xi32>
      %eq3A_571 = arith.cmpi eq, %iota3A, %eq3A_570 : vector<16xi32>
      %broadcast_in_dim3A_572 = vector.broadcast %reduce_sum3A_568 : f32 to vector<16xf32>
      %select_n3A_573 = arith.select %eq3A_571, %broadcast_in_dim3A_572, %select_n3A_511 : vector<16xi1>, vector<16xf32>
      %add3A_574 = arith.constant 8 : i32
      %add3A_575 = arith.addi %add3A_522, %add3A_574 : i32
      %lt3A_576 = arith.constant 512 : i32
      %lt3A_577 = arith.cmpi slt, %add3A_575, %lt3A_576 : i32
      %convert_element_type3A_578 = arith.extui %lt3A_577 : i1 to i32
      %cond3A_579 = arith.constant 0 : i32
      %cond3A_580 = arith.cmpi ne, %convert_element_type3A_578, %cond3A_579 : i32
      scf.if %cond3A_580 {
        %slice3A_1143 = vector.extract_strided_slice %get3A_153 {offsets = [6], sizes = [1], strides = [1]} : vector<16xi32> to vector<1xi32>
        %squeeze3A_1144 = vector.extract %slice3A_1143[0] : i32 from vector<1xi32>
        %multiple_of3A_1145 = tpu.assume_multiple %squeeze3A_1144, 128 : i32
        %dma_start3A_1146 = arith.constant 0 : i32
        %dma_start3A_1147 = tpu.memref_slice %arg5[%dma_start3A_1146, %multiple_of3A_1145] : memref<32x100000xf32, #tpu.memory_space<hbm>> -> memref<32x128xf32, #tpu.memory_space<hbm>>
        %dma_start3A_1148 = arith.constant 0 : i32
        %dma_start3A_1149 = tpu.memref_slice %arg5[%dma_start3A_1148, %multiple_of3A_1145] : memref<32x100000xf32, #tpu.memory_space<hbm>> -> memref<32x128xf32, #tpu.memory_space<hbm>>
        tpu.enqueue_dma source(%dma_start3A_1149 : memref<32x128xf32, #tpu.memory_space<hbm>>) target(%arg25 : memref<32x128xf32, #tpu.memory_space<vmem>>) target_semaphore(%arg33 : memref<!tpu.dma_semaphore, #tpu.memory_space<semaphore_mem>>)
      } else {
      }
      %mul3A_581 = arith.constant 16 : i32
      %mul3A_582 = arith.muli %scan3A_143, %mul3A_581 : i32
      %add3A_583 = arith.constant 7 : i32
      %add3A_584 = arith.addi %mul3A_582, %add3A_583 : i32
      %slice3A_585 = vector.extract_strided_slice %get3A_147 {offsets = [7], sizes = [1], strides = [1]} : vector<16xi32> to vector<1xi32>
      %squeeze3A_586 = vector.extract %slice3A_585[0] : i32 from vector<1xi32>
      %dma_wait3A_587 = arith.constant 0 : i32
      %dma_wait3A_588 = arith.constant 0 : i32
      %dma_wait3A_589 = tpu.memref_slice %arg5[%dma_wait3A_587, %dma_wait3A_588] : memref<32x100000xf32, #tpu.memory_space<hbm>> -> memref<32x128xf32, #tpu.memory_space<hbm>>
      %dma_wait3A_590 = arith.constant 0 : i32
      %dma_wait3A_591 = arith.constant 0 : i32
      %dma_wait3A_592 = tpu.memref_slice %arg5[%dma_wait3A_590, %dma_wait3A_591] : memref<32x100000xf32, #tpu.memory_space<hbm>> -> memref<32x128xf32, #tpu.memory_space<hbm>>
      tpu.wait_dma2 semaphore(%arg34 : memref<!tpu.dma_semaphore, #tpu.memory_space<semaphore_mem>>) src(%dma_wait3A_592 : memref<32x128xf32, #tpu.memory_space<hbm>>) dst(%arg26 : memref<32x128xf32, #tpu.memory_space<vmem>>)
      %ge3A_593 = arith.constant 99968 : i32
      %ge3A_594 = arith.cmpi sge, %squeeze3A_586, %ge3A_593 : i32
      %sub3A_595 = arith.constant 99968 : i32
      %sub3A_596 = arith.subi %squeeze3A_586, %sub3A_595 : i32
      %and3A_597 = arith.constant 127 : i32
      %and3A_598 = arith.andi %squeeze3A_586, %and3A_597 : i32
      %select_n3A_599 = arith.select %ge3A_594, %sub3A_596, %and3A_598 : i32
      %broadcast_in_dim3A_600 = vector.broadcast %select_n3A_599 : i32 to vector<16xi32>
      %gather3A_601 = tpu.vector_load_idx %arg26[%iota3A, %broadcast_in_dim3A_600] : memref<32x128xf32, #tpu.memory_space<vmem>>[vector<16xi32>, vector<16xi32>], vector<16xf32>,
      %add3A_602 = arith.constant 16 : i32
      %add3A_603 = vector.broadcast %add3A_602 : i32 to vector<16xi32>
      %add3A_604 = arith.addi %iota3A, %add3A_603 : vector<16xi32>
      %gather3A_605 = tpu.vector_load_idx %arg26[%add3A_604, %broadcast_in_dim3A_600] : memref<32x128xf32, #tpu.memory_space<vmem>>[vector<16xi32>, vector<16xi32>], vector<16xf32>,
      %gather3A_606 = tpu.vector_load_idx %arg15[%iota3A, %broadcast_in_dim3A_600] : memref<32x128xf32, #tpu.memory_space<vmem>>[vector<16xi32>, vector<16xi32>], vector<16xf32>,
      %add3A_607 = arith.constant 16 : i32
      %add3A_608 = vector.broadcast %add3A_607 : i32 to vector<16xi32>
      %add3A_609 = arith.addi %iota3A, %add3A_608 : vector<16xi32>
      %gather3A_610 = tpu.vector_load_idx %arg15[%add3A_609, %broadcast_in_dim3A_600] : memref<32x128xf32, #tpu.memory_space<vmem>>[vector<16xi32>, vector<16xi32>], vector<16xf32>,
      %ge3A_611 = arith.constant 99968 : i32
      %ge3A_612 = arith.cmpi sge, %squeeze3A_586, %ge3A_611 : i32
      %select_n3A_613 = arith.select %ge3A_612, %gather3A_606, %gather3A_601 : vector<16xf32>
      %select_n3A_614 = arith.select %ge3A_612, %gather3A_610, %gather3A_605 : vector<16xf32>
      %broadcast_in_dim3A_615 = vector.broadcast %add3A_584 : i32 to vector<16xi32>
      tpu.vector_store_idx %arg17[%iota3A, %broadcast_in_dim3A_615], %select_n3A_613 : memref<32x512xf32, #tpu.memory_space<vmem>>[vector<16xi32>, vector<16xi32>], vector<16xf32>,
      %add3A_616 = arith.constant 16 : i32
      %add3A_617 = vector.broadcast %add3A_616 : i32 to vector<16xi32>
      %add3A_618 = arith.addi %iota3A, %add3A_617 : vector<16xi32>
      tpu.vector_store_idx %arg17[%add3A_618, %broadcast_in_dim3A_615], %select_n3A_614 : memref<32x512xf32, #tpu.memory_space<vmem>>[vector<16xi32>, vector<16xi32>], vector<16xf32>,
      %gather3A_619 = tpu.vector_load_idx %arg16[%iota3A, %broadcast_in_dim3A_615] : memref<32x512xf32, #tpu.memory_space<vmem>>[vector<16xi32>, vector<16xi32>], vector<16xf32>,
      %add3A_620 = arith.constant 16 : i32
      %add3A_621 = vector.broadcast %add3A_620 : i32 to vector<16xi32>
      %add3A_622 = arith.addi %iota3A, %add3A_621 : vector<16xi32>
      %gather3A_623 = tpu.vector_load_idx %arg16[%add3A_622, %broadcast_in_dim3A_615] : memref<32x512xf32, #tpu.memory_space<vmem>>[vector<16xi32>, vector<16xi32>], vector<16xf32>,
      %mul3A_624 = arith.mulf %gather3A_619, %select_n3A_613 : vector<16xf32>
      %mul3A_625 = arith.mulf %gather3A_623, %select_n3A_614 : vector<16xf32>
      %add3A_626 = arith.addf %mul3A_624, %mul3A_625 : vector<16xf32>
      %reduce_sum3A_627 = arith.constant true
      %reduce_sum3A_628 = vector.broadcast %reduce_sum3A_627 : i1 to vector<16xi1>
      %reduce_sum3A_629 = tpu.scan <sum>, %add3A_626 masked %reduce_sum3A_628 : vector<16xf32>, vector<16xi1> -> vector<16xf32>
      %reduce_sum3A_630 = vector.extract %reduce_sum3A_629[15] : f32 from vector<16xf32>
      %eq3A_631 = arith.constant 7 : i32
      %eq3A_632 = vector.broadcast %eq3A_631 : i32 to vector<16xi32>
      %eq3A_633 = arith.cmpi eq, %iota3A, %eq3A_632 : vector<16xi32>
      %broadcast_in_dim3A_634 = vector.broadcast %reduce_sum3A_630 : f32 to vector<16xf32>
      %select_n3A_635 = arith.select %eq3A_633, %broadcast_in_dim3A_634, %select_n3A_573 : vector<16xi1>, vector<16xf32>
      %add3A_636 = arith.constant 8 : i32
      %add3A_637 = arith.addi %add3A_584, %add3A_636 : i32
      %lt3A_638 = arith.constant 512 : i32
      %lt3A_639 = arith.cmpi slt, %add3A_637, %lt3A_638 : i32
      %convert_element_type3A_640 = arith.extui %lt3A_639 : i1 to i32
      %cond3A_641 = arith.constant 0 : i32
      %cond3A_642 = arith.cmpi ne, %convert_element_type3A_640, %cond3A_641 : i32
      scf.if %cond3A_642 {
        %slice3A_1143 = vector.extract_strided_slice %get3A_153 {offsets = [7], sizes = [1], strides = [1]} : vector<16xi32> to vector<1xi32>
        %squeeze3A_1144 = vector.extract %slice3A_1143[0] : i32 from vector<1xi32>
        %multiple_of3A_1145 = tpu.assume_multiple %squeeze3A_1144, 128 : i32
        %dma_start3A_1146 = arith.constant 0 : i32
        %dma_start3A_1147 = tpu.memref_slice %arg5[%dma_start3A_1146, %multiple_of3A_1145] : memref<32x100000xf32, #tpu.memory_space<hbm>> -> memref<32x128xf32, #tpu.memory_space<hbm>>
        %dma_start3A_1148 = arith.constant 0 : i32
        %dma_start3A_1149 = tpu.memref_slice %arg5[%dma_start3A_1148, %multiple_of3A_1145] : memref<32x100000xf32, #tpu.memory_space<hbm>> -> memref<32x128xf32, #tpu.memory_space<hbm>>
        tpu.enqueue_dma source(%dma_start3A_1149 : memref<32x128xf32, #tpu.memory_space<hbm>>) target(%arg26 : memref<32x128xf32, #tpu.memory_space<vmem>>) target_semaphore(%arg34 : memref<!tpu.dma_semaphore, #tpu.memory_space<semaphore_mem>>)
      } else {
      }
      %mul3A_643 = arith.constant 16 : i32
      %mul3A_644 = arith.muli %scan3A_143, %mul3A_643 : i32
      %add3A_645 = arith.constant 8 : i32
      %add3A_646 = arith.addi %mul3A_644, %add3A_645 : i32
      %slice3A_647 = vector.extract_strided_slice %get3A_147 {offsets = [8], sizes = [1], strides = [1]} : vector<16xi32> to vector<1xi32>
      %squeeze3A_648 = vector.extract %slice3A_647[0] : i32 from vector<1xi32>
      %dma_wait3A_649 = arith.constant 0 : i32
      %dma_wait3A_650 = arith.constant 0 : i32
      %dma_wait3A_651 = tpu.memref_slice %arg5[%dma_wait3A_649, %dma_wait3A_650] : memref<32x100000xf32, #tpu.memory_space<hbm>> -> memref<32x128xf32, #tpu.memory_space<hbm>>
      %dma_wait3A_652 = arith.constant 0 : i32
      %dma_wait3A_653 = arith.constant 0 : i32
      %dma_wait3A_654 = tpu.memref_slice %arg5[%dma_wait3A_652, %dma_wait3A_653] : memref<32x100000xf32, #tpu.memory_space<hbm>> -> memref<32x128xf32, #tpu.memory_space<hbm>>
      tpu.wait_dma2 semaphore(%arg27 : memref<!tpu.dma_semaphore, #tpu.memory_space<semaphore_mem>>) src(%dma_wait3A_654 : memref<32x128xf32, #tpu.memory_space<hbm>>) dst(%arg19 : memref<32x128xf32, #tpu.memory_space<vmem>>)
      %ge3A_655 = arith.constant 99968 : i32
      %ge3A_656 = arith.cmpi sge, %squeeze3A_648, %ge3A_655 : i32
      %sub3A_657 = arith.constant 99968 : i32
      %sub3A_658 = arith.subi %squeeze3A_648, %sub3A_657 : i32
      %and3A_659 = arith.constant 127 : i32
      %and3A_660 = arith.andi %squeeze3A_648, %and3A_659 : i32
      %select_n3A_661 = arith.select %ge3A_656, %sub3A_658, %and3A_660 : i32
      %broadcast_in_dim3A_662 = vector.broadcast %select_n3A_661 : i32 to vector<16xi32>
      %gather3A_663 = tpu.vector_load_idx %arg19[%iota3A, %broadcast_in_dim3A_662] : memref<32x128xf32, #tpu.memory_space<vmem>>[vector<16xi32>, vector<16xi32>], vector<16xf32>,
      %add3A_664 = arith.constant 16 : i32
      %add3A_665 = vector.broadcast %add3A_664 : i32 to vector<16xi32>
      %add3A_666 = arith.addi %iota3A, %add3A_665 : vector<16xi32>
      %gather3A_667 = tpu.vector_load_idx %arg19[%add3A_666, %broadcast_in_dim3A_662] : memref<32x128xf32, #tpu.memory_space<vmem>>[vector<16xi32>, vector<16xi32>], vector<16xf32>,
      %gather3A_668 = tpu.vector_load_idx %arg15[%iota3A, %broadcast_in_dim3A_662] : memref<32x128xf32, #tpu.memory_space<vmem>>[vector<16xi32>, vector<16xi32>], vector<16xf32>,
      %add3A_669 = arith.constant 16 : i32
      %add3A_670 = vector.broadcast %add3A_669 : i32 to vector<16xi32>
      %add3A_671 = arith.addi %iota3A, %add3A_670 : vector<16xi32>
      %gather3A_672 = tpu.vector_load_idx %arg15[%add3A_671, %broadcast_in_dim3A_662] : memref<32x128xf32, #tpu.memory_space<vmem>>[vector<16xi32>, vector<16xi32>], vector<16xf32>,
      %ge3A_673 = arith.constant 99968 : i32
      %ge3A_674 = arith.cmpi sge, %squeeze3A_648, %ge3A_673 : i32
      %select_n3A_675 = arith.select %ge3A_674, %gather3A_668, %gather3A_663 : vector<16xf32>
      %select_n3A_676 = arith.select %ge3A_674, %gather3A_672, %gather3A_667 : vector<16xf32>
      %broadcast_in_dim3A_677 = vector.broadcast %add3A_646 : i32 to vector<16xi32>
      tpu.vector_store_idx %arg17[%iota3A, %broadcast_in_dim3A_677], %select_n3A_675 : memref<32x512xf32, #tpu.memory_space<vmem>>[vector<16xi32>, vector<16xi32>], vector<16xf32>,
      %add3A_678 = arith.constant 16 : i32
      %add3A_679 = vector.broadcast %add3A_678 : i32 to vector<16xi32>
      %add3A_680 = arith.addi %iota3A, %add3A_679 : vector<16xi32>
      tpu.vector_store_idx %arg17[%add3A_680, %broadcast_in_dim3A_677], %select_n3A_676 : memref<32x512xf32, #tpu.memory_space<vmem>>[vector<16xi32>, vector<16xi32>], vector<16xf32>,
      %gather3A_681 = tpu.vector_load_idx %arg16[%iota3A, %broadcast_in_dim3A_677] : memref<32x512xf32, #tpu.memory_space<vmem>>[vector<16xi32>, vector<16xi32>], vector<16xf32>,
      %add3A_682 = arith.constant 16 : i32
      %add3A_683 = vector.broadcast %add3A_682 : i32 to vector<16xi32>
      %add3A_684 = arith.addi %iota3A, %add3A_683 : vector<16xi32>
      %gather3A_685 = tpu.vector_load_idx %arg16[%add3A_684, %broadcast_in_dim3A_677] : memref<32x512xf32, #tpu.memory_space<vmem>>[vector<16xi32>, vector<16xi32>], vector<16xf32>,
      %mul3A_686 = arith.mulf %gather3A_681, %select_n3A_675 : vector<16xf32>
      %mul3A_687 = arith.mulf %gather3A_685, %select_n3A_676 : vector<16xf32>
      %add3A_688 = arith.addf %mul3A_686, %mul3A_687 : vector<16xf32>
      %reduce_sum3A_689 = arith.constant true
      %reduce_sum3A_690 = vector.broadcast %reduce_sum3A_689 : i1 to vector<16xi1>
      %reduce_sum3A_691 = tpu.scan <sum>, %add3A_688 masked %reduce_sum3A_690 : vector<16xf32>, vector<16xi1> -> vector<16xf32>
      %reduce_sum3A_692 = vector.extract %reduce_sum3A_691[15] : f32 from vector<16xf32>
      %eq3A_693 = arith.constant 8 : i32
      %eq3A_694 = vector.broadcast %eq3A_693 : i32 to vector<16xi32>
      %eq3A_695 = arith.cmpi eq, %iota3A, %eq3A_694 : vector<16xi32>
      %broadcast_in_dim3A_696 = vector.broadcast %reduce_sum3A_692 : f32 to vector<16xf32>
      %select_n3A_697 = arith.select %eq3A_695, %broadcast_in_dim3A_696, %select_n3A_635 : vector<16xi1>, vector<16xf32>
      %add3A_698 = arith.constant 8 : i32
      %add3A_699 = arith.addi %add3A_646, %add3A_698 : i32
      %lt3A_700 = arith.constant 512 : i32
      %lt3A_701 = arith.cmpi slt, %add3A_699, %lt3A_700 : i32
      %convert_element_type3A_702 = arith.extui %lt3A_701 : i1 to i32
      %cond3A_703 = arith.constant 0 : i32
      %cond3A_704 = arith.cmpi ne, %convert_element_type3A_702, %cond3A_703 : i32
      scf.if %cond3A_704 {
        %slice3A_1143 = vector.extract_strided_slice %get3A_153 {offsets = [8], sizes = [1], strides = [1]} : vector<16xi32> to vector<1xi32>
        %squeeze3A_1144 = vector.extract %slice3A_1143[0] : i32 from vector<1xi32>
        %multiple_of3A_1145 = tpu.assume_multiple %squeeze3A_1144, 128 : i32
        %dma_start3A_1146 = arith.constant 0 : i32
        %dma_start3A_1147 = tpu.memref_slice %arg5[%dma_start3A_1146, %multiple_of3A_1145] : memref<32x100000xf32, #tpu.memory_space<hbm>> -> memref<32x128xf32, #tpu.memory_space<hbm>>
        %dma_start3A_1148 = arith.constant 0 : i32
        %dma_start3A_1149 = tpu.memref_slice %arg5[%dma_start3A_1148, %multiple_of3A_1145] : memref<32x100000xf32, #tpu.memory_space<hbm>> -> memref<32x128xf32, #tpu.memory_space<hbm>>
        tpu.enqueue_dma source(%dma_start3A_1149 : memref<32x128xf32, #tpu.memory_space<hbm>>) target(%arg19 : memref<32x128xf32, #tpu.memory_space<vmem>>) target_semaphore(%arg27 : memref<!tpu.dma_semaphore, #tpu.memory_space<semaphore_mem>>)
      } else {
      }
      %mul3A_705 = arith.constant 16 : i32
      %mul3A_706 = arith.muli %scan3A_143, %mul3A_705 : i32
      %add3A_707 = arith.constant 9 : i32
      %add3A_708 = arith.addi %mul3A_706, %add3A_707 : i32
      %slice3A_709 = vector.extract_strided_slice %get3A_147 {offsets = [9], sizes = [1], strides = [1]} : vector<16xi32> to vector<1xi32>
      %squeeze3A_710 = vector.extract %slice3A_709[0] : i32 from vector<1xi32>
      %dma_wait3A_711 = arith.constant 0 : i32
      %dma_wait3A_712 = arith.constant 0 : i32
      %dma_wait3A_713 = tpu.memref_slice %arg5[%dma_wait3A_711, %dma_wait3A_712] : memref<32x100000xf32, #tpu.memory_space<hbm>> -> memref<32x128xf32, #tpu.memory_space<hbm>>
      %dma_wait3A_714 = arith.constant 0 : i32
      %dma_wait3A_715 = arith.constant 0 : i32
      %dma_wait3A_716 = tpu.memref_slice %arg5[%dma_wait3A_714, %dma_wait3A_715] : memref<32x100000xf32, #tpu.memory_space<hbm>> -> memref<32x128xf32, #tpu.memory_space<hbm>>
      tpu.wait_dma2 semaphore(%arg28 : memref<!tpu.dma_semaphore, #tpu.memory_space<semaphore_mem>>) src(%dma_wait3A_716 : memref<32x128xf32, #tpu.memory_space<hbm>>) dst(%arg20 : memref<32x128xf32, #tpu.memory_space<vmem>>)
      %ge3A_717 = arith.constant 99968 : i32
      %ge3A_718 = arith.cmpi sge, %squeeze3A_710, %ge3A_717 : i32
      %sub3A_719 = arith.constant 99968 : i32
      %sub3A_720 = arith.subi %squeeze3A_710, %sub3A_719 : i32
      %and3A_721 = arith.constant 127 : i32
      %and3A_722 = arith.andi %squeeze3A_710, %and3A_721 : i32
      %select_n3A_723 = arith.select %ge3A_718, %sub3A_720, %and3A_722 : i32
      %broadcast_in_dim3A_724 = vector.broadcast %select_n3A_723 : i32 to vector<16xi32>
      %gather3A_725 = tpu.vector_load_idx %arg20[%iota3A, %broadcast_in_dim3A_724] : memref<32x128xf32, #tpu.memory_space<vmem>>[vector<16xi32>, vector<16xi32>], vector<16xf32>,
      %add3A_726 = arith.constant 16 : i32
      %add3A_727 = vector.broadcast %add3A_726 : i32 to vector<16xi32>
      %add3A_728 = arith.addi %iota3A, %add3A_727 : vector<16xi32>
      %gather3A_729 = tpu.vector_load_idx %arg20[%add3A_728, %broadcast_in_dim3A_724] : memref<32x128xf32, #tpu.memory_space<vmem>>[vector<16xi32>, vector<16xi32>], vector<16xf32>,
      %gather3A_730 = tpu.vector_load_idx %arg15[%iota3A, %broadcast_in_dim3A_724] : memref<32x128xf32, #tpu.memory_space<vmem>>[vector<16xi32>, vector<16xi32>], vector<16xf32>,
      %add3A_731 = arith.constant 16 : i32
      %add3A_732 = vector.broadcast %add3A_731 : i32 to vector<16xi32>
      %add3A_733 = arith.addi %iota3A, %add3A_732 : vector<16xi32>
      %gather3A_734 = tpu.vector_load_idx %arg15[%add3A_733, %broadcast_in_dim3A_724] : memref<32x128xf32, #tpu.memory_space<vmem>>[vector<16xi32>, vector<16xi32>], vector<16xf32>,
      %ge3A_735 = arith.constant 99968 : i32
      %ge3A_736 = arith.cmpi sge, %squeeze3A_710, %ge3A_735 : i32
      %select_n3A_737 = arith.select %ge3A_736, %gather3A_730, %gather3A_725 : vector<16xf32>
      %select_n3A_738 = arith.select %ge3A_736, %gather3A_734, %gather3A_729 : vector<16xf32>
      %broadcast_in_dim3A_739 = vector.broadcast %add3A_708 : i32 to vector<16xi32>
      tpu.vector_store_idx %arg17[%iota3A, %broadcast_in_dim3A_739], %select_n3A_737 : memref<32x512xf32, #tpu.memory_space<vmem>>[vector<16xi32>, vector<16xi32>], vector<16xf32>,
      %add3A_740 = arith.constant 16 : i32
      %add3A_741 = vector.broadcast %add3A_740 : i32 to vector<16xi32>
      %add3A_742 = arith.addi %iota3A, %add3A_741 : vector<16xi32>
      tpu.vector_store_idx %arg17[%add3A_742, %broadcast_in_dim3A_739], %select_n3A_738 : memref<32x512xf32, #tpu.memory_space<vmem>>[vector<16xi32>, vector<16xi32>], vector<16xf32>,
      %gather3A_743 = tpu.vector_load_idx %arg16[%iota3A, %broadcast_in_dim3A_739] : memref<32x512xf32, #tpu.memory_space<vmem>>[vector<16xi32>, vector<16xi32>], vector<16xf32>,
      %add3A_744 = arith.constant 16 : i32
      %add3A_745 = vector.broadcast %add3A_744 : i32 to vector<16xi32>
      %add3A_746 = arith.addi %iota3A, %add3A_745 : vector<16xi32>
      %gather3A_747 = tpu.vector_load_idx %arg16[%add3A_746, %broadcast_in_dim3A_739] : memref<32x512xf32, #tpu.memory_space<vmem>>[vector<16xi32>, vector<16xi32>], vector<16xf32>,
      %mul3A_748 = arith.mulf %gather3A_743, %select_n3A_737 : vector<16xf32>
      %mul3A_749 = arith.mulf %gather3A_747, %select_n3A_738 : vector<16xf32>
      %add3A_750 = arith.addf %mul3A_748, %mul3A_749 : vector<16xf32>
      %reduce_sum3A_751 = arith.constant true
      %reduce_sum3A_752 = vector.broadcast %reduce_sum3A_751 : i1 to vector<16xi1>
      %reduce_sum3A_753 = tpu.scan <sum>, %add3A_750 masked %reduce_sum3A_752 : vector<16xf32>, vector<16xi1> -> vector<16xf32>
      %reduce_sum3A_754 = vector.extract %reduce_sum3A_753[15] : f32 from vector<16xf32>
      %eq3A_755 = arith.constant 9 : i32
      %eq3A_756 = vector.broadcast %eq3A_755 : i32 to vector<16xi32>
      %eq3A_757 = arith.cmpi eq, %iota3A, %eq3A_756 : vector<16xi32>
      %broadcast_in_dim3A_758 = vector.broadcast %reduce_sum3A_754 : f32 to vector<16xf32>
      %select_n3A_759 = arith.select %eq3A_757, %broadcast_in_dim3A_758, %select_n3A_697 : vector<16xi1>, vector<16xf32>
      %add3A_760 = arith.constant 8 : i32
      %add3A_761 = arith.addi %add3A_708, %add3A_760 : i32
      %lt3A_762 = arith.constant 512 : i32
      %lt3A_763 = arith.cmpi slt, %add3A_761, %lt3A_762 : i32
      %convert_element_type3A_764 = arith.extui %lt3A_763 : i1 to i32
      %cond3A_765 = arith.constant 0 : i32
      %cond3A_766 = arith.cmpi ne, %convert_element_type3A_764, %cond3A_765 : i32
      scf.if %cond3A_766 {
        %slice3A_1143 = vector.extract_strided_slice %get3A_153 {offsets = [9], sizes = [1], strides = [1]} : vector<16xi32> to vector<1xi32>
        %squeeze3A_1144 = vector.extract %slice3A_1143[0] : i32 from vector<1xi32>
        %multiple_of3A_1145 = tpu.assume_multiple %squeeze3A_1144, 128 : i32
        %dma_start3A_1146 = arith.constant 0 : i32
        %dma_start3A_1147 = tpu.memref_slice %arg5[%dma_start3A_1146, %multiple_of3A_1145] : memref<32x100000xf32, #tpu.memory_space<hbm>> -> memref<32x128xf32, #tpu.memory_space<hbm>>
        %dma_start3A_1148 = arith.constant 0 : i32
        %dma_start3A_1149 = tpu.memref_slice %arg5[%dma_start3A_1148, %multiple_of3A_1145] : memref<32x100000xf32, #tpu.memory_space<hbm>> -> memref<32x128xf32, #tpu.memory_space<hbm>>
        tpu.enqueue_dma source(%dma_start3A_1149 : memref<32x128xf32, #tpu.memory_space<hbm>>) target(%arg20 : memref<32x128xf32, #tpu.memory_space<vmem>>) target_semaphore(%arg28 : memref<!tpu.dma_semaphore, #tpu.memory_space<semaphore_mem>>)
      } else {
      }
      %mul3A_767 = arith.constant 16 : i32
      %mul3A_768 = arith.muli %scan3A_143, %mul3A_767 : i32
      %add3A_769 = arith.constant 10 : i32
      %add3A_770 = arith.addi %mul3A_768, %add3A_769 : i32
      %slice3A_771 = vector.extract_strided_slice %get3A_147 {offsets = [10], sizes = [1], strides = [1]} : vector<16xi32> to vector<1xi32>
      %squeeze3A_772 = vector.extract %slice3A_771[0] : i32 from vector<1xi32>
      %dma_wait3A_773 = arith.constant 0 : i32
      %dma_wait3A_774 = arith.constant 0 : i32
      %dma_wait3A_775 = tpu.memref_slice %arg5[%dma_wait3A_773, %dma_wait3A_774] : memref<32x100000xf32, #tpu.memory_space<hbm>> -> memref<32x128xf32, #tpu.memory_space<hbm>>
      %dma_wait3A_776 = arith.constant 0 : i32
      %dma_wait3A_777 = arith.constant 0 : i32
      %dma_wait3A_778 = tpu.memref_slice %arg5[%dma_wait3A_776, %dma_wait3A_777] : memref<32x100000xf32, #tpu.memory_space<hbm>> -> memref<32x128xf32, #tpu.memory_space<hbm>>
      tpu.wait_dma2 semaphore(%arg29 : memref<!tpu.dma_semaphore, #tpu.memory_space<semaphore_mem>>) src(%dma_wait3A_778 : memref<32x128xf32, #tpu.memory_space<hbm>>) dst(%arg21 : memref<32x128xf32, #tpu.memory_space<vmem>>)
      %ge3A_779 = arith.constant 99968 : i32
      %ge3A_780 = arith.cmpi sge, %squeeze3A_772, %ge3A_779 : i32
      %sub3A_781 = arith.constant 99968 : i32
      %sub3A_782 = arith.subi %squeeze3A_772, %sub3A_781 : i32
      %and3A_783 = arith.constant 127 : i32
      %and3A_784 = arith.andi %squeeze3A_772, %and3A_783 : i32
      %select_n3A_785 = arith.select %ge3A_780, %sub3A_782, %and3A_784 : i32
      %broadcast_in_dim3A_786 = vector.broadcast %select_n3A_785 : i32 to vector<16xi32>
      %gather3A_787 = tpu.vector_load_idx %arg21[%iota3A, %broadcast_in_dim3A_786] : memref<32x128xf32, #tpu.memory_space<vmem>>[vector<16xi32>, vector<16xi32>], vector<16xf32>,
      %add3A_788 = arith.constant 16 : i32
      %add3A_789 = vector.broadcast %add3A_788 : i32 to vector<16xi32>
      %add3A_790 = arith.addi %iota3A, %add3A_789 : vector<16xi32>
      %gather3A_791 = tpu.vector_load_idx %arg21[%add3A_790, %broadcast_in_dim3A_786] : memref<32x128xf32, #tpu.memory_space<vmem>>[vector<16xi32>, vector<16xi32>], vector<16xf32>,
      %gather3A_792 = tpu.vector_load_idx %arg15[%iota3A, %broadcast_in_dim3A_786] : memref<32x128xf32, #tpu.memory_space<vmem>>[vector<16xi32>, vector<16xi32>], vector<16xf32>,
      %add3A_793 = arith.constant 16 : i32
      %add3A_794 = vector.broadcast %add3A_793 : i32 to vector<16xi32>
      %add3A_795 = arith.addi %iota3A, %add3A_794 : vector<16xi32>
      %gather3A_796 = tpu.vector_load_idx %arg15[%add3A_795, %broadcast_in_dim3A_786] : memref<32x128xf32, #tpu.memory_space<vmem>>[vector<16xi32>, vector<16xi32>], vector<16xf32>,
      %ge3A_797 = arith.constant 99968 : i32
      %ge3A_798 = arith.cmpi sge, %squeeze3A_772, %ge3A_797 : i32
      %select_n3A_799 = arith.select %ge3A_798, %gather3A_792, %gather3A_787 : vector<16xf32>
      %select_n3A_800 = arith.select %ge3A_798, %gather3A_796, %gather3A_791 : vector<16xf32>
      %broadcast_in_dim3A_801 = vector.broadcast %add3A_770 : i32 to vector<16xi32>
      tpu.vector_store_idx %arg17[%iota3A, %broadcast_in_dim3A_801], %select_n3A_799 : memref<32x512xf32, #tpu.memory_space<vmem>>[vector<16xi32>, vector<16xi32>], vector<16xf32>,
      %add3A_802 = arith.constant 16 : i32
      %add3A_803 = vector.broadcast %add3A_802 : i32 to vector<16xi32>
      %add3A_804 = arith.addi %iota3A, %add3A_803 : vector<16xi32>
      tpu.vector_store_idx %arg17[%add3A_804, %broadcast_in_dim3A_801], %select_n3A_800 : memref<32x512xf32, #tpu.memory_space<vmem>>[vector<16xi32>, vector<16xi32>], vector<16xf32>,
      %gather3A_805 = tpu.vector_load_idx %arg16[%iota3A, %broadcast_in_dim3A_801] : memref<32x512xf32, #tpu.memory_space<vmem>>[vector<16xi32>, vector<16xi32>], vector<16xf32>,
      %add3A_806 = arith.constant 16 : i32
      %add3A_807 = vector.broadcast %add3A_806 : i32 to vector<16xi32>
      %add3A_808 = arith.addi %iota3A, %add3A_807 : vector<16xi32>
      %gather3A_809 = tpu.vector_load_idx %arg16[%add3A_808, %broadcast_in_dim3A_801] : memref<32x512xf32, #tpu.memory_space<vmem>>[vector<16xi32>, vector<16xi32>], vector<16xf32>,
      %mul3A_810 = arith.mulf %gather3A_805, %select_n3A_799 : vector<16xf32>
      %mul3A_811 = arith.mulf %gather3A_809, %select_n3A_800 : vector<16xf32>
      %add3A_812 = arith.addf %mul3A_810, %mul3A_811 : vector<16xf32>
      %reduce_sum3A_813 = arith.constant true
      %reduce_sum3A_814 = vector.broadcast %reduce_sum3A_813 : i1 to vector<16xi1>
      %reduce_sum3A_815 = tpu.scan <sum>, %add3A_812 masked %reduce_sum3A_814 : vector<16xf32>, vector<16xi1> -> vector<16xf32>
      %reduce_sum3A_816 = vector.extract %reduce_sum3A_815[15] : f32 from vector<16xf32>
      %eq3A_817 = arith.constant 10 : i32
      %eq3A_818 = vector.broadcast %eq3A_817 : i32 to vector<16xi32>
      %eq3A_819 = arith.cmpi eq, %iota3A, %eq3A_818 : vector<16xi32>
      %broadcast_in_dim3A_820 = vector.broadcast %reduce_sum3A_816 : f32 to vector<16xf32>
      %select_n3A_821 = arith.select %eq3A_819, %broadcast_in_dim3A_820, %select_n3A_759 : vector<16xi1>, vector<16xf32>
      %add3A_822 = arith.constant 8 : i32
      %add3A_823 = arith.addi %add3A_770, %add3A_822 : i32
      %lt3A_824 = arith.constant 512 : i32
      %lt3A_825 = arith.cmpi slt, %add3A_823, %lt3A_824 : i32
      %convert_element_type3A_826 = arith.extui %lt3A_825 : i1 to i32
      %cond3A_827 = arith.constant 0 : i32
      %cond3A_828 = arith.cmpi ne, %convert_element_type3A_826, %cond3A_827 : i32
      scf.if %cond3A_828 {
        %slice3A_1143 = vector.extract_strided_slice %get3A_153 {offsets = [10], sizes = [1], strides = [1]} : vector<16xi32> to vector<1xi32>
        %squeeze3A_1144 = vector.extract %slice3A_1143[0] : i32 from vector<1xi32>
        %multiple_of3A_1145 = tpu.assume_multiple %squeeze3A_1144, 128 : i32
        %dma_start3A_1146 = arith.constant 0 : i32
        %dma_start3A_1147 = tpu.memref_slice %arg5[%dma_start3A_1146, %multiple_of3A_1145] : memref<32x100000xf32, #tpu.memory_space<hbm>> -> memref<32x128xf32, #tpu.memory_space<hbm>>
        %dma_start3A_1148 = arith.constant 0 : i32
        %dma_start3A_1149 = tpu.memref_slice %arg5[%dma_start3A_1148, %multiple_of3A_1145] : memref<32x100000xf32, #tpu.memory_space<hbm>> -> memref<32x128xf32, #tpu.memory_space<hbm>>
        tpu.enqueue_dma source(%dma_start3A_1149 : memref<32x128xf32, #tpu.memory_space<hbm>>) target(%arg21 : memref<32x128xf32, #tpu.memory_space<vmem>>) target_semaphore(%arg29 : memref<!tpu.dma_semaphore, #tpu.memory_space<semaphore_mem>>)
      } else {
      }
      %mul3A_829 = arith.constant 16 : i32
      %mul3A_830 = arith.muli %scan3A_143, %mul3A_829 : i32
      %add3A_831 = arith.constant 11 : i32
      %add3A_832 = arith.addi %mul3A_830, %add3A_831 : i32
      %slice3A_833 = vector.extract_strided_slice %get3A_147 {offsets = [11], sizes = [1], strides = [1]} : vector<16xi32> to vector<1xi32>
      %squeeze3A_834 = vector.extract %slice3A_833[0] : i32 from vector<1xi32>
      %dma_wait3A_835 = arith.constant 0 : i32
      %dma_wait3A_836 = arith.constant 0 : i32
      %dma_wait3A_837 = tpu.memref_slice %arg5[%dma_wait3A_835, %dma_wait3A_836] : memref<32x100000xf32, #tpu.memory_space<hbm>> -> memref<32x128xf32, #tpu.memory_space<hbm>>
      %dma_wait3A_838 = arith.constant 0 : i32
      %dma_wait3A_839 = arith.constant 0 : i32
      %dma_wait3A_840 = tpu.memref_slice %arg5[%dma_wait3A_838, %dma_wait3A_839] : memref<32x100000xf32, #tpu.memory_space<hbm>> -> memref<32x128xf32, #tpu.memory_space<hbm>>
      tpu.wait_dma2 semaphore(%arg30 : memref<!tpu.dma_semaphore, #tpu.memory_space<semaphore_mem>>) src(%dma_wait3A_840 : memref<32x128xf32, #tpu.memory_space<hbm>>) dst(%arg22 : memref<32x128xf32, #tpu.memory_space<vmem>>)
      %ge3A_841 = arith.constant 99968 : i32
      %ge3A_842 = arith.cmpi sge, %squeeze3A_834, %ge3A_841 : i32
      %sub3A_843 = arith.constant 99968 : i32
      %sub3A_844 = arith.subi %squeeze3A_834, %sub3A_843 : i32
      %and3A_845 = arith.constant 127 : i32
      %and3A_846 = arith.andi %squeeze3A_834, %and3A_845 : i32
      %select_n3A_847 = arith.select %ge3A_842, %sub3A_844, %and3A_846 : i32
      %broadcast_in_dim3A_848 = vector.broadcast %select_n3A_847 : i32 to vector<16xi32>
      %gather3A_849 = tpu.vector_load_idx %arg22[%iota3A, %broadcast_in_dim3A_848] : memref<32x128xf32, #tpu.memory_space<vmem>>[vector<16xi32>, vector<16xi32>], vector<16xf32>,
      %add3A_850 = arith.constant 16 : i32
      %add3A_851 = vector.broadcast %add3A_850 : i32 to vector<16xi32>
      %add3A_852 = arith.addi %iota3A, %add3A_851 : vector<16xi32>
      %gather3A_853 = tpu.vector_load_idx %arg22[%add3A_852, %broadcast_in_dim3A_848] : memref<32x128xf32, #tpu.memory_space<vmem>>[vector<16xi32>, vector<16xi32>], vector<16xf32>,
      %gather3A_854 = tpu.vector_load_idx %arg15[%iota3A, %broadcast_in_dim3A_848] : memref<32x128xf32, #tpu.memory_space<vmem>>[vector<16xi32>, vector<16xi32>], vector<16xf32>,
      %add3A_855 = arith.constant 16 : i32
      %add3A_856 = vector.broadcast %add3A_855 : i32 to vector<16xi32>
      %add3A_857 = arith.addi %iota3A, %add3A_856 : vector<16xi32>
      %gather3A_858 = tpu.vector_load_idx %arg15[%add3A_857, %broadcast_in_dim3A_848] : memref<32x128xf32, #tpu.memory_space<vmem>>[vector<16xi32>, vector<16xi32>], vector<16xf32>,
      %ge3A_859 = arith.constant 99968 : i32
      %ge3A_860 = arith.cmpi sge, %squeeze3A_834, %ge3A_859 : i32
      %select_n3A_861 = arith.select %ge3A_860, %gather3A_854, %gather3A_849 : vector<16xf32>
      %select_n3A_862 = arith.select %ge3A_860, %gather3A_858, %gather3A_853 : vector<16xf32>
      %broadcast_in_dim3A_863 = vector.broadcast %add3A_832 : i32 to vector<16xi32>
      tpu.vector_store_idx %arg17[%iota3A, %broadcast_in_dim3A_863], %select_n3A_861 : memref<32x512xf32, #tpu.memory_space<vmem>>[vector<16xi32>, vector<16xi32>], vector<16xf32>,
      %add3A_864 = arith.constant 16 : i32
      %add3A_865 = vector.broadcast %add3A_864 : i32 to vector<16xi32>
      %add3A_866 = arith.addi %iota3A, %add3A_865 : vector<16xi32>
      tpu.vector_store_idx %arg17[%add3A_866, %broadcast_in_dim3A_863], %select_n3A_862 : memref<32x512xf32, #tpu.memory_space<vmem>>[vector<16xi32>, vector<16xi32>], vector<16xf32>,
      %gather3A_867 = tpu.vector_load_idx %arg16[%iota3A, %broadcast_in_dim3A_863] : memref<32x512xf32, #tpu.memory_space<vmem>>[vector<16xi32>, vector<16xi32>], vector<16xf32>,
      %add3A_868 = arith.constant 16 : i32
      %add3A_869 = vector.broadcast %add3A_868 : i32 to vector<16xi32>
      %add3A_870 = arith.addi %iota3A, %add3A_869 : vector<16xi32>
      %gather3A_871 = tpu.vector_load_idx %arg16[%add3A_870, %broadcast_in_dim3A_863] : memref<32x512xf32, #tpu.memory_space<vmem>>[vector<16xi32>, vector<16xi32>], vector<16xf32>,
      %mul3A_872 = arith.mulf %gather3A_867, %select_n3A_861 : vector<16xf32>
      %mul3A_873 = arith.mulf %gather3A_871, %select_n3A_862 : vector<16xf32>
      %add3A_874 = arith.addf %mul3A_872, %mul3A_873 : vector<16xf32>
      %reduce_sum3A_875 = arith.constant true
      %reduce_sum3A_876 = vector.broadcast %reduce_sum3A_875 : i1 to vector<16xi1>
      %reduce_sum3A_877 = tpu.scan <sum>, %add3A_874 masked %reduce_sum3A_876 : vector<16xf32>, vector<16xi1> -> vector<16xf32>
      %reduce_sum3A_878 = vector.extract %reduce_sum3A_877[15] : f32 from vector<16xf32>
      %eq3A_879 = arith.constant 11 : i32
      %eq3A_880 = vector.broadcast %eq3A_879 : i32 to vector<16xi32>
      %eq3A_881 = arith.cmpi eq, %iota3A, %eq3A_880 : vector<16xi32>
      %broadcast_in_dim3A_882 = vector.broadcast %reduce_sum3A_878 : f32 to vector<16xf32>
      %select_n3A_883 = arith.select %eq3A_881, %broadcast_in_dim3A_882, %select_n3A_821 : vector<16xi1>, vector<16xf32>
      %add3A_884 = arith.constant 8 : i32
      %add3A_885 = arith.addi %add3A_832, %add3A_884 : i32
      %lt3A_886 = arith.constant 512 : i32
      %lt3A_887 = arith.cmpi slt, %add3A_885, %lt3A_886 : i32
      %convert_element_type3A_888 = arith.extui %lt3A_887 : i1 to i32
      %cond3A_889 = arith.constant 0 : i32
      %cond3A_890 = arith.cmpi ne, %convert_element_type3A_888, %cond3A_889 : i32
      scf.if %cond3A_890 {
        %slice3A_1143 = vector.extract_strided_slice %get3A_153 {offsets = [11], sizes = [1], strides = [1]} : vector<16xi32> to vector<1xi32>
        %squeeze3A_1144 = vector.extract %slice3A_1143[0] : i32 from vector<1xi32>
        %multiple_of3A_1145 = tpu.assume_multiple %squeeze3A_1144, 128 : i32
        %dma_start3A_1146 = arith.constant 0 : i32
        %dma_start3A_1147 = tpu.memref_slice %arg5[%dma_start3A_1146, %multiple_of3A_1145] : memref<32x100000xf32, #tpu.memory_space<hbm>> -> memref<32x128xf32, #tpu.memory_space<hbm>>
        %dma_start3A_1148 = arith.constant 0 : i32
        %dma_start3A_1149 = tpu.memref_slice %arg5[%dma_start3A_1148, %multiple_of3A_1145] : memref<32x100000xf32, #tpu.memory_space<hbm>> -> memref<32x128xf32, #tpu.memory_space<hbm>>
        tpu.enqueue_dma source(%dma_start3A_1149 : memref<32x128xf32, #tpu.memory_space<hbm>>) target(%arg22 : memref<32x128xf32, #tpu.memory_space<vmem>>) target_semaphore(%arg30 : memref<!tpu.dma_semaphore, #tpu.memory_space<semaphore_mem>>)
      } else {
      }
      %mul3A_891 = arith.constant 16 : i32
      %mul3A_892 = arith.muli %scan3A_143, %mul3A_891 : i32
      %add3A_893 = arith.constant 12 : i32
      %add3A_894 = arith.addi %mul3A_892, %add3A_893 : i32
      %slice3A_895 = vector.extract_strided_slice %get3A_147 {offsets = [12], sizes = [1], strides = [1]} : vector<16xi32> to vector<1xi32>
      %squeeze3A_896 = vector.extract %slice3A_895[0] : i32 from vector<1xi32>
      %dma_wait3A_897 = arith.constant 0 : i32
      %dma_wait3A_898 = arith.constant 0 : i32
      %dma_wait3A_899 = tpu.memref_slice %arg5[%dma_wait3A_897, %dma_wait3A_898] : memref<32x100000xf32, #tpu.memory_space<hbm>> -> memref<32x128xf32, #tpu.memory_space<hbm>>
      %dma_wait3A_900 = arith.constant 0 : i32
      %dma_wait3A_901 = arith.constant 0 : i32
      %dma_wait3A_902 = tpu.memref_slice %arg5[%dma_wait3A_900, %dma_wait3A_901] : memref<32x100000xf32, #tpu.memory_space<hbm>> -> memref<32x128xf32, #tpu.memory_space<hbm>>
      tpu.wait_dma2 semaphore(%arg31 : memref<!tpu.dma_semaphore, #tpu.memory_space<semaphore_mem>>) src(%dma_wait3A_902 : memref<32x128xf32, #tpu.memory_space<hbm>>) dst(%arg23 : memref<32x128xf32, #tpu.memory_space<vmem>>)
      %ge3A_903 = arith.constant 99968 : i32
      %ge3A_904 = arith.cmpi sge, %squeeze3A_896, %ge3A_903 : i32
      %sub3A_905 = arith.constant 99968 : i32
      %sub3A_906 = arith.subi %squeeze3A_896, %sub3A_905 : i32
      %and3A_907 = arith.constant 127 : i32
      %and3A_908 = arith.andi %squeeze3A_896, %and3A_907 : i32
      %select_n3A_909 = arith.select %ge3A_904, %sub3A_906, %and3A_908 : i32
      %broadcast_in_dim3A_910 = vector.broadcast %select_n3A_909 : i32 to vector<16xi32>
      %gather3A_911 = tpu.vector_load_idx %arg23[%iota3A, %broadcast_in_dim3A_910] : memref<32x128xf32, #tpu.memory_space<vmem>>[vector<16xi32>, vector<16xi32>], vector<16xf32>,
      %add3A_912 = arith.constant 16 : i32
      %add3A_913 = vector.broadcast %add3A_912 : i32 to vector<16xi32>
      %add3A_914 = arith.addi %iota3A, %add3A_913 : vector<16xi32>
      %gather3A_915 = tpu.vector_load_idx %arg23[%add3A_914, %broadcast_in_dim3A_910] : memref<32x128xf32, #tpu.memory_space<vmem>>[vector<16xi32>, vector<16xi32>], vector<16xf32>,
      %gather3A_916 = tpu.vector_load_idx %arg15[%iota3A, %broadcast_in_dim3A_910] : memref<32x128xf32, #tpu.memory_space<vmem>>[vector<16xi32>, vector<16xi32>], vector<16xf32>,
      %add3A_917 = arith.constant 16 : i32
      %add3A_918 = vector.broadcast %add3A_917 : i32 to vector<16xi32>
      %add3A_919 = arith.addi %iota3A, %add3A_918 : vector<16xi32>
      %gather3A_920 = tpu.vector_load_idx %arg15[%add3A_919, %broadcast_in_dim3A_910] : memref<32x128xf32, #tpu.memory_space<vmem>>[vector<16xi32>, vector<16xi32>], vector<16xf32>,
      %ge3A_921 = arith.constant 99968 : i32
      %ge3A_922 = arith.cmpi sge, %squeeze3A_896, %ge3A_921 : i32
      %select_n3A_923 = arith.select %ge3A_922, %gather3A_916, %gather3A_911 : vector<16xf32>
      %select_n3A_924 = arith.select %ge3A_922, %gather3A_920, %gather3A_915 : vector<16xf32>
      %broadcast_in_dim3A_925 = vector.broadcast %add3A_894 : i32 to vector<16xi32>
      tpu.vector_store_idx %arg17[%iota3A, %broadcast_in_dim3A_925], %select_n3A_923 : memref<32x512xf32, #tpu.memory_space<vmem>>[vector<16xi32>, vector<16xi32>], vector<16xf32>,
      %add3A_926 = arith.constant 16 : i32
      %add3A_927 = vector.broadcast %add3A_926 : i32 to vector<16xi32>
      %add3A_928 = arith.addi %iota3A, %add3A_927 : vector<16xi32>
      tpu.vector_store_idx %arg17[%add3A_928, %broadcast_in_dim3A_925], %select_n3A_924 : memref<32x512xf32, #tpu.memory_space<vmem>>[vector<16xi32>, vector<16xi32>], vector<16xf32>,
      %gather3A_929 = tpu.vector_load_idx %arg16[%iota3A, %broadcast_in_dim3A_925] : memref<32x512xf32, #tpu.memory_space<vmem>>[vector<16xi32>, vector<16xi32>], vector<16xf32>,
      %add3A_930 = arith.constant 16 : i32
      %add3A_931 = vector.broadcast %add3A_930 : i32 to vector<16xi32>
      %add3A_932 = arith.addi %iota3A, %add3A_931 : vector<16xi32>
      %gather3A_933 = tpu.vector_load_idx %arg16[%add3A_932, %broadcast_in_dim3A_925] : memref<32x512xf32, #tpu.memory_space<vmem>>[vector<16xi32>, vector<16xi32>], vector<16xf32>,
      %mul3A_934 = arith.mulf %gather3A_929, %select_n3A_923 : vector<16xf32>
      %mul3A_935 = arith.mulf %gather3A_933, %select_n3A_924 : vector<16xf32>
      %add3A_936 = arith.addf %mul3A_934, %mul3A_935 : vector<16xf32>
      %reduce_sum3A_937 = arith.constant true
      %reduce_sum3A_938 = vector.broadcast %reduce_sum3A_937 : i1 to vector<16xi1>
      %reduce_sum3A_939 = tpu.scan <sum>, %add3A_936 masked %reduce_sum3A_938 : vector<16xf32>, vector<16xi1> -> vector<16xf32>
      %reduce_sum3A_940 = vector.extract %reduce_sum3A_939[15] : f32 from vector<16xf32>
      %eq3A_941 = arith.constant 12 : i32
      %eq3A_942 = vector.broadcast %eq3A_941 : i32 to vector<16xi32>
      %eq3A_943 = arith.cmpi eq, %iota3A, %eq3A_942 : vector<16xi32>
      %broadcast_in_dim3A_944 = vector.broadcast %reduce_sum3A_940 : f32 to vector<16xf32>
      %select_n3A_945 = arith.select %eq3A_943, %broadcast_in_dim3A_944, %select_n3A_883 : vector<16xi1>, vector<16xf32>
      %add3A_946 = arith.constant 8 : i32
      %add3A_947 = arith.addi %add3A_894, %add3A_946 : i32
      %lt3A_948 = arith.constant 512 : i32
      %lt3A_949 = arith.cmpi slt, %add3A_947, %lt3A_948 : i32
      %convert_element_type3A_950 = arith.extui %lt3A_949 : i1 to i32
      %cond3A_951 = arith.constant 0 : i32
      %cond3A_952 = arith.cmpi ne, %convert_element_type3A_950, %cond3A_951 : i32
      scf.if %cond3A_952 {
        %slice3A_1143 = vector.extract_strided_slice %get3A_153 {offsets = [12], sizes = [1], strides = [1]} : vector<16xi32> to vector<1xi32>
        %squeeze3A_1144 = vector.extract %slice3A_1143[0] : i32 from vector<1xi32>
        %multiple_of3A_1145 = tpu.assume_multiple %squeeze3A_1144, 128 : i32
        %dma_start3A_1146 = arith.constant 0 : i32
        %dma_start3A_1147 = tpu.memref_slice %arg5[%dma_start3A_1146, %multiple_of3A_1145] : memref<32x100000xf32, #tpu.memory_space<hbm>> -> memref<32x128xf32, #tpu.memory_space<hbm>>
        %dma_start3A_1148 = arith.constant 0 : i32
        %dma_start3A_1149 = tpu.memref_slice %arg5[%dma_start3A_1148, %multiple_of3A_1145] : memref<32x100000xf32, #tpu.memory_space<hbm>> -> memref<32x128xf32, #tpu.memory_space<hbm>>
        tpu.enqueue_dma source(%dma_start3A_1149 : memref<32x128xf32, #tpu.memory_space<hbm>>) target(%arg23 : memref<32x128xf32, #tpu.memory_space<vmem>>) target_semaphore(%arg31 : memref<!tpu.dma_semaphore, #tpu.memory_space<semaphore_mem>>)
      } else {
      }
      %mul3A_953 = arith.constant 16 : i32
      %mul3A_954 = arith.muli %scan3A_143, %mul3A_953 : i32
      %add3A_955 = arith.constant 13 : i32
      %add3A_956 = arith.addi %mul3A_954, %add3A_955 : i32
      %slice3A_957 = vector.extract_strided_slice %get3A_147 {offsets = [13], sizes = [1], strides = [1]} : vector<16xi32> to vector<1xi32>
      %squeeze3A_958 = vector.extract %slice3A_957[0] : i32 from vector<1xi32>
      %dma_wait3A_959 = arith.constant 0 : i32
      %dma_wait3A_960 = arith.constant 0 : i32
      %dma_wait3A_961 = tpu.memref_slice %arg5[%dma_wait3A_959, %dma_wait3A_960] : memref<32x100000xf32, #tpu.memory_space<hbm>> -> memref<32x128xf32, #tpu.memory_space<hbm>>
      %dma_wait3A_962 = arith.constant 0 : i32
      %dma_wait3A_963 = arith.constant 0 : i32
      %dma_wait3A_964 = tpu.memref_slice %arg5[%dma_wait3A_962, %dma_wait3A_963] : memref<32x100000xf32, #tpu.memory_space<hbm>> -> memref<32x128xf32, #tpu.memory_space<hbm>>
      tpu.wait_dma2 semaphore(%arg32 : memref<!tpu.dma_semaphore, #tpu.memory_space<semaphore_mem>>) src(%dma_wait3A_964 : memref<32x128xf32, #tpu.memory_space<hbm>>) dst(%arg24 : memref<32x128xf32, #tpu.memory_space<vmem>>)
      %ge3A_965 = arith.constant 99968 : i32
      %ge3A_966 = arith.cmpi sge, %squeeze3A_958, %ge3A_965 : i32
      %sub3A_967 = arith.constant 99968 : i32
      %sub3A_968 = arith.subi %squeeze3A_958, %sub3A_967 : i32
      %and3A_969 = arith.constant 127 : i32
      %and3A_970 = arith.andi %squeeze3A_958, %and3A_969 : i32
      %select_n3A_971 = arith.select %ge3A_966, %sub3A_968, %and3A_970 : i32
      %broadcast_in_dim3A_972 = vector.broadcast %select_n3A_971 : i32 to vector<16xi32>
      %gather3A_973 = tpu.vector_load_idx %arg24[%iota3A, %broadcast_in_dim3A_972] : memref<32x128xf32, #tpu.memory_space<vmem>>[vector<16xi32>, vector<16xi32>], vector<16xf32>,
      %add3A_974 = arith.constant 16 : i32
      %add3A_975 = vector.broadcast %add3A_974 : i32 to vector<16xi32>
      %add3A_976 = arith.addi %iota3A, %add3A_975 : vector<16xi32>
      %gather3A_977 = tpu.vector_load_idx %arg24[%add3A_976, %broadcast_in_dim3A_972] : memref<32x128xf32, #tpu.memory_space<vmem>>[vector<16xi32>, vector<16xi32>], vector<16xf32>,
      %gather3A_978 = tpu.vector_load_idx %arg15[%iota3A, %broadcast_in_dim3A_972] : memref<32x128xf32, #tpu.memory_space<vmem>>[vector<16xi32>, vector<16xi32>], vector<16xf32>,
      %add3A_979 = arith.constant 16 : i32
      %add3A_980 = vector.broadcast %add3A_979 : i32 to vector<16xi32>
      %add3A_981 = arith.addi %iota3A, %add3A_980 : vector<16xi32>
      %gather3A_982 = tpu.vector_load_idx %arg15[%add3A_981, %broadcast_in_dim3A_972] : memref<32x128xf32, #tpu.memory_space<vmem>>[vector<16xi32>, vector<16xi32>], vector<16xf32>,
      %ge3A_983 = arith.constant 99968 : i32
      %ge3A_984 = arith.cmpi sge, %squeeze3A_958, %ge3A_983 : i32
      %select_n3A_985 = arith.select %ge3A_984, %gather3A_978, %gather3A_973 : vector<16xf32>
      %select_n3A_986 = arith.select %ge3A_984, %gather3A_982, %gather3A_977 : vector<16xf32>
      %broadcast_in_dim3A_987 = vector.broadcast %add3A_956 : i32 to vector<16xi32>
      tpu.vector_store_idx %arg17[%iota3A, %broadcast_in_dim3A_987], %select_n3A_985 : memref<32x512xf32, #tpu.memory_space<vmem>>[vector<16xi32>, vector<16xi32>], vector<16xf32>,
      %add3A_988 = arith.constant 16 : i32
      %add3A_989 = vector.broadcast %add3A_988 : i32 to vector<16xi32>
      %add3A_990 = arith.addi %iota3A, %add3A_989 : vector<16xi32>
      tpu.vector_store_idx %arg17[%add3A_990, %broadcast_in_dim3A_987], %select_n3A_986 : memref<32x512xf32, #tpu.memory_space<vmem>>[vector<16xi32>, vector<16xi32>], vector<16xf32>,
      %gather3A_991 = tpu.vector_load_idx %arg16[%iota3A, %broadcast_in_dim3A_987] : memref<32x512xf32, #tpu.memory_space<vmem>>[vector<16xi32>, vector<16xi32>], vector<16xf32>,
      %add3A_992 = arith.constant 16 : i32
      %add3A_993 = vector.broadcast %add3A_992 : i32 to vector<16xi32>
      %add3A_994 = arith.addi %iota3A, %add3A_993 : vector<16xi32>
      %gather3A_995 = tpu.vector_load_idx %arg16[%add3A_994, %broadcast_in_dim3A_987] : memref<32x512xf32, #tpu.memory_space<vmem>>[vector<16xi32>, vector<16xi32>], vector<16xf32>,
      %mul3A_996 = arith.mulf %gather3A_991, %select_n3A_985 : vector<16xf32>
      %mul3A_997 = arith.mulf %gather3A_995, %select_n3A_986 : vector<16xf32>
      %add3A_998 = arith.addf %mul3A_996, %mul3A_997 : vector<16xf32>
      %reduce_sum3A_999 = arith.constant true
      %reduce_sum3A_1000 = vector.broadcast %reduce_sum3A_999 : i1 to vector<16xi1>
      %reduce_sum3A_1001 = tpu.scan <sum>, %add3A_998 masked %reduce_sum3A_1000 : vector<16xf32>, vector<16xi1> -> vector<16xf32>
      %reduce_sum3A_1002 = vector.extract %reduce_sum3A_1001[15] : f32 from vector<16xf32>
      %eq3A_1003 = arith.constant 13 : i32
      %eq3A_1004 = vector.broadcast %eq3A_1003 : i32 to vector<16xi32>
      %eq3A_1005 = arith.cmpi eq, %iota3A, %eq3A_1004 : vector<16xi32>
      %broadcast_in_dim3A_1006 = vector.broadcast %reduce_sum3A_1002 : f32 to vector<16xf32>
      %select_n3A_1007 = arith.select %eq3A_1005, %broadcast_in_dim3A_1006, %select_n3A_945 : vector<16xi1>, vector<16xf32>
      %add3A_1008 = arith.constant 8 : i32
      %add3A_1009 = arith.addi %add3A_956, %add3A_1008 : i32
      %lt3A_1010 = arith.constant 512 : i32
      %lt3A_1011 = arith.cmpi slt, %add3A_1009, %lt3A_1010 : i32
      %convert_element_type3A_1012 = arith.extui %lt3A_1011 : i1 to i32
      %cond3A_1013 = arith.constant 0 : i32
      %cond3A_1014 = arith.cmpi ne, %convert_element_type3A_1012, %cond3A_1013 : i32
      scf.if %cond3A_1014 {
        %slice3A_1143 = vector.extract_strided_slice %get3A_153 {offsets = [13], sizes = [1], strides = [1]} : vector<16xi32> to vector<1xi32>
        %squeeze3A_1144 = vector.extract %slice3A_1143[0] : i32 from vector<1xi32>
        %multiple_of3A_1145 = tpu.assume_multiple %squeeze3A_1144, 128 : i32
        %dma_start3A_1146 = arith.constant 0 : i32
        %dma_start3A_1147 = tpu.memref_slice %arg5[%dma_start3A_1146, %multiple_of3A_1145] : memref<32x100000xf32, #tpu.memory_space<hbm>> -> memref<32x128xf32, #tpu.memory_space<hbm>>
        %dma_start3A_1148 = arith.constant 0 : i32
        %dma_start3A_1149 = tpu.memref_slice %arg5[%dma_start3A_1148, %multiple_of3A_1145] : memref<32x100000xf32, #tpu.memory_space<hbm>> -> memref<32x128xf32, #tpu.memory_space<hbm>>
        tpu.enqueue_dma source(%dma_start3A_1149 : memref<32x128xf32, #tpu.memory_space<hbm>>) target(%arg24 : memref<32x128xf32, #tpu.memory_space<vmem>>) target_semaphore(%arg32 : memref<!tpu.dma_semaphore, #tpu.memory_space<semaphore_mem>>)
      } else {
      }
      %mul3A_1015 = arith.constant 16 : i32
      %mul3A_1016 = arith.muli %scan3A_143, %mul3A_1015 : i32
      %add3A_1017 = arith.constant 14 : i32
      %add3A_1018 = arith.addi %mul3A_1016, %add3A_1017 : i32
      %slice3A_1019 = vector.extract_strided_slice %get3A_147 {offsets = [14], sizes = [1], strides = [1]} : vector<16xi32> to vector<1xi32>
      %squeeze3A_1020 = vector.extract %slice3A_1019[0] : i32 from vector<1xi32>
      %dma_wait3A_1021 = arith.constant 0 : i32
      %dma_wait3A_1022 = arith.constant 0 : i32
      %dma_wait3A_1023 = tpu.memref_slice %arg5[%dma_wait3A_1021, %dma_wait3A_1022] : memref<32x100000xf32, #tpu.memory_space<hbm>> -> memref<32x128xf32, #tpu.memory_space<hbm>>
      %dma_wait3A_1024 = arith.constant 0 : i32
      %dma_wait3A_1025 = arith.constant 0 : i32
      %dma_wait3A_1026 = tpu.memref_slice %arg5[%dma_wait3A_1024, %dma_wait3A_1025] : memref<32x100000xf32, #tpu.memory_space<hbm>> -> memref<32x128xf32, #tpu.memory_space<hbm>>
      tpu.wait_dma2 semaphore(%arg33 : memref<!tpu.dma_semaphore, #tpu.memory_space<semaphore_mem>>) src(%dma_wait3A_1026 : memref<32x128xf32, #tpu.memory_space<hbm>>) dst(%arg25 : memref<32x128xf32, #tpu.memory_space<vmem>>)
      %ge3A_1027 = arith.constant 99968 : i32
      %ge3A_1028 = arith.cmpi sge, %squeeze3A_1020, %ge3A_1027 : i32
      %sub3A_1029 = arith.constant 99968 : i32
      %sub3A_1030 = arith.subi %squeeze3A_1020, %sub3A_1029 : i32
      %and3A_1031 = arith.constant 127 : i32
      %and3A_1032 = arith.andi %squeeze3A_1020, %and3A_1031 : i32
      %select_n3A_1033 = arith.select %ge3A_1028, %sub3A_1030, %and3A_1032 : i32
      %broadcast_in_dim3A_1034 = vector.broadcast %select_n3A_1033 : i32 to vector<16xi32>
      %gather3A_1035 = tpu.vector_load_idx %arg25[%iota3A, %broadcast_in_dim3A_1034] : memref<32x128xf32, #tpu.memory_space<vmem>>[vector<16xi32>, vector<16xi32>], vector<16xf32>,
      %add3A_1036 = arith.constant 16 : i32
      %add3A_1037 = vector.broadcast %add3A_1036 : i32 to vector<16xi32>
      %add3A_1038 = arith.addi %iota3A, %add3A_1037 : vector<16xi32>
      %gather3A_1039 = tpu.vector_load_idx %arg25[%add3A_1038, %broadcast_in_dim3A_1034] : memref<32x128xf32, #tpu.memory_space<vmem>>[vector<16xi32>, vector<16xi32>], vector<16xf32>,
      %gather3A_1040 = tpu.vector_load_idx %arg15[%iota3A, %broadcast_in_dim3A_1034] : memref<32x128xf32, #tpu.memory_space<vmem>>[vector<16xi32>, vector<16xi32>], vector<16xf32>,
      %add3A_1041 = arith.constant 16 : i32
      %add3A_1042 = vector.broadcast %add3A_1041 : i32 to vector<16xi32>
      %add3A_1043 = arith.addi %iota3A, %add3A_1042 : vector<16xi32>
      %gather3A_1044 = tpu.vector_load_idx %arg15[%add3A_1043, %broadcast_in_dim3A_1034] : memref<32x128xf32, #tpu.memory_space<vmem>>[vector<16xi32>, vector<16xi32>], vector<16xf32>,
      %ge3A_1045 = arith.constant 99968 : i32
      %ge3A_1046 = arith.cmpi sge, %squeeze3A_1020, %ge3A_1045 : i32
      %select_n3A_1047 = arith.select %ge3A_1046, %gather3A_1040, %gather3A_1035 : vector<16xf32>
      %select_n3A_1048 = arith.select %ge3A_1046, %gather3A_1044, %gather3A_1039 : vector<16xf32>
      %broadcast_in_dim3A_1049 = vector.broadcast %add3A_1018 : i32 to vector<16xi32>
      tpu.vector_store_idx %arg17[%iota3A, %broadcast_in_dim3A_1049], %select_n3A_1047 : memref<32x512xf32, #tpu.memory_space<vmem>>[vector<16xi32>, vector<16xi32>], vector<16xf32>,
      %add3A_1050 = arith.constant 16 : i32
      %add3A_1051 = vector.broadcast %add3A_1050 : i32 to vector<16xi32>
      %add3A_1052 = arith.addi %iota3A, %add3A_1051 : vector<16xi32>
      tpu.vector_store_idx %arg17[%add3A_1052, %broadcast_in_dim3A_1049], %select_n3A_1048 : memref<32x512xf32, #tpu.memory_space<vmem>>[vector<16xi32>, vector<16xi32>], vector<16xf32>,
      %gather3A_1053 = tpu.vector_load_idx %arg16[%iota3A, %broadcast_in_dim3A_1049] : memref<32x512xf32, #tpu.memory_space<vmem>>[vector<16xi32>, vector<16xi32>], vector<16xf32>,
      %add3A_1054 = arith.constant 16 : i32
      %add3A_1055 = vector.broadcast %add3A_1054 : i32 to vector<16xi32>
      %add3A_1056 = arith.addi %iota3A, %add3A_1055 : vector<16xi32>
      %gather3A_1057 = tpu.vector_load_idx %arg16[%add3A_1056, %broadcast_in_dim3A_1049] : memref<32x512xf32, #tpu.memory_space<vmem>>[vector<16xi32>, vector<16xi32>], vector<16xf32>,
      %mul3A_1058 = arith.mulf %gather3A_1053, %select_n3A_1047 : vector<16xf32>
      %mul3A_1059 = arith.mulf %gather3A_1057, %select_n3A_1048 : vector<16xf32>
      %add3A_1060 = arith.addf %mul3A_1058, %mul3A_1059 : vector<16xf32>
      %reduce_sum3A_1061 = arith.constant true
      %reduce_sum3A_1062 = vector.broadcast %reduce_sum3A_1061 : i1 to vector<16xi1>
      %reduce_sum3A_1063 = tpu.scan <sum>, %add3A_1060 masked %reduce_sum3A_1062 : vector<16xf32>, vector<16xi1> -> vector<16xf32>
      %reduce_sum3A_1064 = vector.extract %reduce_sum3A_1063[15] : f32 from vector<16xf32>
      %eq3A_1065 = arith.constant 14 : i32
      %eq3A_1066 = vector.broadcast %eq3A_1065 : i32 to vector<16xi32>
      %eq3A_1067 = arith.cmpi eq, %iota3A, %eq3A_1066 : vector<16xi32>
      %broadcast_in_dim3A_1068 = vector.broadcast %reduce_sum3A_1064 : f32 to vector<16xf32>
      %select_n3A_1069 = arith.select %eq3A_1067, %broadcast_in_dim3A_1068, %select_n3A_1007 : vector<16xi1>, vector<16xf32>
      %add3A_1070 = arith.constant 8 : i32
      %add3A_1071 = arith.addi %add3A_1018, %add3A_1070 : i32
      %lt3A_1072 = arith.constant 512 : i32
      %lt3A_1073 = arith.cmpi slt, %add3A_1071, %lt3A_1072 : i32
      %convert_element_type3A_1074 = arith.extui %lt3A_1073 : i1 to i32
      %cond3A_1075 = arith.constant 0 : i32
      %cond3A_1076 = arith.cmpi ne, %convert_element_type3A_1074, %cond3A_1075 : i32
      scf.if %cond3A_1076 {
        %slice3A_1143 = vector.extract_strided_slice %get3A_153 {offsets = [14], sizes = [1], strides = [1]} : vector<16xi32> to vector<1xi32>
        %squeeze3A_1144 = vector.extract %slice3A_1143[0] : i32 from vector<1xi32>
        %multiple_of3A_1145 = tpu.assume_multiple %squeeze3A_1144, 128 : i32
        %dma_start3A_1146 = arith.constant 0 : i32
        %dma_start3A_1147 = tpu.memref_slice %arg5[%dma_start3A_1146, %multiple_of3A_1145] : memref<32x100000xf32, #tpu.memory_space<hbm>> -> memref<32x128xf32, #tpu.memory_space<hbm>>
        %dma_start3A_1148 = arith.constant 0 : i32
        %dma_start3A_1149 = tpu.memref_slice %arg5[%dma_start3A_1148, %multiple_of3A_1145] : memref<32x100000xf32, #tpu.memory_space<hbm>> -> memref<32x128xf32, #tpu.memory_space<hbm>>
        tpu.enqueue_dma source(%dma_start3A_1149 : memref<32x128xf32, #tpu.memory_space<hbm>>) target(%arg25 : memref<32x128xf32, #tpu.memory_space<vmem>>) target_semaphore(%arg33 : memref<!tpu.dma_semaphore, #tpu.memory_space<semaphore_mem>>)
      } else {
      }
      %mul3A_1077 = arith.constant 16 : i32
      %mul3A_1078 = arith.muli %scan3A_143, %mul3A_1077 : i32
      %add3A_1079 = arith.constant 15 : i32
      %add3A_1080 = arith.addi %mul3A_1078, %add3A_1079 : i32
      %slice3A_1081 = vector.extract_strided_slice %get3A_147 {offsets = [15], sizes = [1], strides = [1]} : vector<16xi32> to vector<1xi32>
      %squeeze3A_1082 = vector.extract %slice3A_1081[0] : i32 from vector<1xi32>
      %dma_wait3A_1083 = arith.constant 0 : i32
      %dma_wait3A_1084 = arith.constant 0 : i32
      %dma_wait3A_1085 = tpu.memref_slice %arg5[%dma_wait3A_1083, %dma_wait3A_1084] : memref<32x100000xf32, #tpu.memory_space<hbm>> -> memref<32x128xf32, #tpu.memory_space<hbm>>
      %dma_wait3A_1086 = arith.constant 0 : i32
      %dma_wait3A_1087 = arith.constant 0 : i32
      %dma_wait3A_1088 = tpu.memref_slice %arg5[%dma_wait3A_1086, %dma_wait3A_1087] : memref<32x100000xf32, #tpu.memory_space<hbm>> -> memref<32x128xf32, #tpu.memory_space<hbm>>
      tpu.wait_dma2 semaphore(%arg34 : memref<!tpu.dma_semaphore, #tpu.memory_space<semaphore_mem>>) src(%dma_wait3A_1088 : memref<32x128xf32, #tpu.memory_space<hbm>>) dst(%arg26 : memref<32x128xf32, #tpu.memory_space<vmem>>)
      %ge3A_1089 = arith.constant 99968 : i32
      %ge3A_1090 = arith.cmpi sge, %squeeze3A_1082, %ge3A_1089 : i32
      %sub3A_1091 = arith.constant 99968 : i32
      %sub3A_1092 = arith.subi %squeeze3A_1082, %sub3A_1091 : i32
      %and3A_1093 = arith.constant 127 : i32
      %and3A_1094 = arith.andi %squeeze3A_1082, %and3A_1093 : i32
      %select_n3A_1095 = arith.select %ge3A_1090, %sub3A_1092, %and3A_1094 : i32
      %broadcast_in_dim3A_1096 = vector.broadcast %select_n3A_1095 : i32 to vector<16xi32>
      %gather3A_1097 = tpu.vector_load_idx %arg26[%iota3A, %broadcast_in_dim3A_1096] : memref<32x128xf32, #tpu.memory_space<vmem>>[vector<16xi32>, vector<16xi32>], vector<16xf32>,
      %add3A_1098 = arith.constant 16 : i32
      %add3A_1099 = vector.broadcast %add3A_1098 : i32 to vector<16xi32>
      %add3A_1100 = arith.addi %iota3A, %add3A_1099 : vector<16xi32>
      %gather3A_1101 = tpu.vector_load_idx %arg26[%add3A_1100, %broadcast_in_dim3A_1096] : memref<32x128xf32, #tpu.memory_space<vmem>>[vector<16xi32>, vector<16xi32>], vector<16xf32>,
      %gather3A_1102 = tpu.vector_load_idx %arg15[%iota3A, %broadcast_in_dim3A_1096] : memref<32x128xf32, #tpu.memory_space<vmem>>[vector<16xi32>, vector<16xi32>], vector<16xf32>,
      %add3A_1103 = arith.constant 16 : i32
      %add3A_1104 = vector.broadcast %add3A_1103 : i32 to vector<16xi32>
      %add3A_1105 = arith.addi %iota3A, %add3A_1104 : vector<16xi32>
      %gather3A_1106 = tpu.vector_load_idx %arg15[%add3A_1105, %broadcast_in_dim3A_1096] : memref<32x128xf32, #tpu.memory_space<vmem>>[vector<16xi32>, vector<16xi32>], vector<16xf32>,
      %ge3A_1107 = arith.constant 99968 : i32
      %ge3A_1108 = arith.cmpi sge, %squeeze3A_1082, %ge3A_1107 : i32
      %select_n3A_1109 = arith.select %ge3A_1108, %gather3A_1102, %gather3A_1097 : vector<16xf32>
      %select_n3A_1110 = arith.select %ge3A_1108, %gather3A_1106, %gather3A_1101 : vector<16xf32>
      %broadcast_in_dim3A_1111 = vector.broadcast %add3A_1080 : i32 to vector<16xi32>
      tpu.vector_store_idx %arg17[%iota3A, %broadcast_in_dim3A_1111], %select_n3A_1109 : memref<32x512xf32, #tpu.memory_space<vmem>>[vector<16xi32>, vector<16xi32>], vector<16xf32>,
      %add3A_1112 = arith.constant 16 : i32
      %add3A_1113 = vector.broadcast %add3A_1112 : i32 to vector<16xi32>
      %add3A_1114 = arith.addi %iota3A, %add3A_1113 : vector<16xi32>
      tpu.vector_store_idx %arg17[%add3A_1114, %broadcast_in_dim3A_1111], %select_n3A_1110 : memref<32x512xf32, #tpu.memory_space<vmem>>[vector<16xi32>, vector<16xi32>], vector<16xf32>,
      %gather3A_1115 = tpu.vector_load_idx %arg16[%iota3A, %broadcast_in_dim3A_1111] : memref<32x512xf32, #tpu.memory_space<vmem>>[vector<16xi32>, vector<16xi32>], vector<16xf32>,
      %add3A_1116 = arith.constant 16 : i32
      %add3A_1117 = vector.broadcast %add3A_1116 : i32 to vector<16xi32>
      %add3A_1118 = arith.addi %iota3A, %add3A_1117 : vector<16xi32>
      %gather3A_1119 = tpu.vector_load_idx %arg16[%add3A_1118, %broadcast_in_dim3A_1111] : memref<32x512xf32, #tpu.memory_space<vmem>>[vector<16xi32>, vector<16xi32>], vector<16xf32>,
      %mul3A_1120 = arith.mulf %gather3A_1115, %select_n3A_1109 : vector<16xf32>
      %mul3A_1121 = arith.mulf %gather3A_1119, %select_n3A_1110 : vector<16xf32>
      %add3A_1122 = arith.addf %mul3A_1120, %mul3A_1121 : vector<16xf32>
      %reduce_sum3A_1123 = arith.constant true
      %reduce_sum3A_1124 = vector.broadcast %reduce_sum3A_1123 : i1 to vector<16xi1>
      %reduce_sum3A_1125 = tpu.scan <sum>, %add3A_1122 masked %reduce_sum3A_1124 : vector<16xf32>, vector<16xi1> -> vector<16xf32>
      %reduce_sum3A_1126 = vector.extract %reduce_sum3A_1125[15] : f32 from vector<16xf32>
      %eq3A_1127 = arith.constant 15 : i32
      %eq3A_1128 = vector.broadcast %eq3A_1127 : i32 to vector<16xi32>
      %eq3A_1129 = arith.cmpi eq, %iota3A, %eq3A_1128 : vector<16xi32>
      %broadcast_in_dim3A_1130 = vector.broadcast %reduce_sum3A_1126 : f32 to vector<16xf32>
      %select_n3A_1131 = arith.select %eq3A_1129, %broadcast_in_dim3A_1130, %select_n3A_1069 : vector<16xi1>, vector<16xf32>
      %add3A_1132 = arith.constant 8 : i32
      %add3A_1133 = arith.addi %add3A_1080, %add3A_1132 : i32
      %lt3A_1134 = arith.constant 512 : i32
      %lt3A_1135 = arith.cmpi slt, %add3A_1133, %lt3A_1134 : i32
      %convert_element_type3A_1136 = arith.extui %lt3A_1135 : i1 to i32
      %cond3A_1137 = arith.constant 0 : i32
      %cond3A_1138 = arith.cmpi ne, %convert_element_type3A_1136, %cond3A_1137 : i32
      scf.if %cond3A_1138 {
        %slice3A_1143 = vector.extract_strided_slice %get3A_153 {offsets = [15], sizes = [1], strides = [1]} : vector<16xi32> to vector<1xi32>
        %squeeze3A_1144 = vector.extract %slice3A_1143[0] : i32 from vector<1xi32>
        %multiple_of3A_1145 = tpu.assume_multiple %squeeze3A_1144, 128 : i32
        %dma_start3A_1146 = arith.constant 0 : i32
        %dma_start3A_1147 = tpu.memref_slice %arg5[%dma_start3A_1146, %multiple_of3A_1145] : memref<32x100000xf32, #tpu.memory_space<hbm>> -> memref<32x128xf32, #tpu.memory_space<hbm>>
        %dma_start3A_1148 = arith.constant 0 : i32
        %dma_start3A_1149 = tpu.memref_slice %arg5[%dma_start3A_1148, %multiple_of3A_1145] : memref<32x100000xf32, #tpu.memory_space<hbm>> -> memref<32x128xf32, #tpu.memory_space<hbm>>
        tpu.enqueue_dma source(%dma_start3A_1149 : memref<32x128xf32, #tpu.memory_space<hbm>>) target(%arg26 : memref<32x128xf32, #tpu.memory_space<vmem>>) target_semaphore(%arg34 : memref<!tpu.dma_semaphore, #tpu.memory_space<semaphore_mem>>)
      } else {
      }
      %mul3A_1139 = arith.constant 16 : i32
      %mul3A_1140 = arith.muli %scan3A_143, %mul3A_1139 : i32
      %swap3A_1141 = arith.index_cast %mul3A_1140 : i32 to index
      %swap3A_1142 = tpu.vector_load %arg18[%swap3A_1141] {strides = array<i32>} : memref<512xf32, #tpu.memory_space<vmem>>, vector<16xf32>,
      tpu.vector_store %arg18[%swap3A_1141], %select_n3A_1131 {strides = array<i32>} : memref<512xf32, #tpu.memory_space<vmem>>, vector<16xf32>,
    }
    %scan3A_142 = arith.constant 32 : i32
    "tpu.region"() ({
      %run_scoped3A = tpu.sem_alloc : memref<!tpu.dma_semaphore, #tpu.memory_space<semaphore_mem>>
      %dma_start3A_143 = arith.constant 0 : i32
      %dma_start3A_144 = tpu.memref_slice %arg8[%dma_start3A_143, %mul3A_2] : memref<32x16384xf32, #tpu.memory_space<hbm>> -> memref<32x512xf32, #tpu.memory_space<hbm>>
      %dma_start3A_145 = arith.constant 0 : i32
      %dma_start3A_146 = tpu.memref_slice %arg8[%dma_start3A_145, %mul3A_2] : memref<32x16384xf32, #tpu.memory_space<hbm>> -> memref<32x512xf32, #tpu.memory_space<hbm>>
      tpu.enqueue_dma source(%arg16 : memref<32x512xf32, #tpu.memory_space<vmem>>) target(%dma_start3A_146 : memref<32x512xf32, #tpu.memory_space<hbm>>) target_semaphore(%run_scoped3A : memref<!tpu.dma_semaphore, #tpu.memory_space<semaphore_mem>>)
      %dma_wait3A = arith.constant 0 : i32
      %dma_wait3A_147 = tpu.memref_slice %arg8[%dma_wait3A, %mul3A_2] : memref<32x16384xf32, #tpu.memory_space<hbm>> -> memref<32x512xf32, #tpu.memory_space<hbm>>
      %dma_wait3A_148 = arith.constant 0 : i32
      %dma_wait3A_149 = tpu.memref_slice %arg8[%dma_wait3A_148, %mul3A_2] : memref<32x16384xf32, #tpu.memory_space<hbm>> -> memref<32x512xf32, #tpu.memory_space<hbm>>
      tpu.wait_dma2 semaphore(%run_scoped3A : memref<!tpu.dma_semaphore, #tpu.memory_space<semaphore_mem>>) src(%arg16 : memref<32x512xf32, #tpu.memory_space<vmem>>) dst(%dma_wait3A_149 : memref<32x512xf32, #tpu.memory_space<hbm>>)
      tpu.yield
    }) : () -> ()
    "tpu.region"() ({
      %run_scoped3A = tpu.sem_alloc : memref<!tpu.dma_semaphore, #tpu.memory_space<semaphore_mem>>
      %dma_start3A_143 = arith.constant 0 : i32
      %dma_start3A_144 = tpu.memref_slice %arg9[%dma_start3A_143, %mul3A_2] : memref<32x16384xf32, #tpu.memory_space<hbm>> -> memref<32x512xf32, #tpu.memory_space<hbm>>
      %dma_start3A_145 = arith.constant 0 : i32
      %dma_start3A_146 = tpu.memref_slice %arg9[%dma_start3A_145, %mul3A_2] : memref<32x16384xf32, #tpu.memory_space<hbm>> -> memref<32x512xf32, #tpu.memory_space<hbm>>
      tpu.enqueue_dma source(%arg17 : memref<32x512xf32, #tpu.memory_space<vmem>>) target(%dma_start3A_146 : memref<32x512xf32, #tpu.memory_space<hbm>>) target_semaphore(%run_scoped3A : memref<!tpu.dma_semaphore, #tpu.memory_space<semaphore_mem>>)
      %dma_wait3A = arith.constant 0 : i32
      %dma_wait3A_147 = tpu.memref_slice %arg9[%dma_wait3A, %mul3A_2] : memref<32x16384xf32, #tpu.memory_space<hbm>> -> memref<32x512xf32, #tpu.memory_space<hbm>>
      %dma_wait3A_148 = arith.constant 0 : i32
      %dma_wait3A_149 = tpu.memref_slice %arg9[%dma_wait3A_148, %mul3A_2] : memref<32x16384xf32, #tpu.memory_space<hbm>> -> memref<32x512xf32, #tpu.memory_space<hbm>>
      tpu.wait_dma2 semaphore(%run_scoped3A : memref<!tpu.dma_semaphore, #tpu.memory_space<semaphore_mem>>) src(%arg17 : memref<32x512xf32, #tpu.memory_space<vmem>>) dst(%dma_wait3A_149 : memref<32x512xf32, #tpu.memory_space<hbm>>)
      tpu.yield
    }) : () -> ()
    "tpu.region"() ({
      %run_scoped3A = tpu.sem_alloc : memref<!tpu.dma_semaphore, #tpu.memory_space<semaphore_mem>>
      %dma_start3A_143 = tpu.memref_slice %arg10[%mul3A_2] : memref<16384xf32, #tpu.memory_space<hbm>> -> memref<512xf32, #tpu.memory_space<hbm>>
      %dma_start3A_144 = tpu.memref_slice %arg10[%mul3A_2] : memref<16384xf32, #tpu.memory_space<hbm>> -> memref<512xf32, #tpu.memory_space<hbm>>
      tpu.enqueue_dma source(%arg18 : memref<512xf32, #tpu.memory_space<vmem>>) target(%dma_start3A_144 : memref<512xf32, #tpu.memory_space<hbm>>) target_semaphore(%run_scoped3A : memref<!tpu.dma_semaphore, #tpu.memory_space<semaphore_mem>>)
      %dma_wait3A = tpu.memref_slice %arg10[%mul3A_2] : memref<16384xf32, #tpu.memory_space<hbm>> -> memref<512xf32, #tpu.memory_space<hbm>>
      %dma_wait3A_145 = tpu.memref_slice %arg10[%mul3A_2] : memref<16384xf32, #tpu.memory_space<hbm>> -> memref<512xf32, #tpu.memory_space<hbm>>
      tpu.wait_dma2 semaphore(%run_scoped3A : memref<!tpu.dma_semaphore, #tpu.memory_space<semaphore_mem>>) src(%arg18 : memref<512xf32, #tpu.memory_space<vmem>>) dst(%dma_wait3A_145 : memref<512xf32, #tpu.memory_space<hbm>>)
      tpu.yield
    }) : () -> ()
    return
  }
}

</mosaic_0001>

<sc_bundles>
// kernel: kernel.3.cloned.1.call-start
scs
__scs_entry_jumppad:
0x0: {  	(pc) =	sbr.rel $0x88, $3  }
0x1: {  	(tag) =	ssettag $0x0;
	lr =	simm.s32 $0x1  }
0x2: {  	[smem:$0x3F9D] =	sst lr;
	_ =	strace $0xD0000000  }
0x3: {  	_ = 	snop  }
0x4: {  	_ = 	snop  }
0x5: {  	_ = 	snop  }
0x6: {  	_ = 	snop  }
0x7: {  	_ = 	snop  }
__scs_overlays_trampoline_lowered:
0x8: {  	[smem:$0x3FAC] =	sst s0  }
0x9: {  	[smem:$0x3FAD] =	sst s1  }
0xa: {  	[smem:$0x3FAE] =	sst s2  }
0xb: {  	[smem:$0x3FAF] =	sst s3  }
0xc: {  	[smem:$0x3FB0] =	sst s4  }
0xd: {  	[smem:$0x3FB1] =	sst s5  }
0xe: {  	[smem:$0x3FB2] =	sst s6  }
0xf: {  	[smem:$0x3FB3] =	sst s7  }
0x10: {  	[smem:$0x3FB4] =	sst s8  }
0x11: {  	[smem:$0x3FB5] =	sst s9;
	s0 =	simm.s32 @!p0 $0x0  }
0x12: {  	s1 =	sld [smem:$0x3F9B];
	s0 =	simm.s32 @p0 $0x1  }
0x13: {  	[smem:$0x3FB6] =	sst s0;
	s0 =	simm.s32 @!p1 $0x0  }
0x14: {  	s2 =	sld [smem:$0x3F9A];
	s0 =	simm.s32 @p1 $0x1  }
0x15: {  	[smem:$0x3FB7] =	sst s0;
	s0 =	simm.s32 @!p2 $0x0  }
0x16: {  	s3 =	sld [smem:$0x3FDB];
	s0 =	simm.s32 @p2 $0x1  }
0x17: {  	s4 =	simm.s32 $0x1BF5;
	[smem:$0x3FB9] =	sst s0  }
0x18: {  	s0 =	sld [smem:$0x3F9C];
	_ =	swait.ge [sflag:s4], $0x0  }
0x19: {  	s7 =	sld [smem:$0x3F9D]  }
0x1a: {  	s8 =	sadd.s32 $0xFFFFE003, lr  }
0x1b: {  	s9 =	sadd.s32 $0xFFFFFEF7, lr;
	s5 =	simm.s32 $0xFFFFFFFF;
	p2 =	slt.u32 s8, $0xFFFFF086  }
0x1c: {  	p1 =	slt.u32 s9, $0xF7A;
	s5 =	simm.s32 @!p2 $0x0  }
0x1d: {  	s5 =	simm.s32 @p1 $0x1;
	p0 =	seq.s32 s7, s2  }
0x1e: {  	s7 =	smul.u32 @!p0 $0xF7A, s2;
	p2 =	seq.s32 @!p0 s5, $0x0  }
0x1f: {  	s9 =	smul.u32 $0xF7A, s1;
	s8 =	simm.s32 @!p0 $0x1BF5;
	p2 =	por !p2, p0  }
0x20: {  	[sflag:s8] =	ssyncset.s32 @!p0 $0xFFFFF086;
	s6 =	sadd.s32 @!p0 s3, s7;
	s7 =	simm.s32 @!p0 $0x108  }
0x21: {  	s3 =	sadd.s32 s3, s9;
	s6 =	sadd.s32 @!p0 $0x88, s6;
	s7 =	simm.s32 @p2 $0x1082  }
0x22: {  	[simem:s7], [sflag:s8] =	dma.local @!p0 [hbm:s6], $0xF7A  }
0x23: {  	s9 =	sor.u32 $0xD0000000, s2;
	s6 =	simm.s32 $0x108;
	_ =	swait.ge @!p0 [sflag:s8], $0x0  }
0x24: {  	s3 =	sadd.s32 $0x88, s3;
	s6 =	simm.s32 @!p1 $0x1082;
	[sflag:s4] =	ssyncset.s32 $0xFFFFF086  }
0x25: {  	[simem:s6], [sflag:s4] =	dma.local [hbm:s3], $0xF7A  }
0x26: {  	[smem:$0x3F9D] =	sst s1;
	(tag) =	ssettag s2;
	_ =	strace s9  }
0x27: {  	s1 =	sld [smem:$0x3FAD]  }
0x28: {  	s2 =	sld [smem:$0x3FAE]  }
0x29: {  	s4 =	sld [smem:$0x3FB0]  }
0x2a: {  	p0 =	seq.s32 s5, $0x0;
	s5 =	sld [smem:$0x3FB1]  }
0x2b: {  	s6 =	sld [smem:$0x3FB2]  }
0x2c: {  	s7 =	sld [smem:$0x3FB3]  }
0x2d: {  	s3 =	simm.s32 $0x108;
	s8 =	sld [smem:$0x3FB4]  }
0x2e: {  	s3 =	simm.s32 @!p0 $0x1082;
	s9 =	sld [smem:$0x3FB5]  }
0x2f: {  	lr =	sadd.s32 s0, s3;
	s0 =	sld [smem:$0x3FAC]  }
0x30: {  	s3 =	sld [smem:$0x3FAF]  }
0x31: {  	[smem:$0x3FB8] =	sst s10  }
0x32: {  	s10 =	sld [smem:$0x3FB6];
	_ =	sdelay $0x3  }
0x33: {  	p0 =	seq.s32 s10, $0x1;
	s10 =	sld [smem:$0x3FB8];
	_ =	sdelay $0x3  }
0x34: {  	[smem:$0x3FB8] =	sst s10  }
0x35: {  	s10 =	sld [smem:$0x3FB7];
	_ =	sdelay $0x3  }
0x36: {  	p1 =	seq.s32 s10, $0x1;
	s10 =	sld [smem:$0x3FB8];
	_ =	sdelay $0x3  }
0x37: {  	[smem:$0x3FB8] =	sst s10  }
0x38: {  	s10 =	sld [smem:$0x3FB9]  }
0x39: {  	_ = 	snop;
	(pc) =	sbr.ind lr, $3  }
0x3a: {  	_ = 	snop  }
0x3b: {  	_ = 	snop  }
0x3c: {  	p2 =	seq.s32 s10, $0x1;
	s10 =	sld [smem:$0x3FB8]  }
0x3d: {  	_ =	shalt  }
0x3e: {  	_ =	shalt  }
0x3f: {  	_ =	shalt  }
0x40: {  	_ =	shalt  }
0x41: {  	_ =	shalt  }
0x42: {  	_ =	shalt  }
0x43: {  	_ =	shalt  }
0x44: {  	_ =	shalt  }
0x45: {  	_ =	shalt  }
0x46: {  	_ =	shalt  }
0x47: {  	_ =	shalt  }
0x48: {  	_ =	shalt  }
0x49: {  	_ =	shalt  }
0x4a: {  	_ =	shalt  }
0x4b: {  	_ =	shalt  }
0x4c: {  	_ =	shalt  }
0x4d: {  	_ =	shalt  }
0x4e: {  	_ =	shalt  }
0x4f: {  	_ =	shalt  }
0x50: {  	_ =	shalt  }
0x51: {  	_ =	shalt  }
0x52: {  	_ =	shalt  }
0x53: {  	_ =	shalt  }
0x54: {  	_ =	shalt  }
0x55: {  	_ =	shalt  }
0x56: {  	_ =	shalt  }
0x57: {  	_ =	shalt  }
0x58: {  	_ =	shalt  }
0x59: {  	_ =	shalt  }
0x5a: {  	_ =	shalt  }
0x5b: {  	_ =	shalt  }
0x5c: {  	_ =	shalt  }
0x5d: {  	_ =	shalt  }
0x5e: {  	_ =	shalt  }
0x5f: {  	_ =	shalt  }
0x60: {  	_ =	shalt  }
0x61: {  	_ =	shalt  }
0x62: {  	_ =	shalt  }
0x63: {  	_ =	shalt  }
0x64: {  	_ =	shalt  }
0x65: {  	_ =	shalt  }
0x66: {  	_ =	shalt  }
0x67: {  	_ =	shalt  }
0x68: {  	_ =	shalt  }
0x69: {  	_ =	shalt  }
0x6a: {  	_ =	shalt  }
0x6b: {  	_ =	shalt  }
0x6c: {  	_ =	shalt  }
0x6d: {  	_ =	shalt  }
0x6e: {  	_ =	shalt  }
0x6f: {  	_ =	shalt  }
0x70: {  	_ =	shalt  }
0x71: {  	_ =	shalt  }
0x72: {  	_ =	shalt  }
0x73: {  	_ =	shalt  }
0x74: {  	_ =	shalt  }
0x75: {  	_ =	shalt  }
0x76: {  	_ =	shalt  }
0x77: {  	_ =	shalt  }
0x78: {  	_ =	shalt  }
0x79: {  	_ =	shalt  }
0x7a: {  	_ =	shalt  }
0x7b: {  	_ =	shalt  }
0x7c: {  	_ =	shalt  }
0x7d: {  	_ =	shalt  }
0x7e: {  	_ =	shalt  }
0x7f: {  	_ =	shalt  }
0x80: {  	_ =	shalt  }
0x81: {  	_ =	shalt  }
0x82: {  	_ =	shalt  }
0x83: {  	_ =	shalt  }
0x84: {  	_ =	shalt  }
0x85: {  	_ =	shalt  }
0x86: {  	_ =	shalt  }
0x87: {  	_ =	shalt  }
.Lfunc_end0:
.L_simem_size_0:
called_computation_lowered:
.L_overlay_start_0:
0x88: {  	s2 =	sld [smem:$0x3FD9]  }
0x89: {  	s3 =	sld [smem:$0x3FFE];
	_ =	sdelay $0x1  }
0x8a: {  	s1 =	srdreg.scid  }
0x8b: {  	s0 =	sand.u32 $0x1, s1  }
0x8c: {  	s14 =	sshll.u32 s0, $0xA;
	s2 =	sadd.s32 s3, s2  }
0x8d: {  	s2 =	sadd.s32 s2, s14  }
0x8e: {  	[smem:$0x3FC4] =	sst s2  }
0x8f: {  	_ = 	snop  }
0x90: {  	s2 =	sld [smem:$0x3FC9]  }
0x91: {  	s15 =	sld [smem:$0x3FD0]  }
0x92: {  	s4 =	sld [smem:$0x3FC8]  }
0x93: {  	s5 =	sld [smem:$0x3FC7]  }
0x94: {  	s7 =	simm.s32 $0xA;
	s8 =	simm.s32 $0x10;
	s6 =	sld [smem:$0x3FC6]  }
0x95: {  	[smem:s8], [sflag:s7] =	dma.local [hbm:s15], $0x1  }
0x96: {  	_ =	swait.eq [sflag:s7], $0x1  }
0x97: {  	s16 =	sld [smem:$0x10];
	[sflag:s7] =	ssyncset.done $0x0  }
0x98: {  	s17 =	sld [smem:$0x11];
	[sflag:s7] =	ssyncadd.s32 $0xFFFFFFFF  }
0x99: {  	s18 =	sld [smem:$0x12];
	(tm) =	ssettm $0x1  }
0x9a: {  	s9 =	sld [smem:$0x3FFB];
	_ =	sdelay $0x3  }
0x9b: {  	_ =	strace s9  }
0x9c: {  	s9 =	sld [smem:$0x3FFC];
	_ =	sdelay $0x3  }
0x9d: {  	_ =	strace s9  }
0x9e: {  	s9 =	sld [smem:$0x3FFD];
	_ =	sdelay $0x3  }
0x9f: {  	_ =	strace s9  }
0xa0: {  	_ =	strace $0x8FFFFFFF  }
0xa1: {  	s19 =	sld [smem:$0x3FDB];
	_ =	sdelay $0x1  }
0xa2: {  	s10 =	simm.s32 $_scs_section_size  }
0xa3: {  	s11 =	simm.s32 $_size__tile_overlayer_lowered;
	s12 =	simm.s32 $_tile_overlayer_lowered  }
0xa4: {  	s22 =	simm.s32 $0x1BFF;
	s21 =	sshll.u32 s12, $0x1;
	s9 =	sadd.s32 s10, s19  }
0xa5: {  	s13 =	simm.s32 $0x0;
	s20 =	sshll.u32 s11, $0x1;
	s11 =	sadd.s32 s21, s9  }
0xa6: {  	[timem:s13], [sflag:s22] =	dma.local [hbm:s11], s20  }
0xa7: {  	_ =	swait.ge [sflag:s22], s20  }
0xa8: {  	s10 =	ssub.s32 $0x0, s20;
	[sflag:s22] =	ssyncset.done $0x0  }
0xa9: {  	[sflag:s22] =	ssyncadd.s32 s10;
	_ =	sdelay $0x1  }
0xaa: {  	s23 =	simm.s32 $0x1B8B  }
0xab: {  	_ =	swait.ge [sflag:s23], $0x1  }
0xac: {  	[sflag:s23] =	ssyncset.done $0x0  }
0xad: {  	s25 =	simm.s32 $0x1B8E;
	s24 =	sld [smem:$0x3FFE];
	[sflag:s23] =	ssyncadd.s32 $0xFFFFFFFF  }
0xae: {  	s26 =	simm.s32 $execute0_lowered;
	[smem:$0x3FD2] =	sst s25  }
0xaf: {  	s11 =	sshll.u32 s26, $0x1;
	_ =	strace $0x80000046;
	[dreg:$0x1] =	wrdreg $0xFFFFFFFF  }
0xb0: {  	s28 =	simm.s32 $_size_execute0_lowered;
	s9 =	sadd.s32 s9, s11;
	[dreg:$0x0] =	wrdreg $0x0  }
0xb1: {  	s11 =	sshll.u32 s28, $0x1;
	[dreg:$0x2] =	wrdreg s9  }
0xb2: {  	[dreg:$0x3] =	wrdreg s11  }
0xb3: {  	[dreg:$0x4] =	wrdreg $0xC0  }
0xb4: {  	_ =	task [dreg:s13], $0x5FFFF  }
0xb5: {  	[dreg:$0x1] =	wrdreg $0xFFFFFFFF  }
0xb6: {  	[dreg:$0x0] =	wrdreg $0x60  }
0xb7: {  	[dreg:$0x2] =	wrdreg s2  }
0xb8: {  	[dreg:$0x3] =	wrdreg s4  }
0xb9: {  	[dreg:$0x4] =	wrdreg s5  }
0xba: {  	[dreg:$0x5] =	wrdreg s6  }
0xbb: {  	[dreg:$0x6] =	wrdreg s24  }
0xbc: {  	[dreg:$0x7] =	wrdreg s16  }
0xbd: {  	[dreg:$0x8] =	wrdreg s17  }
0xbe: {  	[dreg:$0x9] =	wrdreg s18  }
0xbf: {  	[dreg:$0xa] =	wrdreg $0x9  }
0xc0: {  	_ =	task.clear_ibuf [dreg:s13], $0xBFFFF;
	_ =	strace $0x90000046  }
0xc1: {  	s29 =	simm.s32 $0x9;
	_ =	strace $0x80000048  }
0xc2: {  	_ =	swait.ge [sflag:s29], $0x1  }
0xc3: {  	[sflag:s29] =	ssyncadd.s32 $0xFFFFFFFF  }
0xc4: {  	_ =	strace $0x90000048  }
0xc5: {  	_ =	sfence  }
0xc6: {  	s30 =	sld [smem:$0x0];
	_ =	sdelay $0x2  }
0xc7: {  	s31 =	sshll.u32 s1, $0xD;
	s1 =	sshrl.u32 s1, $0x2  }
0xc8: {  	s3 =	sand.u32 $0x4000, s31;
	s1 =	sadd.s32 s1, s30  }
0xc9: {  	s0 =	sor.u32 s3, s0;
	s1 =	sshll.u32 s1, $0x11  }
0xca: {  	s0 =	sor.u32 s1, s0  }
0xcb: {  	s0 =	sadd.s32 $0x8F2B, s0  }
0xcc: {  	[sflag:s0] =	ssyncadd.remote.s32 $0x1  }
0xcd: {  	_ =	sfence.sel $0xFFFF  }
0xce: {  	[dreg:$0x0] =	wrdreg $0xFFFFFFFF;
	(pc) =	sbr.abs _section_cstart, $3  }
0xcf: {  	[dreg:$0x1] =	wrdreg $0xFFFFFFFF  }
0xd0: {  	_ =	task.clear_ibuf [dreg:s13], $0x2FFFF;
	_ =	strace $0x9FFFFFFF  }
0xd1: {  	(tm) =	ssettm $0x7FFFFFFF  }
tec
execute0_lowered:
.L_overlay_start_1:
0x0: {  	(tag) =	ssettag $0x1  }
0x1: {  	s2 =	rddreg [dreg:$0x0]  }
0x2: {  	s3 =	rddreg [dreg:$0x1]  }
0x3: {  	s0 =	rddreg [dreg:$0x2]  }
0x4: {  	s1 =	rddreg [dreg:$0x3]  }
0x5: {  	v0 =	vlaneseq.u32;
	s10 =	rddreg [dreg:$0x4]  }
0x6: {  	s4 =	rddreg [dreg:$0x5];
	v1 =	vimm.s32 $0x0;
	v3 =	vimm.s32 $0x1380;
	vm0 =	vcmask $0x300  }
0x7: {  	s5 =	rddreg [dreg:$0x6];
	v4 =	vimm.s32 $0x3380;
	vm1 =	vcmask $0x704;
	vm2 =	vcmask $0x2320  }
0x8: {  	s6 =	rddreg [dreg:$0x7];
	vm3 =	vcmask $0x3330;
	vm4 =	vcmask $0x3734;
	vm5 =	vcmask $0x3B38  }
0x9: {  	s7 =	srdreg.scid;
	s11 =	simm.s32 $0x0;
	s8 =	stileid.u32;
	vm6 =	vmmov $0x1;
	vm7 =	vmmov $0x3;
	vm8 =	vmmov $0x7  }
0xa: {  	s14 =	simm.s32 $0x680;
	s16 =	simm.s32 $0x1680;
	s19 =	simm.s32 $0x7A1400;
	vm9 =	vmmov $0xf;
	v3 =	vsel vm0, $0x0, v3;
	v4 =	vsel vm0, $0x2000, v4  }
0xb: {  	s18 =	simm.s32 $0x400;
	s20 =	simm.s32 $0xA880;
	s17 =	simm.s32 $0x11880;
	vm0 =	vcmask $0xB08;
	v3 =	vsel vm1, $0x80, v3;
	v4 =	vsel vm1, $0x2080, v4  }
0xc: {  	s29 =	simm.s32 $0x2680;
	s31 =	simm.s32 $0xC3800;
	s7 =	sand.u32 $0x1, s7;
	vm1 =	vcmask $0xF0C;
	v3 =	vsel vm0, $0x100, v3;
	v4 =	vsel vm0, $0x2100, v4  }
0xd: {  	[smem:$0x7FF] =	sst s11;
	s8 =	sshll.u32 s8, $0xA;
	s21 =	sadd.s32 $0x200, s10;
	vm0 =	vcmask $0x1310;
	v3 =	vsel vm1, $0x180, v3;
	v4 =	vsel vm1, $0x2180, v4  }
0xe: {  	s13 =	simm.s32 $0x7;
	s9 =	sshll.u32 s7, $0x9;
	_ =	strace $0x80000047;
	vm1 =	vcmask $0x1714;
	v3 =	vsel vm0, $0x200, v3;
	v4 =	vsel vm0, $0x2200, v4  }
0xf: {  	s7 =	ssub.s32 $0x2, s7;
	[dreg:$0x9] =	wrdreg s21;
	s21 =	simm.s32 $0xB880;
	vm0 =	vcmask $0x1B18;
	v3 =	vsel vm1, $0x280, v3;
	v4 =	vsel vm1, $0x2280, v4  }
0x10: {  	s8 =	sor.u32 s9, s8;
	s22 =	sshrl.u32 s7, $0x1;
	s9 =	simm.s32 $0x9;
	vm1 =	vcmask $0x1F1C;
	v3 =	vsel vm0, $0x300, v3;
	v4 =	vsel vm0, $0x2300, v4  }
0x11: {  	vm10 =	vmmov $0x1f;
	s23 =	sshrl.u32 s8, $0x3;
	s7 =	ssub.s32 s7, s22;
	s25 =	sadd.s32 s4, s8;
	v3 =	vsel vm1, $0x380, v3;
	v4 =	vsel vm1, $0x2380, v4  }
0x12: {  	s26 =	sadd.s32 s5, s8;
	s22 =	simm.s32 $0xC880;
	s8 =	simm.s32 $0x6680;
	vm0 =	vcmask $0x2724;
	v3 =	vsel vm2, $0x1000, v3;
	v4 =	vsel vm2, $0x3000, v4  }
0x13: {  	s2 =	sadd.s32 s2, s23;
	s24 =	sadd.s32 s3, s23;
	[dreg:$0xc] =	wrdreg s25;
	vm1 =	vcmask $0x2B28;
	v3 =	vsel vm0, $0x1080, v3;
	v4 =	vsel vm0, $0x3080, v4  }
.Ltmp0:
0x14: {  	[dreg:$0xd] =	wrdreg s26;
	s28 =	sadd.s32 s6, s23;
	vm2 =	vcmask $0x2F2C;
	v3 =	vsel vm1, $0x1100, v3;
	v4 =	vsel vm1, $0x3100, v4;
	(pc) =	sbr.rel .LBB2_1-.Ltmp0, $4  }
0x15: {  	vm11 =	vmmov $0x3f;
	s30 =	smax.u32 s7, $0x1;
	s23 =	simm.s32 $0xD880;
	[dreg:$0xa] =	wrdreg s2;
	v3 =	vsel vm2, $0x1180, v3;
	v4 =	vsel vm2, $0x3180, v4  }
0x16: {  	v0 =	vmul.u32 $0x80, v0;
	s25 =	simm.s32 $0xF880;
	s26 =	simm.s32 $0x10880;
	[dreg:$0xb] =	wrdreg s24;
	v3 =	vsel vm3, $0x1200, v3;
	v4 =	vsel vm3, $0x3200, v4  }
0x17: {  	vm12 =	vmmov $0x7f;
	s6 =	simm.s32 $0x8;
	s3 =	simm.s32 $0x0;
	[dreg:$0xe] =	wrdreg s28;
	v3 =	vsel vm4, $0x1280, v3;
	v4 =	vsel vm4, $0x3280, v4  }
0x18: {  	v2 =	vor.u32 $0x800, v0;
	[dreg:$0xf] =	wrdreg s30;
	s24 =	simm.s32 $0xE880;
	s2 =	simm.s32 $0x6;
	v3 =	vsel vm5, $0x1300, v3;
	v4 =	vsel vm5, $0x3300, v4  }
.LBB2_11:
0x19: {  	s3 =	rddreg [dreg:$0x11]  }
0x1a: {  	s5 =	rddreg [dreg:$0xc]  }
0x1b: {  	s11 =	simm.s32 $0x1000;
	s4 =	simm.s32 $0x20000;
	s9 =	simm.s32 $0x9;
	[tilespmem:s3+$0x0] =	vst v6  }
0x1c: {  	[hbm4b:s5+s11] =	stream.strided.scatter [tilespmem:s29], [sflag:$0x9], $0x4000, s4, s11, $0x38;
	[tilespmem:$0x12880] =	vst v63  }
0x1d: {  	_ =	swait.ge [sflag:s9], $0x4000  }
0x1e: {  	[sflag:s9] =	ssyncset.done $0x0  }
0x1f: {  	s12 =	rddreg [dreg:$0xd];
	[sflag:s9] =	ssyncadd.s32 $0xFFFFC000  }
0x20: {  	[hbm4b:s12+s11] =	stream.strided.scatter [tilespmem:s8], [sflag:$0x9], $0x4000, s4, s11, $0x38;
	[tilespmem:$0x12880] =	vst v63  }
0x21: {  	_ =	swait.ge [sflag:s9], $0x4000  }
0x22: {  	s19 =	simm.s32 $0xA680;
	[sflag:s9] =	ssyncset.done $0x0  }
0x23: {  	s11 =	simm.s32 $0x0;
	s15 =	rddreg [dreg:$0xe];
	[sflag:s9] =	ssyncadd.s32 $0xFFFFC000  }
0x24: {  	[hbm4b:s15+s11] =	stream.linear.scatter [tilespmem:s19], [sflag:$0x9], $0x200, $0x38;
	[tilespmem:$0x12880] =	vst v63  }
0x25: {  	_ =	swait.ge [sflag:s9], $0x200  }
0x26: {  	s28 =	rddreg [dreg:$0x10]  }
0x27: {  	s30 =	rddreg [dreg:$0xf];
	s3 =	sadd.s32 $0x1, s28  }
0x28: {  	p0 =	sne.s32 s3, s30  }
.Ltmp1:
0x29: {  	_ = 	snop;
	(pc) =	sbr.rel @!p0 .LBB2_12-.Ltmp1, $3  }
0x2a: {  	_ =	sdelay $0x1  }
0x2b: {  	[sflag:s9] =	ssyncset.done $0x0  }
0x2c: {  	s19 =	simm.s32 $0x7A1400;
	[sflag:s9] =	ssyncadd.s32 $0xFFFFFE00  }
.LBB2_1:
0x2d: {  	[dreg:$0x10] =	wrdreg s3  }
0x2e: {  	s5 =	rddreg [dreg:$0xa]  }
0x2f: {  	[tilespmem:s11], [sflag:$0x9] =	stream.linear.gather [hbm4b:s5+s11], $0x200, $0x38;
	[tilespmem:$0x12880] =	vst v63  }
0x30: {  	_ =	swait.ge [sflag:s9], $0x200  }
0x31: {  	[sflag:s9] =	ssyncset.done $0x0  }
0x32: {  	s7 =	simm.s32 $0x200;
	s15 =	rddreg [dreg:$0xb];
	[sflag:s9] =	ssyncadd.s32 $0xFFFFFE00  }
0x33: {  	[tilespmem:s7], [sflag:$0x9] =	stream.linear.gather [hbm4b:s15+s11], $0x200, $0x38;
	[tilespmem:$0x12880] =	vst v63  }
0x34: {  	_ =	swait.ge [sflag:s9], $0x200  }
0x35: {  	[sflag:s9] =	ssyncset.done $0x0  }
0x36: {  	[sflag:s9] =	ssyncadd.s32 $0xFFFFFE00  }
0x37: {  	s28 =	rddreg [dreg:$0x4]  }
0x38: {  	[tilespmem:s14], [sflag:$0x9] =	stream.linear.gather [hbm4b:s28+s11], $0x1000, $0x38;
	[tilespmem:$0x12880] =	vst v63  }
0x39: {  	_ =	swait.ge [sflag:s9], $0x1000  }
0x3a: {  	[sflag:s9] =	ssyncset.done $0x0  }
0x3b: {  	s30 =	rddreg [dreg:$0x9];
	[sflag:s9] =	ssyncadd.s32 $0xFFFFF000  }
0x3c: {  	[tilespmem:s16], [sflag:$0x9] =	stream.linear.gather [hbm4b:s30+s11], $0x1000, $0x38;
	[tilespmem:$0x12880] =	vst v63  }
0x3d: {  	_ =	swait.ge [sflag:s9], $0x1000  }
0x3e: {  	[sflag:s9] =	ssyncset.done $0x0  }
0x3f: {  	s5 =	simm.s32 $0x0;
	[sflag:s9] =	ssyncadd.s32 $0xFFFFF000  }
0x40: {  	v5 =	vld [tilespmem:s5+$0x0]  }
0x41: {  	s9 =	simm.s32 $0x40  }
.LBB2_2:
0x42: {  	p0 =	sne.s32 s9, $0x7C0  }
.Ltmp2:
0x43: {  	_ = 	snop;
	(pc) =	sbr.rel @p0 .LBB2_2-.Ltmp2, $4  }
0x44: {  	_ = 	snop  }
0x45: {  	s10 =	sshra.s32 s9, $0x2;
	s9 =	sadd.s32 $0x40, s9;
	v6 =	vand.u32 $0xFFFFFF80, v5;
	vm13 =	vgt.s32 v5, $0xF41FF  }
0x46: {  	v5 =	vld [tilespmem:s10+$0x0];
	v6 =	vsel vm13, $0x0, v6  }
0x47: {  	[tilespmem:s5+$0x400] =	vst v6;
	s5 =	smov.u32 s10  }
0x48: {  	_ =	sdelay $0x2  }
0x49: {  	v6 =	vand.u32 $0xFFFFFF80, v5;
	vm13 =	vgt.s32 v5, $0xF41FF  }
0x4a: {  	v5 =	vsel vm13, $0x0, v6  }
0x4b: {  	[tilespmem:s5+$0x400] =	vst v5  }
0x4c: {  	v5 =	vld [tilespmem:$0x400];
	_ =	sdelay $0x4  }
0x4d: {  	(v2sf) =	vpush v5, $0x0  }
0x4e: {  	(v2sf) =	vpush v5, $0x1;
	_ =	sdelay $0x1  }
0x4f: {  	(v2sf) =	vpush v5, $0x2;
	_ =	sdelay $0x4  }
0x50: {  	(v2sf) =	vpush v5, $0x3  }
0x51: {  	(v2sf) =	vpush v5, $0x4;
	_ =	sdelay $0x5  }
0x52: {  	s10 =	spop (v2sf);
	(v2sf) =	vpush v5, $0x5  }
0x53: {  	s11 =	spop (v2sf);
	(v2sf) =	vpush v5, $0x6  }
0x54: {  	s5 =	sand.u32 $0xFFFFF80, s10  }
0x55: {  	[tilespmem:$0x600] =	vst v1;
	s5 =	sadd.s32 s0, s5;
	s12 =	spop (v2sf)  }
0x56: {  	(v2sf) =	vpush v5, $0x7;
	[tilespmem:s20], [sflag:$0x1] =	stream.strided.gather [hbm4b:s5+s18], $0x1000, s19, s18, $0x38;
	[tilespmem:$0x12880] =	vst v63  }
0x57: {  	s5 =	sand.u32 $0xFFFFF80, s11  }
0x58: {  	s5 =	sadd.s32 s0, s5  }
0x59: {  	[tilespmem:s21], [sflag:$0x2] =	stream.strided.gather [hbm4b:s5+s18], $0x1000, s19, s18, $0x38;
	[tilespmem:$0x12880] =	vst v63  }
0x5a: {  	s9 =	spop (v2sf);
	s5 =	sand.u32 $0xFFFFF80, s12  }
0x5b: {  	s15 =	sand.u32 $0xFFFFF80, s9;
	s20 =	spop (v2sf);
	s5 =	sadd.s32 s0, s5  }
0x5c: {  	[tilespmem:s22], [sflag:$0x3] =	stream.strided.gather [hbm4b:s5+s18], $0x1000, s19, s18, $0x38;
	[tilespmem:$0x12880] =	vst v63  }
0x5d: {  	s21 =	sand.u32 $0xFFFFF80, s20;
	s5 =	sadd.s32 s0, s15  }
0x5e: {  	[tilespmem:s23], [sflag:$0x4] =	stream.strided.gather [hbm4b:s5+s18], $0x1000, s19, s18, $0x38;
	[tilespmem:$0x12880] =	vst v63  }
0x5f: {  	s5 =	sadd.s32 s0, s21  }
0x60: {  	[tilespmem:s24], [sflag:$0x5] =	stream.strided.gather [hbm4b:s5+s18], $0x1000, s19, s18, $0x38;
	[tilespmem:$0x12880] =	vst v63  }
0x61: {  	s22 =	spop (v2sf)  }
0x62: {  	s23 =	sand.u32 $0xFFFFF80, s22;
	s24 =	spop (v2sf)  }
0x63: {  	s5 =	sadd.s32 s0, s23;
	s28 =	sand.u32 $0xFFFFF80, s24  }
0x64: {  	[tilespmem:s25], [sflag:$0x6] =	stream.strided.gather [hbm4b:s5+s18], $0x1000, s19, s18, $0x38;
	[tilespmem:$0x12880] =	vst v63  }
0x65: {  	s30 =	spop (v2sf);
	s5 =	sadd.s32 s0, s28  }
0x66: {  	[tilespmem:s26], [sflag:$0x7] =	stream.strided.gather [hbm4b:s5+s18], $0x1000, s19, s18, $0x38;
	[tilespmem:$0x12880] =	vst v63  }
0x67: {  	s5 =	sand.u32 $0xFFFFF80, s30  }
0x68: {  	s5 =	sadd.s32 s0, s5  }
0x69: {  	[tilespmem:s17], [sflag:$0x8] =	stream.strided.gather [hbm4b:s5+s18], $0x1000, s19, s18, $0x38;
	[tilespmem:$0x12880] =	vst v63  }
0x6a: {  	s10 =	simm.s32 $0x0;
	s9 =	simm.s32 $0x408;
	s5 =	simm.s32 $0xF  }
.LBB2_4:
0x6b: {  	v6 =	vld [tilespmem:s10+$0x0];
	_ =	sdelay $0x4  }
0x6c: {  	(v2sf) =	vpush v6, $0x0;
	_ =	sdelay $0xb  }
0x6d: {  	v5 =	vld [tilespmem:s9+$0x0];
	_ =	sdelay $0x2  }
0x6e: {  	s15 =	simm.s32 $0x1;
	s11 =	spop (v2sf)  }
0x6f: {  	_ =	swait.ge [sflag:s15], $0x1000  }
0x70: {  	(v2sf) =	vpush v5, $0x0  }
0x71: {  	p0 =	sgt.s32 s11, $0xF41FF;
	s12 =	sadd.s32 $0xFFF0BE00, s11;
	s11 =	sand.u32 $0x7F, s11  }
0x72: {  	s11 =	smov.u32 @p0 s12;
	(v2sf) =	vpush v6, $0x1  }
0x73: {  	v7 =	vadd.s32 s11, v0  }
0x74: {  	v8 =	vadd.s32 s11, v2;
	_ =	sdelay $0x1  }
0x75: {  	s25 =	sadd.s32 $0xFFFFFFF1, s5;
	[sflag:s15] =	ssyncset.done $0x0  }
0x76: {  	s7 =	simm.s32 $0xA880;
	v9 =	vmov s25;
	[sflag:s15] =	ssyncadd.s32 $0xFFFFF000  }
0x77: {  	v11 =	vshll.u32 v9, $0x3;
	v10 =	vld.idx.msk [tilespmem:v7+s7+$0x0], $0xffff  }
0x78: {  	v9 =	vand.u32 $0x70, v9;
	v11 =	vand.u32 $0xC00, v11;
	v12 =	vld.idx.msk [tilespmem:v8+s7+$0x0], $0xffff  }
0x79: {  	v9 =	vor.u32 v9, v11;
	v7 =	vld.idx.msk [tilespmem:v7+s14+$0x0], $0xffff  }
0x7a: {  	v11 =	vor.u32 v3, v9;
	v8 =	vld.idx.msk [tilespmem:v8+s14+$0x0], $0xffff  }
0x7b: {  	v9 =	vor.u32 v4, v9;
	_ =	sdelay $0x2  }
0x7c: {  	v7 =	vpsel p0, v7, v10;
	s26 =	spop (v2sf)  }
0x7d: {  	v8 =	vpsel p0, v8, v12;
	[tilespmem:v11+s29+$0x0] =	vst.idx.msk $0xffff, v7;
	s11 =	sand.u32 $0xFFFFF80, s26  }
0x7e: {  	s22 =	simm.s32 $0x2;
	[tilespmem:v9+s29+$0x0] =	vst.idx.msk $0xffff, v8;
	s28 =	spop (v2sf);
	s11 =	sadd.s32 s0, s11  }
0x7f: {  	[tilespmem:s7], [sflag:$0x1] =	stream.strided.gather [hbm4b:s11+s18], $0x1000, s19, s18, $0x38;
	[tilespmem:$0x12880] =	vst v63  }
0x80: {  	_ =	swait.ge [sflag:s22], $0x1000  }
0x81: {  	(v2sf) =	vpush v5, $0x1  }
0x82: {  	p0 =	sgt.s32 s28, $0xF41FF;
	s12 =	sadd.s32 $0xFFF0BE00, s28;
	s11 =	sand.u32 $0x7F, s28  }
0x83: {  	s11 =	smov.u32 @p0 s12;
	(v2sf) =	vpush v6, $0x2  }
0x84: {  	v7 =	vadd.s32 s11, v0  }
0x85: {  	v39 =	vadd.s32 s11, v2;
	_ =	sdelay $0x1  }
0x86: {  	s30 =	sadd.s32 $0xFFFFFFF2, s5;
	[sflag:s22] =	ssyncset.done $0x0  }
0x87: {  	s21 =	simm.s32 $0xB880;
	v40 =	vmov s30;
	[sflag:s22] =	ssyncadd.s32 $0xFFFFF000  }
0x88: {  	v42 =	vshll.u32 v40, $0x3;
	v41 =	vld.idx.msk [tilespmem:v7+s21+$0x0], $0xffff  }
0x89: {  	v11 =	vand.u32 $0xC00, v42;
	v9 =	vand.u32 $0x71, v40;
	v43 =	vld.idx.msk [tilespmem:v39+s21+$0x0], $0xffff  }
0x8a: {  	v9 =	vor.u32 v9, v11;
	v7 =	vld.idx.msk [tilespmem:v7+s14+$0x0], $0xffff  }
0x8b: {  	v11 =	vor.u32 v3, v9;
	v8 =	vld.idx.msk [tilespmem:v39+s14+$0x0], $0xffff  }
0x8c: {  	v9 =	vor.u32 v4, v9;
	_ =	sdelay $0x2  }
0x8d: {  	v7 =	vpsel p0, v7, v41;
	s3 =	spop (v2sf)  }
0x8e: {  	v8 =	vpsel p0, v8, v43;
	[tilespmem:v11+s29+$0x0] =	vst.idx.msk $0xffff, v7;
	s11 =	sand.u32 $0xFFFFF80, s3  }
0x8f: {  	[tilespmem:v9+s29+$0x0] =	vst.idx.msk $0xffff, v8;
	s4 =	spop (v2sf);
	s3 =	simm.s32 $0x3;
	s11 =	sadd.s32 s0, s11  }
0x90: {  	[tilespmem:s21], [sflag:$0x2] =	stream.strided.gather [hbm4b:s11+s18], $0x1000, s19, s18, $0x38;
	[tilespmem:$0x12880] =	vst v63  }
0x91: {  	_ =	swait.ge [sflag:s3], $0x1000  }
0x92: {  	(v2sf) =	vpush v5, $0x2  }
0x93: {  	p0 =	sgt.s32 s4, $0xF41FF;
	s12 =	sadd.s32 $0xFFF0BE00, s4;
	s11 =	sand.u32 $0x7F, s4  }
0x94: {  	s11 =	smov.u32 @p0 s12;
	(v2sf) =	vpush v6, $0x3  }
0x95: {  	v7 =	vadd.s32 s11, v0  }
0x96: {  	v44 =	vadd.s32 s11, v2;
	_ =	sdelay $0x1  }
0x97: {  	s12 =	sadd.s32 $0xFFFFFFF3, s5;
	[sflag:s3] =	ssyncset.done $0x0  }
0x98: {  	s23 =	simm.s32 $0xC880;
	v45 =	vmov s12;
	[sflag:s3] =	ssyncadd.s32 $0xFFFFF000  }
0x99: {  	v47 =	vshll.u32 v45, $0x3;
	v46 =	vld.idx.msk [tilespmem:v7+s23+$0x0], $0xffff  }
0x9a: {  	v9 =	vand.u32 $0x72, v45;
	v11 =	vand.u32 $0xC00, v47;
	v48 =	vld.idx.msk [tilespmem:v44+s23+$0x0], $0xffff  }
0x9b: {  	v9 =	vor.u32 v9, v11;
	v7 =	vld.idx.msk [tilespmem:v7+s14+$0x0], $0xffff  }
0x9c: {  	v11 =	vor.u32 v3, v9;
	v8 =	vld.idx.msk [tilespmem:v44+s14+$0x0], $0xffff  }
0x9d: {  	v9 =	vor.u32 v4, v9;
	_ =	sdelay $0x2  }
0x9e: {  	v7 =	vpsel p0, v7, v46;
	s20 =	spop (v2sf)  }
0x9f: {  	v8 =	vpsel p0, v8, v48;
	[tilespmem:v11+s29+$0x0] =	vst.idx.msk $0xffff, v7;
	s11 =	sand.u32 $0xFFFFF80, s20  }
0xa0: {  	s4 =	simm.s32 $0x4;
	[tilespmem:v9+s29+$0x0] =	vst.idx.msk $0xffff, v8;
	s24 =	spop (v2sf);
	s11 =	sadd.s32 s0, s11  }
0xa1: {  	[tilespmem:s23], [sflag:$0x3] =	stream.strided.gather [hbm4b:s11+s18], $0x1000, s19, s18, $0x38;
	[tilespmem:$0x12880] =	vst v63  }
0xa2: {  	_ =	swait.ge [sflag:s4], $0x1000  }
0xa3: {  	(v2sf) =	vpush v5, $0x3  }
0xa4: {  	p0 =	sgt.s32 s24, $0xF41FF;
	s12 =	sadd.s32 $0xFFF0BE00, s24;
	s11 =	sand.u32 $0x7F, s24  }
0xa5: {  	s11 =	smov.u32 @p0 s12;
	(v2sf) =	vpush v6, $0x4  }
0xa6: {  	v7 =	vadd.s32 s11, v0  }
0xa7: {  	v49 =	vadd.s32 s11, v2;
	_ =	sdelay $0x1  }
0xa8: {  	s25 =	sadd.s32 $0xFFFFFFF4, s5;
	[sflag:s4] =	ssyncset.done $0x0  }
0xa9: {  	v50 =	vmov s25;
	s24 =	simm.s32 $0xD880;
	[sflag:s4] =	ssyncadd.s32 $0xFFFFF000  }
0xaa: {  	v52 =	vshll.u32 v50, $0x3;
	v51 =	vld.idx.msk [tilespmem:v7+s24+$0x0], $0xffff  }
0xab: {  	v11 =	vand.u32 $0xC00, v52;
	v9 =	vand.u32 $0x73, v50;
	v53 =	vld.idx.msk [tilespmem:v49+s24+$0x0], $0xffff  }
0xac: {  	v9 =	vor.u32 v9, v11;
	v7 =	vld.idx.msk [tilespmem:v7+s14+$0x0], $0xffff  }
0xad: {  	v11 =	vor.u32 v3, v9;
	v8 =	vld.idx.msk [tilespmem:v49+s14+$0x0], $0xffff  }
0xae: {  	v9 =	vor.u32 v4, v9;
	_ =	sdelay $0x2  }
0xaf: {  	v7 =	vpsel p0, v7, v51;
	s26 =	spop (v2sf)  }
0xb0: {  	v8 =	vpsel p0, v8, v53;
	[tilespmem:v11+s29+$0x0] =	vst.idx.msk $0xffff, v7;
	s11 =	sand.u32 $0xFFFFF80, s26  }
0xb1: {  	s30 =	simm.s32 $0x5;
	[tilespmem:v9+s29+$0x0] =	vst.idx.msk $0xffff, v8;
	s28 =	spop (v2sf);
	s11 =	sadd.s32 s0, s11  }
0xb2: {  	[tilespmem:s24], [sflag:$0x4] =	stream.strided.gather [hbm4b:s11+s18], $0x1000, s19, s18, $0x38;
	[tilespmem:$0x12880] =	vst v63  }
0xb3: {  	_ =	swait.ge [sflag:s30], $0x1000  }
0xb4: {  	(v2sf) =	vpush v5, $0x4  }
0xb5: {  	p0 =	sgt.s32 s28, $0xF41FF;
	s12 =	sadd.s32 $0xFFF0BE00, s28;
	s11 =	sand.u32 $0x7F, s28  }
0xb6: {  	s11 =	smov.u32 @p0 s12;
	(v2sf) =	vpush v6, $0x5  }
0xb7: {  	v7 =	vadd.s32 s11, v0  }
0xb8: {  	v54 =	vadd.s32 s11, v2;
	_ =	sdelay $0x1  }
0xb9: {  	s12 =	sadd.s32 $0xFFFFFFF5, s5;
	[sflag:s30] =	ssyncset.done $0x0  }
0xba: {  	s25 =	simm.s32 $0xE880;
	v55 =	vmov s12;
	[sflag:s30] =	ssyncadd.s32 $0xFFFFF000  }
0xbb: {  	v57 =	vshll.u32 v55, $0x3;
	v56 =	vld.idx.msk [tilespmem:v7+s25+$0x0], $0xffff  }
0xbc: {  	v9 =	vand.u32 $0x74, v55;
	v11 =	vand.u32 $0xC00, v57;
	v58 =	vld.idx.msk [tilespmem:v54+s25+$0x0], $0xffff  }
0xbd: {  	v9 =	vor.u32 v9, v11;
	v7 =	vld.idx.msk [tilespmem:v7+s14+$0x0], $0xffff  }
0xbe: {  	v11 =	vor.u32 v3, v9;
	v8 =	vld.idx.msk [tilespmem:v54+s14+$0x0], $0xffff  }
0xbf: {  	v9 =	vor.u32 v4, v9;
	_ =	sdelay $0x2  }
0xc0: {  	v7 =	vpsel p0, v7, v56;
	s20 =	spop (v2sf)  }
0xc1: {  	v8 =	vpsel p0, v8, v58;
	[tilespmem:v11+s29+$0x0] =	vst.idx.msk $0xffff, v7;
	s11 =	sand.u32 $0xFFFFF80, s20  }
0xc2: {  	[tilespmem:v9+s29+$0x0] =	vst.idx.msk $0xffff, v8;
	s26 =	spop (v2sf);
	s11 =	sadd.s32 s0, s11  }
0xc3: {  	[tilespmem:s25], [sflag:$0x5] =	stream.strided.gather [hbm4b:s11+s18], $0x1000, s19, s18, $0x38;
	[tilespmem:$0x12880] =	vst v63  }
0xc4: {  	_ =	swait.ge [sflag:s2], $0x1000  }
0xc5: {  	(v2sf) =	vpush v5, $0x5  }
0xc6: {  	p0 =	sgt.s32 s26, $0xF41FF;
	s12 =	sadd.s32 $0xFFF0BE00, s26;
	s11 =	sand.u32 $0x7F, s26  }
0xc7: {  	s11 =	smov.u32 @p0 s12;
	(v2sf) =	vpush v6, $0x6  }
0xc8: {  	v7 =	vadd.s32 s11, v0  }
0xc9: {  	v59 =	vadd.s32 s11, v2;
	_ =	sdelay $0x1  }
0xca: {  	s28 =	sadd.s32 $0xFFFFFFF6, s5;
	[sflag:s2] =	ssyncset.done $0x0  }
0xcb: {  	v60 =	vmov s28;
	s26 =	simm.s32 $0xF880;
	[sflag:s2] =	ssyncadd.s32 $0xFFFFF000  }
0xcc: {  	v62 =	vshll.u32 v60, $0x3;
	v61 =	vld.idx.msk [tilespmem:v7+s26+$0x0], $0xffff  }
0xcd: {  	v11 =	vand.u32 $0xC00, v62;
	v9 =	vand.u32 $0x75, v60;
	v63 =	vld.idx.msk [tilespmem:v59+s26+$0x0], $0xffff  }
0xce: {  	v9 =	vor.u32 v9, v11;
	v7 =	vld.idx.msk [tilespmem:v7+s14+$0x0], $0xffff  }
0xcf: {  	v11 =	vor.u32 v3, v9;
	v8 =	vld.idx.msk [tilespmem:v59+s14+$0x0], $0xffff  }
0xd0: {  	v9 =	vor.u32 v4, v9;
	_ =	sdelay $0x2  }
0xd1: {  	v7 =	vpsel p0, v7, v61;
	s12 =	spop (v2sf)  }
0xd2: {  	v8 =	vpsel p0, v8, v63;
	[tilespmem:v11+s29+$0x0] =	vst.idx.msk $0xffff, v7;
	s11 =	sand.u32 $0xFFFFF80, s12  }
0xd3: {  	[tilespmem:v9+s29+$0x0] =	vst.idx.msk $0xffff, v8;
	s20 =	spop (v2sf);
	s11 =	sadd.s32 s0, s11  }
0xd4: {  	[tilespmem:s26], [sflag:$0x6] =	stream.strided.gather [hbm4b:s11+s18], $0x1000, s19, s18, $0x38;
	[tilespmem:$0x12880] =	vst v63  }
0xd5: {  	_ =	swait.ge [sflag:s13], $0x1000  }
0xd6: {  	(v2sf) =	vpush v5, $0x6  }
0xd7: {  	p0 =	sgt.s32 s20, $0xF41FF;
	s12 =	sadd.s32 $0xFFF0BE00, s20;
	s11 =	sand.u32 $0x7F, s20  }
0xd8: {  	s11 =	smov.u32 @p0 s12;
	(v2sf) =	vpush v6, $0x7  }
0xd9: {  	v7 =	vadd.s32 s11, v0  }
0xda: {  	v16 =	vadd.s32 s11, v2;
	_ =	sdelay $0x1  }
0xdb: {  	s28 =	sadd.s32 $0xFFFFFFF7, s5;
	[sflag:s13] =	ssyncset.done $0x0  }
0xdc: {  	v17 =	vmov s28;
	s28 =	simm.s32 $0x10880;
	[sflag:s13] =	ssyncadd.s32 $0xFFFFF000  }
0xdd: {  	v19 =	vshll.u32 v17, $0x3;
	v18 =	vld.idx.msk [tilespmem:v7+s28+$0x0], $0xffff  }
0xde: {  	v11 =	vand.u32 $0xC00, v19;
	v9 =	vand.u32 $0x76, v17;
	v20 =	vld.idx.msk [tilespmem:v16+s28+$0x0], $0xffff  }
0xdf: {  	v9 =	vor.u32 v9, v11;
	v7 =	vld.idx.msk [tilespmem:v7+s14+$0x0], $0xffff  }
0xe0: {  	v11 =	vor.u32 v3, v9;
	v8 =	vld.idx.msk [tilespmem:v16+s14+$0x0], $0xffff  }
0xe1: {  	v9 =	vor.u32 v4, v9;
	_ =	sdelay $0x2  }
0xe2: {  	v7 =	vpsel p0, v7, v18;
	s12 =	spop (v2sf)  }
0xe3: {  	v8 =	vpsel p0, v8, v20;
	[tilespmem:v11+s29+$0x0] =	vst.idx.msk $0xffff, v7;
	s11 =	sand.u32 $0xFFFFF80, s12  }
0xe4: {  	[tilespmem:v9+s29+$0x0] =	vst.idx.msk $0xffff, v8;
	s20 =	spop (v2sf);
	s11 =	sadd.s32 s0, s11  }
0xe5: {  	[tilespmem:s28], [sflag:$0x7] =	stream.strided.gather [hbm4b:s11+s18], $0x1000, s19, s18, $0x38;
	[tilespmem:$0x12880] =	vst v63  }
0xe6: {  	_ =	swait.ge [sflag:s6], $0x1000  }
0xe7: {  	(v2sf) =	vpush v5, $0x7  }
0xe8: {  	p0 =	sgt.s32 s20, $0xF41FF;
	s12 =	sadd.s32 $0xFFF0BE00, s20;
	s11 =	sand.u32 $0x7F, s20  }
0xe9: {  	s11 =	smov.u32 @p0 s12  }
0xea: {  	v7 =	vadd.s32 s11, v0  }
0xeb: {  	v21 =	vadd.s32 s11, v2;
	(v2sf) =	vpush v6, $0x8;
	_ =	sdelay $0x1  }
0xec: {  	s20 =	sadd.s32 $0xFFFFFFF8, s5;
	[sflag:s6] =	ssyncset.done $0x0  }
0xed: {  	v22 =	vmov s20;
	[sflag:s6] =	ssyncadd.s32 $0xFFFFF000  }
0xee: {  	v24 =	vshll.u32 v22, $0x3;
	v23 =	vld.idx.msk [tilespmem:v7+s17+$0x0], $0xffff  }
0xef: {  	v9 =	vand.u32 $0x77, v22;
	v11 =	vand.u32 $0xC00, v24;
	v25 =	vld.idx.msk [tilespmem:v21+s17+$0x0], $0xffff  }
0xf0: {  	v9 =	vor.u32 v9, v11;
	v7 =	vld.idx.msk [tilespmem:v7+s14+$0x0], $0xffff  }
0xf1: {  	v11 =	vor.u32 v3, v9;
	v8 =	vld.idx.msk [tilespmem:v21+s14+$0x0], $0xffff  }
0xf2: {  	v9 =	vor.u32 v4, v9;
	_ =	sdelay $0x2  }
0xf3: {  	v7 =	vpsel p0, v7, v23;
	s12 =	spop (v2sf)  }
0xf4: {  	v8 =	vpsel p0, v8, v25;
	[tilespmem:v11+s29+$0x0] =	vst.idx.msk $0xffff, v7;
	s11 =	sand.u32 $0xFFFFF80, s12  }
0xf5: {  	[tilespmem:v9+s29+$0x0] =	vst.idx.msk $0xffff, v8;
	s11 =	sadd.s32 s0, s11  }
0xf6: {  	[tilespmem:s17], [sflag:$0x8] =	stream.strided.gather [hbm4b:s11+s18], $0x1000, s19, s18, $0x38;
	[tilespmem:$0x12880] =	vst v63  }
0xf7: {  	s17 =	spop (v2sf)  }
0xf8: {  	p0 =	seq.s32 s5, $0x1FF;
	_ =	swait.ge [sflag:s15], $0x1000  }
0xf9: {  	(v2sf) =	vpush @!p0 v5, $0x8  }
0xfa: {  	p1 =	sgt.s32 s17, $0xF41FF;
	s12 =	sadd.s32 $0xFFF0BE00, s17;
	s11 =	sand.u32 $0x7F, s17  }
0xfb: {  	s11 =	smov.u32 @p1 s12;
	(v2sf) =	vpush v6, $0x9  }
0xfc: {  	v7 =	vadd.s32 s11, v0  }
0xfd: {  	v26 =	vadd.s32 s11, v2;
	_ =	sdelay $0x1  }
0xfe: {  	s20 =	sadd.s32 $0xFFFFFFF9, s5;
	[sflag:s15] =	ssyncset.done $0x0  }
0xff: {  	v27 =	vmov s20;
	[sflag:s15] =	ssyncadd.s32 $0xFFFFF000  }
0x100: {  	v29 =	vshll.u32 v27, $0x3;
	v28 =	vld.idx.msk [tilespmem:v7+s7+$0x0], $0xffff  }
0x101: {  	v11 =	vand.u32 $0xC00, v29;
	v9 =	vand.u32 $0x78, v27;
	v30 =	vld.idx.msk [tilespmem:v26+s7+$0x0], $0xffff  }
0x102: {  	v9 =	vor.u32 v9, v11;
	v7 =	vld.idx.msk [tilespmem:v7+s14+$0x0], $0xffff  }
0x103: {  	v11 =	vor.u32 v3, v9;
	v8 =	vld.idx.msk [tilespmem:v26+s14+$0x0], $0xffff  }
0x104: {  	v9 =	vor.u32 v4, v9;
	_ =	sdelay $0x2  }
0x105: {  	s17 =	simm.s32 @!p0 $0xA880;
	v7 =	vpsel p1, v7, v28;
	s11 =	spop @!p0 (v2sf)  }
0x106: {  	s12 =	simm.s32 @!p0 $0x7A1400;
	v8 =	vpsel p1, v8, v30;
	[tilespmem:v11+s29+$0x0] =	vst.idx.msk $0xffff, v7;
	s11 =	sand.u32 @!p0 $0xFFFFF80, s11  }
0x107: {  	[tilespmem:v9+s29+$0x0] =	vst.idx.msk $0xffff, v8;
	s7 =	spop (v2sf);
	s15 =	sadd.s32 @!p0 s0, s11;
	s11 =	simm.s32 @!p0 $0x400  }
0x108: {  	[tilespmem:s17], [sflag:$0x1] =	stream.strided.gather @!p0 [hbm4b:s15+s11], $0x1000, s12, s11, $0x38;
	[tilespmem:$0x12880] =	vst v63  }
0x109: {  	_ =	swait.ge [sflag:s22], $0x1000  }
0x10a: {  	(v2sf) =	vpush @!p0 v5, $0x9  }
0x10b: {  	p1 =	sgt.s32 s7, $0xF41FF;
	s17 =	sadd.s32 $0xFFF0BE00, s7;
	s15 =	sand.u32 $0x7F, s7  }
0x10c: {  	s15 =	smov.u32 @p1 s17;
	(v2sf) =	vpush v6, $0xA  }
0x10d: {  	v7 =	vadd.s32 s15, v0  }
0x10e: {  	v31 =	vadd.s32 s15, v2;
	_ =	sdelay $0x1  }
0x10f: {  	s17 =	sadd.s32 $0xFFFFFFFA, s5;
	[sflag:s22] =	ssyncset.done $0x0  }
0x110: {  	v32 =	vmov s17;
	[sflag:s22] =	ssyncadd.s32 $0xFFFFF000  }
0x111: {  	v34 =	vshll.u32 v32, $0x3;
	v33 =	vld.idx.msk [tilespmem:v7+s21+$0x0], $0xffff  }
0x112: {  	v9 =	vand.u32 $0x79, v32;
	v11 =	vand.u32 $0xC00, v34;
	v35 =	vld.idx.msk [tilespmem:v31+s21+$0x0], $0xffff  }
0x113: {  	v9 =	vor.u32 v9, v11;
	v7 =	vld.idx.msk [tilespmem:v7+s14+$0x0], $0xffff  }
0x114: {  	v11 =	vor.u32 v3, v9;
	v8 =	vld.idx.msk [tilespmem:v31+s14+$0x0], $0xffff  }
0x115: {  	v9 =	vor.u32 v4, v9;
	_ =	sdelay $0x2  }
0x116: {  	v7 =	vpsel p1, v7, v33;
	s15 =	spop @!p0 (v2sf)  }
0x117: {  	v8 =	vpsel p1, v8, v35;
	[tilespmem:v11+s29+$0x0] =	vst.idx.msk $0xffff, v7;
	s15 =	sand.u32 @!p0 $0xFFFFF80, s15  }
0x118: {  	s17 =	simm.s32 @!p0 $0xB880;
	[tilespmem:v9+s29+$0x0] =	vst.idx.msk $0xffff, v8;
	s7 =	spop (v2sf);
	s15 =	sadd.s32 @!p0 s0, s15  }
0x119: {  	[tilespmem:s17], [sflag:$0x2] =	stream.strided.gather @!p0 [hbm4b:s15+s11], $0x1000, s12, s11, $0x38;
	[tilespmem:$0x12880] =	vst v63  }
0x11a: {  	_ =	swait.ge [sflag:s3], $0x1000  }
0x11b: {  	(v2sf) =	vpush @!p0 v5, $0xA  }
0x11c: {  	p1 =	sgt.s32 s7, $0xF41FF;
	s17 =	sadd.s32 $0xFFF0BE00, s7;
	s15 =	sand.u32 $0x7F, s7  }
0x11d: {  	s15 =	smov.u32 @p1 s17;
	(v2sf) =	vpush v6, $0xB  }
0x11e: {  	v7 =	vadd.s32 s15, v0  }
0x11f: {  	v36 =	vadd.s32 s15, v2;
	_ =	sdelay $0x1  }
0x120: {  	s21 =	sadd.s32 $0xFFFFFFFB, s5;
	[sflag:s3] =	ssyncset.done $0x0  }
0x121: {  	v37 =	vmov s21;
	[sflag:s3] =	ssyncadd.s32 $0xFFFFF000  }
0x122: {  	v39 =	vshll.u32 v37, $0x3;
	v38 =	vld.idx.msk [tilespmem:v7+s23+$0x0], $0xffff  }
0x123: {  	v11 =	vand.u32 $0xC00, v39;
	v9 =	vand.u32 $0x7A, v37;
	v40 =	vld.idx.msk [tilespmem:v36+s23+$0x0], $0xffff  }
0x124: {  	v9 =	vor.u32 v9, v11;
	v7 =	vld.idx.msk [tilespmem:v7+s14+$0x0], $0xffff  }
0x125: {  	v11 =	vor.u32 v3, v9;
	v8 =	vld.idx.msk [tilespmem:v36+s14+$0x0], $0xffff  }
0x126: {  	v9 =	vor.u32 v4, v9;
	_ =	sdelay $0x2  }
0x127: {  	v7 =	vpsel p1, v7, v38;
	s15 =	spop @!p0 (v2sf)  }
0x128: {  	v8 =	vpsel p1, v8, v40;
	[tilespmem:v11+s29+$0x0] =	vst.idx.msk $0xffff, v7;
	s15 =	sand.u32 @!p0 $0xFFFFF80, s15  }
0x129: {  	s17 =	simm.s32 @!p0 $0xC880;
	[tilespmem:v9+s29+$0x0] =	vst.idx.msk $0xffff, v8;
	s23 =	spop (v2sf);
	s15 =	sadd.s32 @!p0 s0, s15  }
0x12a: {  	[tilespmem:s17], [sflag:$0x3] =	stream.strided.gather @!p0 [hbm4b:s15+s11], $0x1000, s12, s11, $0x38;
	[tilespmem:$0x12880] =	vst v63  }
0x12b: {  	_ =	swait.ge [sflag:s4], $0x1000  }
0x12c: {  	(v2sf) =	vpush @!p0 v5, $0xB  }
0x12d: {  	p1 =	sgt.s32 s23, $0xF41FF;
	s17 =	sadd.s32 $0xFFF0BE00, s23;
	s15 =	sand.u32 $0x7F, s23  }
0x12e: {  	s15 =	smov.u32 @p1 s17;
	(v2sf) =	vpush v6, $0xC  }
0x12f: {  	v7 =	vadd.s32 s15, v0  }
0x130: {  	v41 =	vadd.s32 s15, v2;
	_ =	sdelay $0x1  }
0x131: {  	s3 =	sadd.s32 $0xFFFFFFFC, s5;
	[sflag:s4] =	ssyncset.done $0x0  }
0x132: {  	v42 =	vmov s3;
	[sflag:s4] =	ssyncadd.s32 $0xFFFFF000  }
0x133: {  	v44 =	vshll.u32 v42, $0x3;
	v43 =	vld.idx.msk [tilespmem:v7+s24+$0x0], $0xffff  }
0x134: {  	v11 =	vand.u32 $0xC00, v44;
	v9 =	vand.u32 $0x7B, v42;
	v45 =	vld.idx.msk [tilespmem:v41+s24+$0x0], $0xffff  }
0x135: {  	v9 =	vor.u32 v9, v11;
	v7 =	vld.idx.msk [tilespmem:v7+s14+$0x0], $0xffff  }
0x136: {  	v11 =	vor.u32 v3, v9;
	v8 =	vld.idx.msk [tilespmem:v41+s14+$0x0], $0xffff  }
0x137: {  	v9 =	vor.u32 v4, v9;
	_ =	sdelay $0x2  }
0x138: {  	v7 =	vpsel p1, v7, v43;
	s15 =	spop @!p0 (v2sf)  }
0x139: {  	v8 =	vpsel p1, v8, v45;
	[tilespmem:v11+s29+$0x0] =	vst.idx.msk $0xffff, v7;
	s15 =	sand.u32 @!p0 $0xFFFFF80, s15  }
0x13a: {  	s17 =	simm.s32 @!p0 $0xD880;
	[tilespmem:v9+s29+$0x0] =	vst.idx.msk $0xffff, v8;
	s7 =	spop (v2sf);
	s15 =	sadd.s32 @!p0 s0, s15  }
0x13b: {  	[tilespmem:s17], [sflag:$0x4] =	stream.strided.gather @!p0 [hbm4b:s15+s11], $0x1000, s12, s11, $0x38;
	[tilespmem:$0x12880] =	vst v63  }
0x13c: {  	_ =	swait.ge [sflag:s30], $0x1000  }
0x13d: {  	(v2sf) =	vpush @!p0 v5, $0xC  }
0x13e: {  	p1 =	sgt.s32 s7, $0xF41FF;
	s17 =	sadd.s32 $0xFFF0BE00, s7;
	s15 =	sand.u32 $0x7F, s7  }
0x13f: {  	s15 =	smov.u32 @p1 s17;
	(v2sf) =	vpush v6, $0xD  }
0x140: {  	v7 =	vadd.s32 s15, v0  }
0x141: {  	v46 =	vadd.s32 s15, v2;
	_ =	sdelay $0x1  }
0x142: {  	s24 =	sadd.s32 $0xFFFFFFFD, s5;
	[sflag:s30] =	ssyncset.done $0x0  }
0x143: {  	v47 =	vmov s24;
	[sflag:s30] =	ssyncadd.s32 $0xFFFFF000  }
0x144: {  	v49 =	vshll.u32 v47, $0x3;
	v48 =	vld.idx.msk [tilespmem:v7+s25+$0x0], $0xffff  }
0x145: {  	v11 =	vand.u32 $0xC00, v49;
	v9 =	vand.u32 $0x7C, v47;
	v50 =	vld.idx.msk [tilespmem:v46+s25+$0x0], $0xffff  }
0x146: {  	v9 =	vor.u32 v9, v11;
	v7 =	vld.idx.msk [tilespmem:v7+s14+$0x0], $0xffff  }
0x147: {  	v11 =	vor.u32 v3, v9;
	v8 =	vld.idx.msk [tilespmem:v46+s14+$0x0], $0xffff  }
0x148: {  	v9 =	vor.u32 v4, v9;
	_ =	sdelay $0x2  }
0x149: {  	v7 =	vpsel p1, v7, v48;
	s15 =	spop @!p0 (v2sf)  }
0x14a: {  	v8 =	vpsel p1, v8, v50;
	[tilespmem:v11+s29+$0x0] =	vst.idx.msk $0xffff, v7;
	s15 =	sand.u32 @!p0 $0xFFFFF80, s15  }
0x14b: {  	s17 =	simm.s32 @!p0 $0xE880;
	[tilespmem:v9+s29+$0x0] =	vst.idx.msk $0xffff, v8;
	s3 =	spop (v2sf);
	s15 =	sadd.s32 @!p0 s0, s15  }
0x14c: {  	[tilespmem:s17], [sflag:$0x5] =	stream.strided.gather @!p0 [hbm4b:s15+s11], $0x1000, s12, s11, $0x38;
	[tilespmem:$0x12880] =	vst v63  }
0x14d: {  	_ =	swait.ge [sflag:s2], $0x1000  }
0x14e: {  	(v2sf) =	vpush @!p0 v5, $0xD  }
0x14f: {  	p1 =	sgt.s32 s3, $0xF41FF;
	s17 =	sadd.s32 $0xFFF0BE00, s3;
	s15 =	sand.u32 $0x7F, s3  }
0x150: {  	s15 =	smov.u32 @p1 s17;
	(v2sf) =	vpush v6, $0xE  }
0x151: {  	v7 =	vadd.s32 s15, v0  }
0x152: {  	v51 =	vadd.s32 s15, v2;
	_ =	sdelay $0x1  }
0x153: {  	s4 =	sadd.s32 $0xFFFFFFFE, s5;
	[sflag:s2] =	ssyncset.done $0x0  }
0x154: {  	v52 =	vmov s4;
	[sflag:s2] =	ssyncadd.s32 $0xFFFFF000  }
0x155: {  	v54 =	vshll.u32 v52, $0x3;
	v53 =	vld.idx.msk [tilespmem:v7+s26+$0x0], $0xffff  }
0x156: {  	v11 =	vand.u32 $0xC00, v54;
	v9 =	vand.u32 $0x7D, v52;
	v55 =	vld.idx.msk [tilespmem:v51+s26+$0x0], $0xffff  }
0x157: {  	v9 =	vor.u32 v9, v11;
	v7 =	vld.idx.msk [tilespmem:v7+s14+$0x0], $0xffff  }
0x158: {  	v11 =	vor.u32 v3, v9;
	v8 =	vld.idx.msk [tilespmem:v51+s14+$0x0], $0xffff  }
0x159: {  	v9 =	vor.u32 v4, v9;
	_ =	sdelay $0x2  }
0x15a: {  	v7 =	vpsel p1, v7, v53;
	s15 =	spop @!p0 (v2sf)  }
0x15b: {  	v8 =	vpsel p1, v8, v55;
	[tilespmem:v11+s29+$0x0] =	vst.idx.msk $0xffff, v7;
	s15 =	sand.u32 @!p0 $0xFFFFF80, s15  }
0x15c: {  	s17 =	simm.s32 @!p0 $0xF880;
	[tilespmem:v9+s29+$0x0] =	vst.idx.msk $0xffff, v8;
	s7 =	spop (v2sf);
	s15 =	sadd.s32 @!p0 s0, s15  }
0x15d: {  	[tilespmem:s17], [sflag:$0x6] =	stream.strided.gather @!p0 [hbm4b:s15+s11], $0x1000, s12, s11, $0x38;
	[tilespmem:$0x12880] =	vst v63  }
0x15e: {  	_ =	swait.ge [sflag:s13], $0x1000  }
0x15f: {  	(v2sf) =	vpush @!p0 v5, $0xE  }
0x160: {  	(v2sf) =	vpush v6, $0xF;
	_ =	sdelay $0x1  }
0x161: {  	p2 =	sgt.s32 s7, $0xF41FF;
	s17 =	sadd.s32 $0xFFF0BE00, s7;
	s15 =	sand.u32 $0x7F, s7  }
0x162: {  	s15 =	smov.u32 @p2 s17  }
0x163: {  	v7 =	vadd.s32 s15, v2  }
0x164: {  	v6 =	vadd.s32 s15, v0;
	_ =	sdelay $0x1  }
0x165: {  	s26 =	sadd.s32 $0xFFFFFFFF, s5;
	[sflag:s13] =	ssyncset.done $0x0  }
0x166: {  	v56 =	vmov s26;
	[sflag:s13] =	ssyncadd.s32 $0xFFFFF000  }
0x167: {  	v58 =	vshll.u32 v56, $0x3;
	v59 =	vld.idx.msk [tilespmem:v7+s28+$0x0], $0xffff  }
0x168: {  	v10 =	vand.u32 $0xC00, v58;
	v8 =	vand.u32 $0x7E, v56;
	v57 =	vld.idx.msk [tilespmem:v6+s28+$0x0], $0xffff  }
0x169: {  	v8 =	vor.u32 v8, v10;
	v6 =	vld.idx.msk [tilespmem:v6+s14+$0x0], $0xffff  }
0x16a: {  	v10 =	vor.u32 v3, v8;
	v7 =	vld.idx.msk [tilespmem:v7+s14+$0x0], $0xffff  }
0x16b: {  	v8 =	vor.u32 v4, v8  }
0x16c: {  	s15 =	spop @!p0 (v2sf)  }
0x16d: {  	s30 =	spop (v2sf)  }
0x16e: {  	v6 =	vpsel p2, v6, v57;
	p1 =	sgt.s32 s30, $0xF41FF;
	s7 =	sadd.s32 $0xFFF0BE00, s30;
	s17 =	sand.u32 $0x7F, s30  }
0x16f: {  	v7 =	vpsel p2, v7, v59;
	[tilespmem:v10+s29+$0x0] =	vst.idx.msk $0xffff, v6;
	s15 =	sand.u32 @!p0 $0xFFFFF80, s15;
	s17 =	smov.u32 @p1 s7  }
0x170: {  	[tilespmem:v8+s29+$0x0] =	vst.idx.msk $0xffff, v7;
	s7 =	sadd.s32 @!p0 s0, s15;
	s15 =	simm.s32 @!p0 $0x10880;
	v6 =	vadd.s32 s17, v0  }
0x171: {  	[tilespmem:s15], [sflag:$0x7] =	stream.strided.gather @!p0 [hbm4b:s7+s11], $0x1000, s12, s11, $0x38;
	v7 =	vadd.s32 s17, v2;
	[tilespmem:$0x12880] =	vst v63  }
0x172: {  	_ =	swait.ge [sflag:s6], $0x1000  }
0x173: {  	[sflag:s6] =	ssyncset.done $0x0  }
0x174: {  	v60 =	vmov s5;
	s17 =	simm.s32 $0x11880;
	[sflag:s6] =	ssyncadd.s32 $0xFFFFF000  }
0x175: {  	v62 =	vshll.u32 v60, $0x3;
	v61 =	vld.idx.msk [tilespmem:v6+s17+$0x0], $0xffff  }
0x176: {  	v10 =	vand.u32 $0xC00, v62;
	v8 =	vand.u32 $0x7F, v60;
	v63 =	vld.idx.msk [tilespmem:v7+s17+$0x0], $0xffff  }
0x177: {  	v8 =	vor.u32 v8, v10;
	v6 =	vld.idx.msk [tilespmem:v6+s14+$0x0], $0xffff  }
0x178: {  	v10 =	vor.u32 v3, v8;
	v7 =	vld.idx.msk [tilespmem:v7+s14+$0x0], $0xffff  }
0x179: {  	v8 =	vor.u32 v4, v8  }
.Ltmp3:
0x17a: {  	_ = 	snop;
	(pc) =	sbr.rel @p0 .LBB2_6-.Ltmp3, $4  }
0x17b: {  	_ = 	snop  }
0x17c: {  	s20 =	simm.s32 $0xA880;
	v6 =	vpsel p1, v6, v61  }
0x17d: {  	s22 =	simm.s32 $0xB880;
	s21 =	simm.s32 $0xC880;
	s23 =	simm.s32 $0xD880;
	v7 =	vpsel p1, v7, v63;
	[tilespmem:v10+s29+$0x0] =	vst.idx.msk $0xffff, v6  }
0x17e: {  	s24 =	simm.s32 $0xE880;
	s25 =	simm.s32 $0xF880;
	s26 =	simm.s32 $0x10880;
	[tilespmem:v8+s29+$0x0] =	vst.idx.msk $0xffff, v7  }
0x17f: {  	(v2sf) =	vpush v5, $0xF;
	_ =	sdelay $0xd  }
.Ltmp4:
0x180: {  	_ = 	snop;
	(pc) =	sbr.rel .LBB2_4-.Ltmp4, $4  }
0x181: {  	s7 =	spop (v2sf)  }
0x182: {  	s5 =	sadd.s32 $0x10, s5;
	s7 =	sand.u32 $0xFFFFF80, s7  }
0x183: {  	s9 =	sadd.s32 $0x10, s9;
	s10 =	sadd.s32 $0x10, s10;
	s7 =	sadd.s32 s0, s7  }
0x184: {  	[tilespmem:s17], [sflag:$0x8] =	stream.strided.gather [hbm4b:s7+s18], $0x1000, s19, s18, $0x38;
	[tilespmem:$0x12880] =	vst v63  }
.LBB2_6:
0x185: {  	s5 =	simm.s32 $0x0  }
0x186: {  	v5 =	vld [tilespmem:s5+$0x200]  }
0x187: {  	s9 =	simm.s32 $0x40  }
.LBB2_7:
0x188: {  	p0 =	sne.s32 s9, $0x7C0  }
.Ltmp5:
0x189: {  	_ = 	snop;
	(pc) =	sbr.rel @p0 .LBB2_7-.Ltmp5, $4  }
0x18a: {  	_ = 	snop  }
0x18b: {  	s7 =	sshra.s32 s9, $0x2;
	s9 =	sadd.s32 $0x40, s9;
	v6 =	vand.u32 $0xFFFFFF80, v5;
	vm13 =	vgt.s32 v5, $0x1867F  }
0x18c: {  	v5 =	vld [tilespmem:s7+$0x200];
	v6 =	vsel vm13, $0x0, v6  }
0x18d: {  	[tilespmem:s5+$0x400] =	vst v6;
	s5 =	smov.u32 s7  }
0x18e: {  	_ =	sdelay $0x2  }
0x18f: {  	v6 =	vand.u32 $0xFFFFFF80, v5;
	vm13 =	vgt.s32 v5, $0x1867F  }
0x190: {  	v5 =	vsel vm13, $0x0, v6  }
0x191: {  	[tilespmem:s5+$0x400] =	vst v5  }
0x192: {  	v5 =	vld [tilespmem:$0x400];
	_ =	sdelay $0x4  }
0x193: {  	(v2sf) =	vpush v5, $0x0;
	_ =	sdelay $0x1  }
0x194: {  	(v2sf) =	vpush v5, $0x1;
	_ =	sdelay $0x2  }
0x195: {  	(v2sf) =	vpush v5, $0x2;
	_ =	sdelay $0x2  }
0x196: {  	(v2sf) =	vpush v5, $0x3  }
0x197: {  	(v2sf) =	vpush v5, $0x4;
	_ =	sdelay $0x5  }
0x198: {  	s9 =	spop (v2sf);
	(v2sf) =	vpush v5, $0x5;
	_ =	sdelay $0x1  }
0x199: {  	s5 =	sand.u32 $0xFFFFF80, s9;
	s10 =	spop (v2sf);
	(v2sf) =	vpush v5, $0x6  }
0x19a: {  	s7 =	simm.s32 $0xC3800;
	[tilespmem:$0x600] =	vst v1;
	s5 =	sadd.s32 s1, s5  }
0x19b: {  	[tilespmem:s20], [sflag:$0x1] =	stream.strided.gather [hbm4b:s5+s18], $0x1000, s7, s18, $0x38;
	[tilespmem:$0x12880] =	vst v63  }
0x19c: {  	s11 =	spop (v2sf);
	(v2sf) =	vpush v5, $0x7;
	s5 =	sand.u32 $0xFFFFF80, s10  }
0x19d: {  	s20 =	simm.s32 $0xC3800;
	s5 =	sadd.s32 s1, s5  }
0x19e: {  	[tilespmem:s22], [sflag:$0x2] =	stream.strided.gather [hbm4b:s5+s18], $0x1000, s20, s18, $0x38;
	[tilespmem:$0x12880] =	vst v63  }
0x19f: {  	s12 =	spop (v2sf);
	s5 =	sand.u32 $0xFFFFF80, s11  }
0x1a0: {  	s15 =	sand.u32 $0xFFFFF80, s12;
	s19 =	spop (v2sf);
	s5 =	sadd.s32 s1, s5  }
0x1a1: {  	[tilespmem:s21], [sflag:$0x3] =	stream.strided.gather [hbm4b:s5+s18], $0x1000, s20, s18, $0x38;
	[tilespmem:$0x12880] =	vst v63  }
0x1a2: {  	s5 =	sadd.s32 s1, s15;
	s21 =	sand.u32 $0xFFFFF80, s19  }
0x1a3: {  	[tilespmem:s23], [sflag:$0x4] =	stream.strided.gather [hbm4b:s5+s18], $0x1000, s20, s18, $0x38;
	[tilespmem:$0x12880] =	vst v63  }
0x1a4: {  	s5 =	sadd.s32 s1, s21  }
0x1a5: {  	[tilespmem:s24], [sflag:$0x5] =	stream.strided.gather [hbm4b:s5+s18], $0x1000, s20, s18, $0x38;
	[tilespmem:$0x12880] =	vst v63  }
0x1a6: {  	s22 =	spop (v2sf)  }
0x1a7: {  	s23 =	sand.u32 $0xFFFFF80, s22  }
0x1a8: {  	s24 =	spop (v2sf);
	s5 =	sadd.s32 s1, s23  }
0x1a9: {  	[tilespmem:s25], [sflag:$0x6] =	stream.strided.gather [hbm4b:s5+s18], $0x1000, s20, s18, $0x38;
	[tilespmem:$0x12880] =	vst v63  }
0x1aa: {  	s25 =	sand.u32 $0xFFFFF80, s24  }
0x1ab: {  	s28 =	spop (v2sf);
	s5 =	sadd.s32 s1, s25  }
0x1ac: {  	[tilespmem:s26], [sflag:$0x7] =	stream.strided.gather [hbm4b:s5+s18], $0x1000, s20, s18, $0x38;
	[tilespmem:$0x12880] =	vst v63  }
0x1ad: {  	s3 =	simm.s32 $0x408;
	s5 =	sand.u32 $0xFFFFF80, s28  }
0x1ae: {  	s4 =	simm.s32 $0xA680;
	s30 =	simm.s32 $0x11880;
	s5 =	sadd.s32 s1, s5  }
0x1af: {  	[tilespmem:s17], [sflag:$0x8] =	stream.strided.gather [hbm4b:s5+s18], $0x1000, s20, s18, $0x38;
	[tilespmem:$0x12880] =	vst v63  }
0x1b0: {  	[dreg:$0x11] =	wrdreg s4;
	s15 =	simm.s32 $0xF;
	s5 =	simm.s32 $0x200  }
.LBB2_9:
0x1b1: {  	v6 =	vld [tilespmem:s5+$0x0];
	_ =	sdelay $0x4  }
0x1b2: {  	(v2sf) =	vpush v6, $0x0;
	_ =	sdelay $0xe  }
0x1b3: {  	s7 =	spop (v2sf)  }
0x1b4: {  	p0 =	sgt.s32 s7, $0x1867F;
	s11 =	sadd.s32 $0xFFFE7980, s7;
	s7 =	sand.u32 $0x7F, s7  }
0x1b5: {  	s7 =	smov.u32 @p0 s11  }
0x1b6: {  	v7 =	vadd.s32 s7, v0  }
0x1b7: {  	s19 =	simm.s32 $0x1;
	v8 =	vadd.s32 s7, v2  }
0x1b8: {  	v5 =	vld [tilespmem:s3+$0x0];
	_ =	swait.ge [sflag:s19], $0x1000  }
0x1b9: {  	s25 =	sadd.s32 $0xFFFFFFF1, s15;
	[sflag:s19] =	ssyncset.done $0x0  }
0x1ba: {  	s17 =	simm.s32 $0xA880;
	v9 =	vmov s25;
	[sflag:s19] =	ssyncadd.s32 $0xFFFFF000  }
0x1bb: {  	v11 =	vshll.u32 v9, $0x3;
	v10 =	vld.idx.msk [tilespmem:v7+s17+$0x0], $0xffff  }
0x1bc: {  	v9 =	vand.u32 $0x70, v9;
	v11 =	vand.u32 $0xC00, v11;
	v12 =	vld.idx.msk [tilespmem:v8+s17+$0x0], $0xffff  }
0x1bd: {  	v9 =	vor.u32 v9, v11;
	v7 =	vld.idx.msk [tilespmem:v7+s16+$0x0], $0xffff  }
0x1be: {  	v11 =	vor.u32 v3, v9;
	v8 =	vld.idx.msk [tilespmem:v8+s16+$0x0], $0xffff  }
0x1bf: {  	v9 =	vor.u32 v4, v9;
	_ =	sdelay $0x2  }
0x1c0: {  	v7 =	vpsel p0, v7, v10  }
0x1c1: {  	v8 =	vpsel p0, v8, v12;
	[tilespmem:v11+s8+$0x0] =	vst.idx.msk $0xffff, v7  }
0x1c2: {  	[tilespmem:v9+s8+$0x0] =	vst.idx.msk $0xffff, v8  }
0x1c3: {  	(v2sf) =	vpush v5, $0x0;
	v59 =	vld.idx.msk [tilespmem:v11+s29+$0x0], $0xffff  }
0x1c4: {  	(v2sf) =	vpush v6, $0x1;
	v9 =	vld.idx.msk [tilespmem:v9+s29+$0x0], $0xffff;
	_ =	sdelay $0x4  }
0x1c5: {  	v7 =	vmul.f32 v59, v7;
	v8 =	vmul.f32 v9, v8;
	_ =	sdelay $0x1  }
0x1c6: {  	v7 =	vadd.f32 v8, v7;
	_ =	sdelay $0x1  }
0x1c7: {  	(xrf2) =	vadd.scan.msk.f32 $0xffff, v7;
	_ =	sdelay $0x4  }
0x1c8: {  	s26 =	spop (v2sf)  }
0x1c9: {  	s28 =	spop (v2sf)  }
0x1ca: {  	p0 =	sgt.s32 s28, $0x1867F;
	s12 =	sadd.s32 $0xFFFE7980, s28;
	s11 =	sand.u32 $0x7F, s28  }
0x1cb: {  	s7 =	sand.u32 $0xFFFFF80, s26;
	s11 =	smov.u32 @p0 s12  }
0x1cc: {  	s21 =	simm.s32 $0x2;
	s7 =	sadd.s32 s1, s7;
	v8 =	vadd.s32 s11, v0  }
0x1cd: {  	[tilespmem:s17], [sflag:$0x1] =	stream.strided.gather [hbm4b:s7+s18], $0x1000, s20, s18, $0x38;
	v60 =	vadd.s32 s11, v2;
	v7, _, _ =	vpop (xrf2);
	[tilespmem:$0x12880] =	vst v63  }
0x1ce: {  	_ =	swait.ge [sflag:s21], $0x1000  }
0x1cf: {  	s10 =	smov.u32 s3;
	s3 =	sadd.s32 $0xFFFFFFF2, s15;
	[sflag:s21] =	ssyncset.done $0x0  }
0x1d0: {  	s22 =	simm.s32 $0xB880;
	v61 =	vmov s3;
	[sflag:s21] =	ssyncadd.s32 $0xFFFFF000  }
0x1d1: {  	v63 =	vshll.u32 v61, $0x3;
	v62 =	vld.idx.msk [tilespmem:v8+s22+$0x0], $0xffff  }
0x1d2: {  	v10 =	vand.u32 $0x71, v61;
	v12 =	vand.u32 $0xC00, v63;
	v13 =	vld.idx.msk [tilespmem:v60+s22+$0x0], $0xffff  }
0x1d3: {  	v10 =	vor.u32 v10, v12;
	v8 =	vld.idx.msk [tilespmem:v8+s16+$0x0], $0xffff  }
0x1d4: {  	v12 =	vor.u32 v3, v10;
	v9 =	vld.idx.msk [tilespmem:v60+s16+$0x0], $0xffff  }
0x1d5: {  	v10 =	vor.u32 v4, v10;
	_ =	sdelay $0x2  }
0x1d6: {  	v8 =	vpsel p0, v8, v62  }
0x1d7: {  	v9 =	vpsel p0, v9, v13;
	[tilespmem:v12+s8+$0x0] =	vst.idx.msk $0xffff, v8  }
0x1d8: {  	[tilespmem:v10+s8+$0x0] =	vst.idx.msk $0xffff, v9  }
0x1d9: {  	(v2sf) =	vpush v5, $0x1;
	v16 =	vld.idx.msk [tilespmem:v12+s29+$0x0], $0xffff  }
0x1da: {  	(v2sf) =	vpush v6, $0x2;
	v10 =	vld.idx.msk [tilespmem:v10+s29+$0x0], $0xffff;
	_ =	sdelay $0x4  }
0x1db: {  	v8 =	vmul.f32 v16, v8;
	v9 =	vmul.f32 v10, v9;
	_ =	sdelay $0x1  }
0x1dc: {  	v8 =	vadd.f32 v9, v8;
	_ =	sdelay $0x1  }
0x1dd: {  	(xrf2) =	vadd.scan.msk.f32 $0xffff, v8;
	_ =	sdelay $0x4  }
0x1de: {  	s4 =	spop (v2sf)  }
0x1df: {  	s9 =	spop (v2sf)  }
0x1e0: {  	p0 =	sgt.s32 s9, $0x1867F;
	s12 =	sadd.s32 $0xFFFE7980, s9;
	s11 =	sand.u32 $0x7F, s9  }
0x1e1: {  	s7 =	sand.u32 $0xFFFFF80, s4;
	s11 =	smov.u32 @p0 s12  }
0x1e2: {  	s3 =	simm.s32 $0x3;
	s7 =	sadd.s32 s1, s7;
	v17 =	vadd.s32 s11, v0  }
0x1e3: {  	[tilespmem:s22], [sflag:$0x2] =	stream.strided.gather [hbm4b:s7+s18], $0x1000, s20, s18, $0x38;
	v18 =	vadd.s32 s11, v2;
	v8, _, _ =	vpop (xrf2);
	[tilespmem:$0x12880] =	vst v63  }
0x1e4: {  	_ =	swait.ge [sflag:s3], $0x1000  }
0x1e5: {  	s23 =	sadd.s32 $0xFFFFFFF3, s15;
	[sflag:s3] =	ssyncset.done $0x0  }
0x1e6: {  	v19 =	vmov s23;
	s23 =	simm.s32 $0xC880;
	[sflag:s3] =	ssyncadd.s32 $0xFFFFF000  }
0x1e7: {  	v21 =	vshll.u32 v19, $0x3;
	v20 =	vld.idx.msk [tilespmem:v17+s23+$0x0], $0xffff  }
0x1e8: {  	v11 =	vand.u32 $0x72, v19;
	v13 =	vand.u32 $0xC00, v21;
	v14 =	vld.idx.msk [tilespmem:v18+s23+$0x0], $0xffff  }
0x1e9: {  	v11 =	vor.u32 v11, v13;
	v9 =	vld.idx.msk [tilespmem:v17+s16+$0x0], $0xffff  }
0x1ea: {  	v13 =	vor.u32 v3, v11;
	v10 =	vld.idx.msk [tilespmem:v18+s16+$0x0], $0xffff  }
0x1eb: {  	v11 =	vor.u32 v4, v11;
	_ =	sdelay $0x2  }
0x1ec: {  	v9 =	vpsel p0, v9, v20  }
0x1ed: {  	v10 =	vpsel p0, v10, v14;
	[tilespmem:v13+s8+$0x0] =	vst.idx.msk $0xffff, v9  }
0x1ee: {  	[tilespmem:v11+s8+$0x0] =	vst.idx.msk $0xffff, v10  }
0x1ef: {  	(v2sf) =	vpush v5, $0x2;
	v22 =	vld.idx.msk [tilespmem:v13+s29+$0x0], $0xffff  }
0x1f0: {  	(v2sf) =	vpush v6, $0x3;
	v11 =	vld.idx.msk [tilespmem:v11+s29+$0x0], $0xffff;
	_ =	sdelay $0x4  }
0x1f1: {  	v9 =	vmul.f32 v22, v9;
	v10 =	vmul.f32 v11, v10;
	_ =	sdelay $0x1  }
0x1f2: {  	v9 =	vadd.f32 v10, v9;
	_ =	sdelay $0x1  }
0x1f3: {  	(xrf2) =	vadd.scan.msk.f32 $0xffff, v9;
	_ =	sdelay $0x4  }
0x1f4: {  	s24 =	spop (v2sf)  }
0x1f5: {  	s25 =	spop (v2sf)  }
0x1f6: {  	p0 =	sgt.s32 s25, $0x1867F;
	s12 =	sadd.s32 $0xFFFE7980, s25;
	s11 =	sand.u32 $0x7F, s25  }
0x1f7: {  	s7 =	sand.u32 $0xFFFFF80, s24;
	s11 =	smov.u32 @p0 s12  }
0x1f8: {  	s4 =	simm.s32 $0x4;
	s7 =	sadd.s32 s1, s7;
	v23 =	vadd.s32 s11, v0  }
0x1f9: {  	[tilespmem:s23], [sflag:$0x3] =	stream.strided.gather [hbm4b:s7+s18], $0x1000, s20, s18, $0x38;
	v24 =	vadd.s32 s11, v2;
	v9, _, _ =	vpop (xrf2);
	[tilespmem:$0x12880] =	vst v63  }
0x1fa: {  	_ =	swait.ge [sflag:s4], $0x1000  }
0x1fb: {  	s26 =	sadd.s32 $0xFFFFFFF4, s15;
	[sflag:s4] =	ssyncset.done $0x0  }
0x1fc: {  	v25 =	vmov s26;
	s24 =	simm.s32 $0xD880;
	[sflag:s4] =	ssyncadd.s32 $0xFFFFF000  }
0x1fd: {  	v27 =	vshll.u32 v25, $0x3;
	v26 =	vld.idx.msk [tilespmem:v23+s24+$0x0], $0xffff  }
0x1fe: {  	v12 =	vand.u32 $0x73, v25;
	v14 =	vand.u32 $0xC00, v27;
	v15 =	vld.idx.msk [tilespmem:v24+s24+$0x0], $0xffff  }
0x1ff: {  	v12 =	vor.u32 v12, v14;
	v10 =	vld.idx.msk [tilespmem:v23+s16+$0x0], $0xffff  }
0x200: {  	v14 =	vor.u32 v3, v12;
	v11 =	vld.idx.msk [tilespmem:v24+s16+$0x0], $0xffff  }
0x201: {  	v12 =	vor.u32 v4, v12;
	_ =	sdelay $0x2  }
0x202: {  	v10 =	vpsel p0, v10, v26  }
0x203: {  	v11 =	vpsel p0, v11, v15;
	[tilespmem:v14+s8+$0x0] =	vst.idx.msk $0xffff, v10  }
0x204: {  	[tilespmem:v12+s8+$0x0] =	vst.idx.msk $0xffff, v11  }
0x205: {  	(v2sf) =	vpush v5, $0x3;
	v28 =	vld.idx.msk [tilespmem:v14+s29+$0x0], $0xffff  }
0x206: {  	(v2sf) =	vpush v6, $0x4;
	v12 =	vld.idx.msk [tilespmem:v12+s29+$0x0], $0xffff;
	_ =	sdelay $0x4  }
0x207: {  	v10 =	vmul.f32 v28, v10;
	v11 =	vmul.f32 v12, v11;
	_ =	sdelay $0x1  }
0x208: {  	v10 =	vadd.f32 v11, v10;
	_ =	sdelay $0x1  }
0x209: {  	(xrf2) =	vadd.scan.msk.f32 $0xffff, v10;
	_ =	sdelay $0x4  }
0x20a: {  	s28 =	spop (v2sf)  }
0x20b: {  	s9 =	spop (v2sf)  }
0x20c: {  	p0 =	sgt.s32 s9, $0x1867F;
	s12 =	sadd.s32 $0xFFFE7980, s9;
	s11 =	sand.u32 $0x7F, s9  }
0x20d: {  	s7 =	sand.u32 $0xFFFFF80, s28;
	s11 =	smov.u32 @p0 s12  }
0x20e: {  	s7 =	sadd.s32 s1, s7;
	s9 =	simm.s32 $0x5;
	v29 =	vadd.s32 s11, v0  }
0x20f: {  	[tilespmem:s24], [sflag:$0x4] =	stream.strided.gather [hbm4b:s7+s18], $0x1000, s20, s18, $0x38;
	v30 =	vadd.s32 s11, v2;
	v10, _, _ =	vpop (xrf2);
	[tilespmem:$0x12880] =	vst v63  }
0x210: {  	_ =	swait.ge [sflag:s9], $0x1000  }
0x211: {  	s25 =	sadd.s32 $0xFFFFFFF5, s15;
	[sflag:s9] =	ssyncset.done $0x0  }
0x212: {  	v31 =	vmov s25;
	s25 =	simm.s32 $0xE880;
	[sflag:s9] =	ssyncadd.s32 $0xFFFFF000  }
0x213: {  	v33 =	vshll.u32 v31, $0x3;
	v32 =	vld.idx.msk [tilespmem:v29+s25+$0x0], $0xffff  }
0x214: {  	v13 =	vand.u32 $0x74, v31;
	v15 =	vand.u32 $0xC00, v33;
	v16 =	vld.idx.msk [tilespmem:v30+s25+$0x0], $0xffff  }
0x215: {  	v13 =	vor.u32 v13, v15;
	v11 =	vld.idx.msk [tilespmem:v29+s16+$0x0], $0xffff  }
0x216: {  	v15 =	vor.u32 v3, v13;
	v12 =	vld.idx.msk [tilespmem:v30+s16+$0x0], $0xffff  }
0x217: {  	v13 =	vor.u32 v4, v13;
	_ =	sdelay $0x2  }
0x218: {  	v11 =	vpsel p0, v11, v32  }
0x219: {  	v12 =	vpsel p0, v12, v16;
	[tilespmem:v15+s8+$0x0] =	vst.idx.msk $0xffff, v11  }
0x21a: {  	[tilespmem:v13+s8+$0x0] =	vst.idx.msk $0xffff, v12  }
0x21b: {  	(v2sf) =	vpush v5, $0x4;
	v34 =	vld.idx.msk [tilespmem:v15+s29+$0x0], $0xffff  }
0x21c: {  	(v2sf) =	vpush v6, $0x5;
	v13 =	vld.idx.msk [tilespmem:v13+s29+$0x0], $0xffff;
	_ =	sdelay $0x4  }
0x21d: {  	v11 =	vmul.f32 v34, v11;
	v12 =	vmul.f32 v13, v12;
	_ =	sdelay $0x1  }
0x21e: {  	v11 =	vadd.f32 v12, v11;
	_ =	sdelay $0x1  }
0x21f: {  	(xrf2) =	vadd.scan.msk.f32 $0xffff, v11;
	_ =	sdelay $0x4  }
0x220: {  	s26 =	spop (v2sf)  }
0x221: {  	s28 =	spop (v2sf)  }
0x222: {  	p0 =	sgt.s32 s28, $0x1867F;
	s12 =	sadd.s32 $0xFFFE7980, s28;
	s11 =	sand.u32 $0x7F, s28  }
0x223: {  	s7 =	sand.u32 $0xFFFFF80, s26;
	s11 =	smov.u32 @p0 s12  }
0x224: {  	s7 =	sadd.s32 s1, s7;
	v35 =	vadd.s32 s11, v0  }
0x225: {  	[tilespmem:s25], [sflag:$0x5] =	stream.strided.gather [hbm4b:s7+s18], $0x1000, s20, s18, $0x38;
	v36 =	vadd.s32 s11, v2;
	v11, _, _ =	vpop (xrf2);
	[tilespmem:$0x12880] =	vst v63  }
0x226: {  	_ =	swait.ge [sflag:s2], $0x1000  }
0x227: {  	s26 =	sadd.s32 $0xFFFFFFF6, s15;
	[sflag:s2] =	ssyncset.done $0x0  }
0x228: {  	v37 =	vmov s26;
	s26 =	simm.s32 $0xF880;
	[sflag:s2] =	ssyncadd.s32 $0xFFFFF000  }
0x229: {  	v39 =	vshll.u32 v37, $0x3;
	v38 =	vld.idx.msk [tilespmem:v35+s26+$0x0], $0xffff  }
0x22a: {  	v14 =	vand.u32 $0x75, v37;
	v16 =	vand.u32 $0xC00, v39;
	v17 =	vld.idx.msk [tilespmem:v36+s26+$0x0], $0xffff  }
0x22b: {  	v14 =	vor.u32 v14, v16;
	v12 =	vld.idx.msk [tilespmem:v35+s16+$0x0], $0xffff  }
0x22c: {  	v16 =	vor.u32 v3, v14;
	v13 =	vld.idx.msk [tilespmem:v36+s16+$0x0], $0xffff  }
0x22d: {  	v14 =	vor.u32 v4, v14;
	_ =	sdelay $0x2  }
0x22e: {  	v12 =	vpsel p0, v12, v38  }
0x22f: {  	v13 =	vpsel p0, v13, v17;
	[tilespmem:v16+s8+$0x0] =	vst.idx.msk $0xffff, v12  }
0x230: {  	[tilespmem:v14+s8+$0x0] =	vst.idx.msk $0xffff, v13  }
0x231: {  	(v2sf) =	vpush v5, $0x5;
	v40 =	vld.idx.msk [tilespmem:v16+s29+$0x0], $0xffff  }
0x232: {  	(v2sf) =	vpush v6, $0x6;
	v14 =	vld.idx.msk [tilespmem:v14+s29+$0x0], $0xffff;
	_ =	sdelay $0x4  }
0x233: {  	v12 =	vmul.f32 v40, v12;
	v13 =	vmul.f32 v14, v13;
	_ =	sdelay $0x1  }
0x234: {  	v12 =	vadd.f32 v13, v12;
	_ =	sdelay $0x1  }
0x235: {  	(xrf2) =	vadd.scan.msk.f32 $0xffff, v12;
	_ =	sdelay $0x4  }
0x236: {  	s7 =	spop (v2sf)  }
0x237: {  	s28 =	spop (v2sf)  }
0x238: {  	p0 =	sgt.s32 s28, $0x1867F;
	s12 =	sadd.s32 $0xFFFE7980, s28;
	s11 =	sand.u32 $0x7F, s28  }
0x239: {  	s7 =	sand.u32 $0xFFFFF80, s7;
	s11 =	smov.u32 @p0 s12  }
0x23a: {  	s7 =	sadd.s32 s1, s7;
	v41 =	vadd.s32 s11, v0  }
0x23b: {  	[tilespmem:s26], [sflag:$0x6] =	stream.strided.gather [hbm4b:s7+s18], $0x1000, s20, s18, $0x38;
	v42 =	vadd.s32 s11, v2;
	v12, _, _ =	vpop (xrf2);
	[tilespmem:$0x12880] =	vst v63  }
0x23c: {  	_ =	swait.ge [sflag:s13], $0x1000  }
0x23d: {  	s28 =	sadd.s32 $0xFFFFFFF7, s15;
	[sflag:s13] =	ssyncset.done $0x0  }
0x23e: {  	v43 =	vmov s28;
	s28 =	simm.s32 $0x10880;
	[sflag:s13] =	ssyncadd.s32 $0xFFFFF000  }
0x23f: {  	v45 =	vshll.u32 v43, $0x3;
	v44 =	vld.idx.msk [tilespmem:v41+s28+$0x0], $0xffff  }
0x240: {  	v15 =	vand.u32 $0x76, v43;
	v17 =	vand.u32 $0xC00, v45;
	v18 =	vld.idx.msk [tilespmem:v42+s28+$0x0], $0xffff  }
0x241: {  	v15 =	vor.u32 v15, v17;
	v13 =	vld.idx.msk [tilespmem:v41+s16+$0x0], $0xffff  }
0x242: {  	v17 =	vor.u32 v3, v15;
	v14 =	vld.idx.msk [tilespmem:v42+s16+$0x0], $0xffff  }
0x243: {  	v15 =	vor.u32 v4, v15;
	_ =	sdelay $0x2  }
0x244: {  	v13 =	vpsel p0, v13, v44  }
0x245: {  	v14 =	vpsel p0, v14, v18;
	[tilespmem:v17+s8+$0x0] =	vst.idx.msk $0xffff, v13  }
0x246: {  	[tilespmem:v15+s8+$0x0] =	vst.idx.msk $0xffff, v14  }
0x247: {  	(v2sf) =	vpush v5, $0x6;
	v46 =	vld.idx.msk [tilespmem:v17+s29+$0x0], $0xffff  }
0x248: {  	(v2sf) =	vpush v6, $0x7;
	v15 =	vld.idx.msk [tilespmem:v15+s29+$0x0], $0xffff;
	_ =	sdelay $0x4  }
0x249: {  	v13 =	vmul.f32 v46, v13;
	v14 =	vmul.f32 v15, v14;
	_ =	sdelay $0x1  }
0x24a: {  	v13 =	vadd.f32 v14, v13;
	_ =	sdelay $0x1  }
0x24b: {  	(xrf2) =	vadd.scan.msk.f32 $0xffff, v13;
	_ =	sdelay $0x4  }
0x24c: {  	s7 =	spop (v2sf)  }
0x24d: {  	s11 =	spop (v2sf)  }
0x24e: {  	p0 =	sgt.s32 s11, $0x1867F;
	s12 =	sadd.s32 $0xFFFE7980, s11;
	s11 =	sand.u32 $0x7F, s11  }
0x24f: {  	s7 =	sand.u32 $0xFFFFF80, s7;
	s11 =	smov.u32 @p0 s12  }
0x250: {  	s7 =	sadd.s32 s1, s7;
	v47 =	vadd.s32 s11, v0  }
0x251: {  	[tilespmem:s28], [sflag:$0x7] =	stream.strided.gather [hbm4b:s7+s18], $0x1000, s20, s18, $0x38;
	v48 =	vadd.s32 s11, v2;
	v13, _, _ =	vpop (xrf2);
	[tilespmem:$0x12880] =	vst v63  }
0x252: {  	_ =	swait.ge [sflag:s6], $0x1000  }
0x253: {  	s11 =	sadd.s32 $0xFFFFFFF8, s15;
	[sflag:s6] =	ssyncset.done $0x0  }
0x254: {  	v49 =	vmov s11;
	[sflag:s6] =	ssyncadd.s32 $0xFFFFF000  }
0x255: {  	v51 =	vshll.u32 v49, $0x3;
	v50 =	vld.idx.msk [tilespmem:v47+s30+$0x0], $0xffff  }
0x256: {  	v16 =	vand.u32 $0x77, v49;
	v18 =	vand.u32 $0xC00, v51;
	v19 =	vld.idx.msk [tilespmem:v48+s30+$0x0], $0xffff  }
0x257: {  	v16 =	vor.u32 v16, v18;
	v14 =	vld.idx.msk [tilespmem:v47+s16+$0x0], $0xffff  }
0x258: {  	v18 =	vor.u32 v3, v16;
	v15 =	vld.idx.msk [tilespmem:v48+s16+$0x0], $0xffff  }
0x259: {  	v16 =	vor.u32 v4, v16;
	_ =	sdelay $0x2  }
0x25a: {  	v14 =	vpsel p0, v14, v50  }
0x25b: {  	v15 =	vpsel p0, v15, v19;
	[tilespmem:v18+s8+$0x0] =	vst.idx.msk $0xffff, v14  }
0x25c: {  	[tilespmem:v16+s8+$0x0] =	vst.idx.msk $0xffff, v15  }
0x25d: {  	(v2sf) =	vpush v5, $0x7;
	v52 =	vld.idx.msk [tilespmem:v18+s29+$0x0], $0xffff  }
0x25e: {  	(v2sf) =	vpush v6, $0x8;
	v16 =	vld.idx.msk [tilespmem:v16+s29+$0x0], $0xffff;
	_ =	sdelay $0x4  }
0x25f: {  	v14 =	vmul.f32 v52, v14;
	v15 =	vmul.f32 v16, v15;
	_ =	sdelay $0x1  }
0x260: {  	v14 =	vadd.f32 v15, v14;
	_ =	sdelay $0x1  }
0x261: {  	(xrf2) =	vadd.scan.msk.f32 $0xffff, v14;
	_ =	sdelay $0x4  }
0x262: {  	s7 =	spop (v2sf)  }
0x263: {  	s11 =	spop (v2sf)  }
0x264: {  	p0 =	sgt.s32 s11, $0x1867F;
	s12 =	sadd.s32 $0xFFFE7980, s11;
	s11 =	sand.u32 $0x7F, s11  }
0x265: {  	s7 =	sand.u32 $0xFFFFF80, s7;
	s11 =	smov.u32 @p0 s12  }
0x266: {  	s7 =	sadd.s32 s1, s7;
	v53 =	vadd.s32 s11, v0  }
0x267: {  	[tilespmem:s30], [sflag:$0x8] =	stream.strided.gather [hbm4b:s7+s18], $0x1000, s20, s18, $0x38;
	v54 =	vadd.s32 s11, v2;
	v14, _, _ =	vpop (xrf2);
	[tilespmem:$0x12880] =	vst v63  }
0x268: {  	_ =	swait.ge [sflag:s19], $0x1000  }
0x269: {  	s12 =	sadd.s32 $0xFFFFFFF9, s15;
	[sflag:s19] =	ssyncset.done $0x0  }
0x26a: {  	v55 =	vmov s12;
	[sflag:s19] =	ssyncadd.s32 $0xFFFFF000  }
0x26b: {  	v57 =	vshll.u32 v55, $0x3;
	v56 =	vld.idx.msk [tilespmem:v53+s17+$0x0], $0xffff  }
0x26c: {  	v17 =	vand.u32 $0x78, v55;
	v19 =	vand.u32 $0xC00, v57;
	v20 =	vld.idx.msk [tilespmem:v54+s17+$0x0], $0xffff  }
0x26d: {  	v17 =	vor.u32 v17, v19;
	v15 =	vld.idx.msk [tilespmem:v53+s16+$0x0], $0xffff  }
0x26e: {  	v19 =	vor.u32 v3, v17;
	v16 =	vld.idx.msk [tilespmem:v54+s16+$0x0], $0xffff  }
0x26f: {  	v17 =	vor.u32 v4, v17;
	_ =	sdelay $0x2  }
0x270: {  	v15 =	vpsel p0, v15, v56  }
0x271: {  	v16 =	vpsel p0, v16, v20;
	[tilespmem:v19+s8+$0x0] =	vst.idx.msk $0xffff, v15  }
0x272: {  	p0 =	seq.s32 s15, $0x1FF;
	[tilespmem:v17+s8+$0x0] =	vst.idx.msk $0xffff, v16  }
0x273: {  	(v2sf) =	vpush @!p0 v5, $0x8;
	v58 =	vld.idx.msk [tilespmem:v19+s29+$0x0], $0xffff  }
0x274: {  	(v2sf) =	vpush v6, $0x9;
	v17 =	vld.idx.msk [tilespmem:v17+s29+$0x0], $0xffff;
	_ =	sdelay $0x4  }
0x275: {  	v15 =	vmul.f32 v58, v15;
	v16 =	vmul.f32 v17, v16;
	_ =	sdelay $0x1  }
0x276: {  	v15 =	vadd.f32 v16, v15;
	_ =	sdelay $0x1  }
0x277: {  	(xrf2) =	vadd.scan.msk.f32 $0xffff, v15;
	_ =	sdelay $0x4  }
0x278: {  	s7 =	spop @!p0 (v2sf)  }
0x279: {  	s17 =	spop (v2sf)  }
0x27a: {  	p1 =	sgt.s32 s17, $0x1867F;
	s12 =	sadd.s32 $0xFFFE7980, s17;
	s17 =	sand.u32 $0x7F, s17  }
0x27b: {  	s11 =	simm.s32 @!p0 $0x400;
	s7 =	sand.u32 @!p0 $0xFFFFF80, s7;
	s17 =	smov.u32 @p1 s12  }
0x27c: {  	s19 =	simm.s32 @!p0 $0xA880;
	s7 =	sadd.s32 @!p0 s1, s7;
	s12 =	simm.s32 @!p0 $0xC3800;
	v59 =	vadd.s32 s17, v0  }
0x27d: {  	[tilespmem:s19], [sflag:$0x1] =	stream.strided.gather @!p0 [hbm4b:s7+s11], $0x1000, s12, s11, $0x38;
	v60 =	vadd.s32 s17, v2;
	v15, _, _ =	vpop (xrf2);
	[tilespmem:$0x12880] =	vst v63  }
0x27e: {  	_ =	swait.ge [sflag:s21], $0x1000  }
0x27f: {  	s19 =	sadd.s32 $0xFFFFFFFA, s15;
	[sflag:s21] =	ssyncset.done $0x0  }
0x280: {  	v61 =	vmov s19;
	[sflag:s21] =	ssyncadd.s32 $0xFFFFF000  }
0x281: {  	v63 =	vshll.u32 v61, $0x3;
	v62 =	vld.idx.msk [tilespmem:v59+s22+$0x0], $0xffff  }
0x282: {  	v18 =	vand.u32 $0x79, v61;
	v20 =	vand.u32 $0xC00, v63;
	v21 =	vld.idx.msk [tilespmem:v60+s22+$0x0], $0xffff  }
0x283: {  	v18 =	vor.u32 v18, v20;
	v16 =	vld.idx.msk [tilespmem:v59+s16+$0x0], $0xffff  }
0x284: {  	v20 =	vor.u32 v3, v18;
	v17 =	vld.idx.msk [tilespmem:v60+s16+$0x0], $0xffff  }
0x285: {  	v18 =	vor.u32 v4, v18;
	_ =	sdelay $0x2  }
0x286: {  	v16 =	vpsel p1, v16, v62  }
0x287: {  	v17 =	vpsel p1, v17, v21;
	[tilespmem:v20+s8+$0x0] =	vst.idx.msk $0xffff, v16  }
0x288: {  	[tilespmem:v18+s8+$0x0] =	vst.idx.msk $0xffff, v17  }
0x289: {  	(v2sf) =	vpush @!p0 v5, $0x9;
	v23 =	vld.idx.msk [tilespmem:v20+s29+$0x0], $0xffff  }
0x28a: {  	(v2sf) =	vpush v6, $0xA;
	v18 =	vld.idx.msk [tilespmem:v18+s29+$0x0], $0xffff;
	_ =	sdelay $0x4  }
0x28b: {  	v16 =	vmul.f32 v23, v16;
	v17 =	vmul.f32 v18, v17;
	_ =	sdelay $0x1  }
0x28c: {  	v16 =	vadd.f32 v17, v16;
	_ =	sdelay $0x1  }
0x28d: {  	(xrf2) =	vadd.scan.msk.f32 $0xffff, v16;
	_ =	sdelay $0x4  }
0x28e: {  	s7 =	spop @!p0 (v2sf)  }
0x28f: {  	s22 =	spop (v2sf)  }
0x290: {  	p1 =	sgt.s32 s22, $0x1867F;
	s19 =	sadd.s32 $0xFFFE7980, s22;
	s17 =	sand.u32 $0x7F, s22  }
0x291: {  	s7 =	sand.u32 @!p0 $0xFFFFF80, s7;
	s17 =	smov.u32 @p1 s19  }
0x292: {  	s7 =	sadd.s32 @!p0 s1, s7;
	s19 =	simm.s32 @!p0 $0xB880;
	v24 =	vadd.s32 s17, v0  }
0x293: {  	[tilespmem:s19], [sflag:$0x2] =	stream.strided.gather @!p0 [hbm4b:s7+s11], $0x1000, s12, s11, $0x38;
	v25 =	vadd.s32 s17, v2;
	v16, _, _ =	vpop (xrf2);
	[tilespmem:$0x12880] =	vst v63  }
0x294: {  	_ =	swait.ge [sflag:s3], $0x1000  }
0x295: {  	s22 =	sadd.s32 $0xFFFFFFFB, s15;
	[sflag:s3] =	ssyncset.done $0x0  }
0x296: {  	v26 =	vmov s22;
	[sflag:s3] =	ssyncadd.s32 $0xFFFFF000  }
0x297: {  	v28 =	vshll.u32 v26, $0x3;
	v27 =	vld.idx.msk [tilespmem:v24+s23+$0x0], $0xffff  }
0x298: {  	v19 =	vand.u32 $0x7A, v26;
	v21 =	vand.u32 $0xC00, v28;
	v22 =	vld.idx.msk [tilespmem:v25+s23+$0x0], $0xffff  }
0x299: {  	v19 =	vor.u32 v19, v21;
	v17 =	vld.idx.msk [tilespmem:v24+s16+$0x0], $0xffff  }
0x29a: {  	v21 =	vor.u32 v3, v19;
	v18 =	vld.idx.msk [tilespmem:v25+s16+$0x0], $0xffff  }
0x29b: {  	v19 =	vor.u32 v4, v19;
	_ =	sdelay $0x2  }
0x29c: {  	v17 =	vpsel p1, v17, v27  }
0x29d: {  	v18 =	vpsel p1, v18, v22;
	[tilespmem:v21+s8+$0x0] =	vst.idx.msk $0xffff, v17  }
0x29e: {  	[tilespmem:v19+s8+$0x0] =	vst.idx.msk $0xffff, v18  }
0x29f: {  	(v2sf) =	vpush @!p0 v5, $0xA;
	v29 =	vld.idx.msk [tilespmem:v21+s29+$0x0], $0xffff  }
0x2a0: {  	(v2sf) =	vpush v6, $0xB;
	v19 =	vld.idx.msk [tilespmem:v19+s29+$0x0], $0xffff;
	_ =	sdelay $0x4  }
0x2a1: {  	v17 =	vmul.f32 v29, v17;
	v18 =	vmul.f32 v19, v18;
	_ =	sdelay $0x1  }
0x2a2: {  	v17 =	vadd.f32 v18, v17;
	_ =	sdelay $0x1  }
0x2a3: {  	(xrf2) =	vadd.scan.msk.f32 $0xffff, v17;
	_ =	sdelay $0x4  }
0x2a4: {  	s7 =	spop @!p0 (v2sf)  }
0x2a5: {  	s23 =	spop (v2sf)  }
0x2a6: {  	p1 =	sgt.s32 s23, $0x1867F;
	s19 =	sadd.s32 $0xFFFE7980, s23;
	s17 =	sand.u32 $0x7F, s23  }
0x2a7: {  	s7 =	sand.u32 @!p0 $0xFFFFF80, s7;
	s17 =	smov.u32 @p1 s19  }
0x2a8: {  	s7 =	sadd.s32 @!p0 s1, s7;
	s19 =	simm.s32 @!p0 $0xC880;
	v30 =	vadd.s32 s17, v0  }
0x2a9: {  	[tilespmem:s19], [sflag:$0x3] =	stream.strided.gather @!p0 [hbm4b:s7+s11], $0x1000, s12, s11, $0x38;
	v31 =	vadd.s32 s17, v2;
	v17, _, _ =	vpop (xrf2);
	[tilespmem:$0x12880] =	vst v63  }
0x2aa: {  	_ =	swait.ge [sflag:s4], $0x1000  }
0x2ab: {  	s3 =	sadd.s32 $0xFFFFFFFC, s15;
	[sflag:s4] =	ssyncset.done $0x0  }
0x2ac: {  	v32 =	vmov s3;
	[sflag:s4] =	ssyncadd.s32 $0xFFFFF000  }
0x2ad: {  	v34 =	vshll.u32 v32, $0x3;
	v33 =	vld.idx.msk [tilespmem:v30+s24+$0x0], $0xffff  }
0x2ae: {  	v20 =	vand.u32 $0x7B, v32;
	v22 =	vand.u32 $0xC00, v34;
	v23 =	vld.idx.msk [tilespmem:v31+s24+$0x0], $0xffff  }
0x2af: {  	v20 =	vor.u32 v20, v22;
	v18 =	vld.idx.msk [tilespmem:v30+s16+$0x0], $0xffff  }
0x2b0: {  	v22 =	vor.u32 v3, v20;
	v19 =	vld.idx.msk [tilespmem:v31+s16+$0x0], $0xffff  }
0x2b1: {  	v20 =	vor.u32 v4, v20;
	_ =	sdelay $0x2  }
0x2b2: {  	v18 =	vpsel p1, v18, v33  }
0x2b3: {  	v19 =	vpsel p1, v19, v23;
	[tilespmem:v22+s8+$0x0] =	vst.idx.msk $0xffff, v18  }
0x2b4: {  	[tilespmem:v20+s8+$0x0] =	vst.idx.msk $0xffff, v19  }
0x2b5: {  	(v2sf) =	vpush @!p0 v5, $0xB;
	v35 =	vld.idx.msk [tilespmem:v22+s29+$0x0], $0xffff  }
0x2b6: {  	(v2sf) =	vpush v6, $0xC;
	v20 =	vld.idx.msk [tilespmem:v20+s29+$0x0], $0xffff;
	_ =	sdelay $0x4  }
0x2b7: {  	v18 =	vmul.f32 v35, v18;
	v19 =	vmul.f32 v20, v19;
	_ =	sdelay $0x1  }
0x2b8: {  	v18 =	vadd.f32 v19, v18;
	_ =	sdelay $0x1  }
0x2b9: {  	(xrf2) =	vadd.scan.msk.f32 $0xffff, v18;
	_ =	sdelay $0x4  }
0x2ba: {  	s7 =	spop @!p0 (v2sf)  }
0x2bb: {  	s4 =	spop (v2sf)  }
0x2bc: {  	p1 =	sgt.s32 s4, $0x1867F;
	s19 =	sadd.s32 $0xFFFE7980, s4;
	s17 =	sand.u32 $0x7F, s4  }
0x2bd: {  	s7 =	sand.u32 @!p0 $0xFFFFF80, s7;
	s17 =	smov.u32 @p1 s19  }
0x2be: {  	s7 =	sadd.s32 @!p0 s1, s7;
	s19 =	simm.s32 @!p0 $0xD880;
	v36 =	vadd.s32 s17, v0  }
0x2bf: {  	[tilespmem:s19], [sflag:$0x4] =	stream.strided.gather @!p0 [hbm4b:s7+s11], $0x1000, s12, s11, $0x38;
	v37 =	vadd.s32 s17, v2;
	v18, _, _ =	vpop (xrf2);
	[tilespmem:$0x12880] =	vst v63  }
0x2c0: {  	_ =	swait.ge [sflag:s9], $0x1000  }
0x2c1: {  	s24 =	sadd.s32 $0xFFFFFFFD, s15;
	[sflag:s9] =	ssyncset.done $0x0  }
0x2c2: {  	v38 =	vmov s24;
	[sflag:s9] =	ssyncadd.s32 $0xFFFFF000  }
0x2c3: {  	v40 =	vshll.u32 v38, $0x3;
	v39 =	vld.idx.msk [tilespmem:v36+s25+$0x0], $0xffff  }
0x2c4: {  	v21 =	vand.u32 $0x7C, v38;
	v23 =	vand.u32 $0xC00, v40;
	v24 =	vld.idx.msk [tilespmem:v37+s25+$0x0], $0xffff  }
0x2c5: {  	v21 =	vor.u32 v21, v23;
	v19 =	vld.idx.msk [tilespmem:v36+s16+$0x0], $0xffff  }
0x2c6: {  	v23 =	vor.u32 v3, v21;
	v20 =	vld.idx.msk [tilespmem:v37+s16+$0x0], $0xffff  }
0x2c7: {  	v21 =	vor.u32 v4, v21;
	_ =	sdelay $0x2  }
0x2c8: {  	v19 =	vpsel p1, v19, v39  }
0x2c9: {  	v20 =	vpsel p1, v20, v24;
	[tilespmem:v23+s8+$0x0] =	vst.idx.msk $0xffff, v19  }
0x2ca: {  	[tilespmem:v21+s8+$0x0] =	vst.idx.msk $0xffff, v20  }
0x2cb: {  	(v2sf) =	vpush @!p0 v5, $0xC;
	v41 =	vld.idx.msk [tilespmem:v23+s29+$0x0], $0xffff  }
0x2cc: {  	(v2sf) =	vpush v6, $0xD;
	v21 =	vld.idx.msk [tilespmem:v21+s29+$0x0], $0xffff;
	_ =	sdelay $0x4  }
0x2cd: {  	v19 =	vmul.f32 v41, v19;
	v20 =	vmul.f32 v21, v20;
	_ =	sdelay $0x1  }
0x2ce: {  	v19 =	vadd.f32 v20, v19;
	_ =	sdelay $0x1  }
0x2cf: {  	(xrf2) =	vadd.scan.msk.f32 $0xffff, v19;
	_ =	sdelay $0x4  }
0x2d0: {  	s7 =	spop @!p0 (v2sf)  }
0x2d1: {  	s3 =	spop (v2sf)  }
0x2d2: {  	p1 =	sgt.s32 s3, $0x1867F;
	s19 =	sadd.s32 $0xFFFE7980, s3;
	s17 =	sand.u32 $0x7F, s3  }
0x2d3: {  	s7 =	sand.u32 @!p0 $0xFFFFF80, s7;
	s17 =	smov.u32 @p1 s19  }
0x2d4: {  	s7 =	sadd.s32 @!p0 s1, s7;
	s19 =	simm.s32 @!p0 $0xE880;
	v42 =	vadd.s32 s17, v0  }
0x2d5: {  	[tilespmem:s19], [sflag:$0x5] =	stream.strided.gather @!p0 [hbm4b:s7+s11], $0x1000, s12, s11, $0x38;
	v43 =	vadd.s32 s17, v2;
	v19, _, _ =	vpop (xrf2);
	[tilespmem:$0x12880] =	vst v63  }
0x2d6: {  	_ =	swait.ge [sflag:s2], $0x1000  }
0x2d7: {  	s4 =	sadd.s32 $0xFFFFFFFE, s15;
	[sflag:s2] =	ssyncset.done $0x0  }
0x2d8: {  	v44 =	vmov s4;
	[sflag:s2] =	ssyncadd.s32 $0xFFFFF000  }
0x2d9: {  	v46 =	vshll.u32 v44, $0x3;
	v45 =	vld.idx.msk [tilespmem:v42+s26+$0x0], $0xffff  }
0x2da: {  	v22 =	vand.u32 $0x7D, v44;
	v24 =	vand.u32 $0xC00, v46;
	v25 =	vld.idx.msk [tilespmem:v43+s26+$0x0], $0xffff  }
0x2db: {  	v22 =	vor.u32 v22, v24;
	v20 =	vld.idx.msk [tilespmem:v42+s16+$0x0], $0xffff  }
0x2dc: {  	v24 =	vor.u32 v3, v22;
	v21 =	vld.idx.msk [tilespmem:v43+s16+$0x0], $0xffff  }
0x2dd: {  	v22 =	vor.u32 v4, v22;
	_ =	sdelay $0x2  }
0x2de: {  	v20 =	vpsel p1, v20, v45  }
0x2df: {  	v21 =	vpsel p1, v21, v25;
	[tilespmem:v24+s8+$0x0] =	vst.idx.msk $0xffff, v20  }
0x2e0: {  	[tilespmem:v22+s8+$0x0] =	vst.idx.msk $0xffff, v21  }
0x2e1: {  	(v2sf) =	vpush @!p0 v5, $0xD;
	v47 =	vld.idx.msk [tilespmem:v24+s29+$0x0], $0xffff  }
0x2e2: {  	(v2sf) =	vpush v6, $0xE;
	v22 =	vld.idx.msk [tilespmem:v22+s29+$0x0], $0xffff;
	_ =	sdelay $0x4  }
0x2e3: {  	v20 =	vmul.f32 v47, v20;
	v21 =	vmul.f32 v22, v21;
	_ =	sdelay $0x1  }
0x2e4: {  	v20 =	vadd.f32 v21, v20;
	_ =	sdelay $0x1  }
0x2e5: {  	(xrf2) =	vadd.scan.msk.f32 $0xffff, v20;
	_ =	sdelay $0x4  }
0x2e6: {  	s7 =	spop @!p0 (v2sf)  }
0x2e7: {  	s9 =	spop (v2sf)  }
0x2e8: {  	p1 =	sgt.s32 s9, $0x1867F;
	s19 =	sadd.s32 $0xFFFE7980, s9;
	s17 =	sand.u32 $0x7F, s9  }
0x2e9: {  	s7 =	sand.u32 @!p0 $0xFFFFF80, s7;
	s17 =	smov.u32 @p1 s19  }
0x2ea: {  	s7 =	sadd.s32 @!p0 s1, s7;
	s19 =	simm.s32 @!p0 $0xF880;
	v48 =	vadd.s32 s17, v0  }
0x2eb: {  	[tilespmem:s19], [sflag:$0x6] =	stream.strided.gather @!p0 [hbm4b:s7+s11], $0x1000, s12, s11, $0x38;
	v50 =	vadd.s32 s17, v2;
	v49, _, _ =	vpop (xrf2);
	[tilespmem:$0x12880] =	vst v63  }
0x2ec: {  	_ =	swait.ge [sflag:s13], $0x1000  }
0x2ed: {  	s26 =	sadd.s32 $0xFFFFFFFF, s15;
	[sflag:s13] =	ssyncset.done $0x0  }
0x2ee: {  	v51 =	vmov s26;
	[sflag:s13] =	ssyncadd.s32 $0xFFFFF000  }
0x2ef: {  	v53 =	vshll.u32 v51, $0x3;
	v52 =	vld.idx.msk [tilespmem:v48+s28+$0x0], $0xffff  }
0x2f0: {  	v23 =	vand.u32 $0x7E, v51;
	v25 =	vand.u32 $0xC00, v53;
	v26 =	vld.idx.msk [tilespmem:v50+s28+$0x0], $0xffff  }
0x2f1: {  	v23 =	vor.u32 v23, v25;
	v20 =	vld.idx.msk [tilespmem:v48+s16+$0x0], $0xffff  }
0x2f2: {  	v25 =	vor.u32 v3, v23;
	v22 =	vld.idx.msk [tilespmem:v50+s16+$0x0], $0xffff  }
0x2f3: {  	v23 =	vor.u32 v4, v23;
	_ =	sdelay $0x2  }
0x2f4: {  	v20 =	vpsel p1, v20, v52  }
0x2f5: {  	v22 =	vpsel p1, v22, v26;
	[tilespmem:v25+s8+$0x0] =	vst.idx.msk $0xffff, v20  }
0x2f6: {  	[tilespmem:v23+s8+$0x0] =	vst.idx.msk $0xffff, v22  }
0x2f7: {  	(v2sf) =	vpush @!p0 v5, $0xE;
	v54 =	vld.idx.msk [tilespmem:v25+s29+$0x0], $0xffff  }
0x2f8: {  	(v2sf) =	vpush v6, $0xF;
	v23 =	vld.idx.msk [tilespmem:v23+s29+$0x0], $0xffff;
	_ =	sdelay $0x4  }
0x2f9: {  	v6 =	vmul.f32 v54, v20;
	v55 =	vmul.f32 v23, v22;
	_ =	sdelay $0x1  }
0x2fa: {  	v6 =	vadd.f32 v55, v6;
	_ =	sdelay $0x1  }
0x2fb: {  	(xrf2) =	vadd.scan.msk.f32 $0xffff, v6;
	_ =	sdelay $0x4  }
0x2fc: {  	s7 =	spop @!p0 (v2sf)  }
0x2fd: {  	s28 =	spop (v2sf)  }
0x2fe: {  	p1 =	sgt.s32 s28, $0x1867F;
	s19 =	sadd.s32 $0xFFFE7980, s28;
	s17 =	sand.u32 $0x7F, s28  }
0x2ff: {  	s7 =	sand.u32 @!p0 $0xFFFFF80, s7;
	s17 =	smov.u32 @p1 s19  }
0x300: {  	s7 =	sadd.s32 @!p0 s1, s7;
	s19 =	simm.s32 @!p0 $0x10880;
	v6 =	vadd.s32 s17, v0  }
0x301: {  	[tilespmem:s19], [sflag:$0x7] =	stream.strided.gather @!p0 [hbm4b:s7+s11], $0x1000, s12, s11, $0x38;
	v56 =	vadd.s32 s17, v2;
	v57, _, _ =	vpop (xrf2);
	[tilespmem:$0x12880] =	vst v63  }
0x302: {  	_ =	swait.ge [sflag:s6], $0x1000  }
0x303: {  	[sflag:s6] =	ssyncset.done $0x0  }
0x304: {  	v58 =	vmov s15;
	[sflag:s6] =	ssyncadd.s32 $0xFFFFF000  }
0x305: {  	v60 =	vshll.u32 v58, $0x3;
	v59 =	vld.idx.msk [tilespmem:v6+s30+$0x0], $0xffff  }
0x306: {  	v25 =	vand.u32 $0xC00, v60;
	v23 =	vand.u32 $0x7F, v58;
	v61 =	vld.idx.msk [tilespmem:v56+s30+$0x0], $0xffff  }
0x307: {  	v23 =	vor.u32 v23, v25;
	v6 =	vld.idx.msk [tilespmem:v6+s16+$0x0], $0xffff  }
0x308: {  	v25 =	vor.u32 v3, v23;
	v20 =	vld.idx.msk [tilespmem:v56+s16+$0x0], $0xffff  }
0x309: {  	v23 =	vor.u32 v4, v23;
	_ =	sdelay $0x2  }
0x30a: {  	v6 =	vpsel p1, v6, v59  }
0x30b: {  	v20 =	vpsel p1, v20, v61;
	[tilespmem:v25+s8+$0x0] =	vst.idx.msk $0xffff, v6  }
0x30c: {  	[tilespmem:v23+s8+$0x0] =	vst.idx.msk $0xffff, v20  }
0x30d: {  	v62 =	vld.idx.msk [tilespmem:v25+s29+$0x0], $0xffff  }
0x30e: {  	v23 =	vld.idx.msk [tilespmem:v23+s29+$0x0], $0xffff;
	_ =	sdelay $0x2  }
0x30f: {  	v7 =	vbroadcast v7, $0xF  }
0x310: {  	v8 =	vbroadcast v8, $0xF;
	v9 =	vbroadcast v9, $0xF  }
0x311: {  	v6 =	vmul.f32 v62, v6;
	v20 =	vmul.f32 v23, v20  }
0x312: {  	v7 =	vsel vm6, v7, v8;
	v8 =	vbroadcast v10, $0xF  }
0x313: {  	v7 =	vsel vm7, v7, v9;
	v63 =	vbroadcast v11, $0xF;
	v6 =	vadd.f32 v20, v6  }
0x314: {  	v7 =	vsel vm8, v7, v8;
	v8 =	vbroadcast v12, $0xF  }
0x315: {  	v7 =	vsel vm9, v7, v63;
	(xrf2) =	vadd.scan.msk.f32 $0xffff, v6;
	v6 =	vbroadcast v13, $0xF  }
0x316: {  	v7 =	vsel vm10, v7, v8;
	v8 =	vbroadcast v14, $0xF  }
0x317: {  	v6 =	vsel vm11, v7, v6;
	v7 =	vbroadcast v15, $0xF  }
0x318: {  	vm13 =	vmmov $0xff;
	v6 =	vsel vm12, v6, v8;
	v8 =	vbroadcast v16, $0xF  }
0x319: {  	v6 =	vsel vm13, v6, v7;
	v7 =	vbroadcast v17, $0xF  }
0x31a: {  	v6 =	vsel vm0, v8, v6;
	v8 =	vbroadcast v18, $0xF  }
0x31b: {  	v6 =	vsel vm1, v7, v6;
	v7 =	vbroadcast v19, $0xF  }
0x31c: {  	v6 =	vsel vm2, v8, v6  }
0x31d: {  	v6 =	vsel vm3, v7, v6;
	v7 =	vbroadcast v57, $0xF  }
.Ltmp6:
0x31e: {  	v8 =	vbroadcast v49, $0xF;
	(pc) =	sbr.rel @p0 .LBB2_11-.Ltmp6, $4  }
0x31f: {  	_ = 	snop  }
0x320: {  	s20 =	simm.s32 $0xA880;
	s21 =	simm.s32 $0xB880;
	v6 =	vsel vm4, v8, v6  }
0x321: {  	s22 =	simm.s32 $0xC880;
	s23 =	simm.s32 $0xD880;
	s24 =	simm.s32 $0xE880;
	vm13 =	vmmov $0x7fff;
	v6 =	vsel vm5, v7, v6;
	v7, _, _ =	vpop (xrf2)  }
0x322: {  	s25 =	simm.s32 $0xF880;
	s26 =	simm.s32 $0x10880;
	s17 =	simm.s32 $0x11880;
	v6 =	vsel vm13, v6, v7  }
0x323: {  	(v2sf) =	vpush v5, $0xF;
	_ =	sdelay $0xe  }
0x324: {  	s7 =	spop (v2sf)  }
.Ltmp7:
0x325: {  	s7 =	sand.u32 $0xFFFFF80, s7;
	(pc) =	sbr.rel .LBB2_9-.Ltmp7, $4  }
0x326: {  	s4 =	rddreg [dreg:$0x11];
	s15 =	sadd.s32 $0x10, s15;
	s7 =	sadd.s32 s1, s7  }
0x327: {  	[tilespmem:s17], [sflag:$0x8] =	stream.strided.gather [hbm4b:s7+s18], $0x1000, s31, s18, $0x38;
	[tilespmem:$0x12880] =	vst v63  }
0x328: {  	s3 =	sadd.s32 $0x10, s10;
	s5 =	sadd.s32 $0x10, s5;
	[tilespmem:s4+$0x0] =	vst v6;
	s4 =	sadd.s32 $0x10, s4  }
0x329: {  	s30 =	simm.s32 $0x11880;
	s20 =	simm.s32 $0xC3800;
	[dreg:$0x11] =	wrdreg s4  }
.LBB2_12:
0x32a: {  	_ =	sfence.sel $0x180000  }
0x32b: {  	[bflag:$0x0] =	sbarrier.arrive $0xFFFF  }
0x32c: {  	_ =	strace $0x90000047  }
0x32d: {  	s0 =	stileid.u32;
	[bflag:$0x2] =	sbarrier.arrive $0xFFFF  }
0x32e: {  	p0 =	sne.s32 s0, $0x0;
	s0 =	rddreg [dreg:$0x8]  }
0x32f: {  	s0 =	sadd.s32 @!p0 $0x100000, s0  }
0x330: {  	[sflag:s0] =	ssyncadd.tile.s32 @!p0 $0x1;
	_ =	shalt  }
.Lfunc_end2:
_tile_overlayer_lowered:
.L_overlay_start_2:
0x331: {  	(tag) =	ssettag $0x2  }
0x332: {  	s0 =	rddreg [dreg:$0x0];
	s2 =	stileid.u32  }
0x333: {  	s1 =	rddreg [dreg:$0x1];
	p0 =	sne.s32 s2, $0x0  }
0x334: {  	s3 =	rddreg [dreg:$0x2];
	[bflag:$0x3] =	sbarrier.arrive $0xFFFF;
	s2 =	simm.s32 @!p0 $0x1C09  }
0x335: {  	[timem:s3], [sflag:s2] =	dma.local @!p0 [hbm:s0], s1  }
0x336: {  	s0 =	simm.s32 @!p0 $0x9  }
0x337: {  	_ =	swait.ge @!p0 [sflag:s0], s1  }
0x338: {  	s1 =	ssub.s32 @!p0 $0x0, s1;
	[sflag:s0] =	ssyncset.done @!p0 $0x0  }
0x339: {  	[sflag:s0] =	ssyncadd.s32 @!p0 s1  }
0x33a: {  	[bflag:$0x3] =	sbarrier.arrive $0xFFFF  }
0x33b: {  	_ =	shalt  }

</sc_bundles>
